<compile_context>
chip_gen: v7x
topology: tpu7x:2x2x1
jax: 0.10.2.dev20260603
libtpu: 0.0.44.dev20260713+nightly
codegen_flags: <defaults>
</compile_context>

<pallas_src>
import jax
import jax.numpy as jnp
from jax import lax
from jax.experimental import pallas as pl
from jax.experimental.pallas import tpu as pltpu
from jax.experimental.pallas import tpu_sc as plsc

_N = 16384
_D = 128
_P = 262144
_M1 = 1.0
_M2 = 0.5
_M3 = 0.5

_BR = 128
_NB = _N // _BR
_GROWS = (_NB + 1) * _BR


def _gram_body(e1_ref, e2_ref, e_all_ref, g_ref, acc1_ref, acc2_ref):
    r = pl.program_id(0)
    acc1_ref[...] = lax.dot_general(
        e1_ref[...], e_all_ref[...], (((1,), (1,)), ((), ())),
        preferred_element_type=jnp.float32)
    acc2_ref[...] = lax.dot_general(
        e2_ref[...], e_all_ref[...], (((1,), (1,)), ((), ())),
        preferred_element_type=jnp.float32)

    def pack(chunk):
        bits = lax.bitcast_convert_type(chunk, jnp.int32) + 0x8000
        lo = (bits[0:_BR // 2, :] >> 16) & 0xFFFF
        hi = bits[_BR // 2:, :] & jnp.int32(-65536)
        return hi | lo

    def chunk1(cb, _):
        g_ref[pl.ds((cb - r) * (_BR // 2), _BR // 2), :] = pack(
            acc1_ref[:, pl.ds(cb * _D, _D)])
        return 0

    def chunk2(cb, _):
        g_ref[pl.ds((cb + 1) * (_BR // 2), _BR // 2), :] = pack(
            acc2_ref[:, pl.ds(cb * _D, _D)])
        return 0

    lax.fori_loop(r, _NB, chunk1, 0)
    lax.fori_loop(_NB - 1 - r, _NB, chunk2, 0)


def _gram(e):
    return pl.pallas_call(
        _gram_body,
        grid=(_NB // 2,),
        in_specs=[
            pl.BlockSpec((_BR, _D), lambda i: (i, 0)),
            pl.BlockSpec((_BR, _D), lambda i: (_NB - 1 - i, 0)),
            pl.BlockSpec((_N, _D), lambda i: (0, 0)),
        ],
        out_specs=[
            pl.BlockSpec((_GROWS // 2, _D), lambda i: (i, 0)),
        ],
        out_shape=[
            jax.ShapeDtypeStruct((_NB // 2 * _GROWS // 2, _D), jnp.int32),
        ],
        scratch_shapes=[pltpu.VMEM((_BR, _N), jnp.float32),
                        pltpu.VMEM((_BR, _N), jnp.float32)],
        compiler_params=pltpu.CompilerParams(
            dimension_semantics=("arbitrary",)),
    )(e, e, e)[0]


def _norms_body(e_ref, nrm_ref):
    e = e_ref[...]
    nrm_ref[...] = jnp.sum(e * e, axis=1, keepdims=True)


def _norms(e):
    return pl.pallas_call(
        _norms_body,
        out_shape=jax.ShapeDtypeStruct((_N, 1), jnp.float32),
    )(e)


_NC = 2
_NS = 16
_NW = _NC * _NS
_S = _P // _NW
_GSUB = 128
_NSUB = _S // _GSUB


def _sc_body(g_hbm, pos_hbm, neg_hbm, opp_hbm, onp_hbm, trip_hbm, nrm_hbm,
             out_hbm, nrm_v, idx_v, gia_v, gib_v, gva_v, gvb_v,
             nsa_v, nsb_v, ssa_v, ssb_v, sem):
    wid = lax.axis_index("s") * _NC + lax.axis_index("c")
    base = wid * _S

    pltpu.sync_copy(nrm_hbm, nrm_v)

    def gflat(a, b):
        x = jnp.minimum(a, b)
        y = jnp.maximum(a, b)
        rb = x >> 7
        cb = y >> 7
        lo = rb < (_NB // 2)
        r = jnp.where(lo, rb, _NB - 1 - rb)
        slot = jnp.where(lo, cb - rb, cb + 1)
        off = (r * (_GROWS // 2 * _D) + (slot << 13)
               + ((x & 63) << 7) + (y & 127))
        shamt = (64 - (x & 64)) >> 2
        return off, shamt

    def build_pair(j, _):
        a = idx_v[pl.ds(j * 16, 16)]
        b = idx_v[pl.ds(_S + j * 16, 16)]
        off, sh = gflat(a, b)
        gia_v[j // 8, pl.ds((j % 8) * 16, 16)] = off
        ssa_v[j // 8, pl.ds((j % 8) * 16, 16)] = sh
        nsa_v[j // 8, pl.ds((j % 8) * 16, 16)] = (
            plsc.load_gather(nrm_v, [a]) + plsc.load_gather(nrm_v, [b]))

        @pl.when(j % 8 == 7)
        def _():
            t = j // 8
            pltpu.async_copy(g_hbm.at[gia_v.at[t]], gva_v.at[t], sem)

        return 0

    def fin_a(j, _):
        w = gva_v[j // 8, pl.ds((j % 8) * 16, 16)]
        sh = ssa_v[j // 8, pl.ds((j % 8) * 16, 16)]
        g = plsc.bitcast((w << sh) & jnp.int32(-65536), jnp.float32)
        nsa_v[j // 8, pl.ds((j % 8) * 16, 16)] = (
            nsa_v[j // 8, pl.ds((j % 8) * 16, 16)] - 2.0 * g)
        return 0

    def fin_b(j, _):
        w = gvb_v[j // 8, pl.ds((j % 8) * 16, 16)]
        sh = ssb_v[j // 8, pl.ds((j % 8) * 16, 16)]
        g = plsc.bitcast((w << sh) & jnp.int32(-65536), jnp.float32)
        nsb_v[j // 8, pl.ds((j % 8) * 16, 16)] = (
            nsb_v[j // 8, pl.ds((j % 8) * 16, 16)] - 2.0 * g)
        return 0

    def drain_a(t, _):
        pltpu.make_async_copy(g_hbm.at[gia_v.at[t]], gva_v.at[t], sem).wait()
        return 0

    def drain_b(t, _):
        pltpu.make_async_copy(g_hbm.at[gib_v.at[t]], gvb_v.at[t], sem).wait()
        return 0

    src_off = pl.multiple_of(base, 8)
    dst_base = wid * _NSUB

    for s, ref in enumerate((pos_hbm, neg_hbm, opp_hbm, onp_hbm)):
        pltpu.sync_copy(ref.at[pl.ds(src_off, _S)], idx_v.at[pl.ds(0, _S)])
        pltpu.sync_copy(ref.at[pl.ds(_P + src_off, _S)],
                        idx_v.at[pl.ds(_S, _S)])
        lax.fori_loop(0, _S // 16, build_pair, 0)
        lax.fori_loop(0, _NSUB, drain_a, 0)
        lax.fori_loop(0, _S // 16, fin_a, 0)
        dst = pl.multiple_of(s * (_P // _GSUB) + dst_base, 8)
        pltpu.sync_copy(nsa_v, out_hbm.at[pl.ds(dst, _NSUB), :])

    def build_trip(j, _):
        a = idx_v[pl.ds(j * 16, 16)]
        p = idx_v[pl.ds(_S + j * 16, 16)]
        n = idx_v[pl.ds(2 * _S + j * 16, 16)]
        off_p, sh_p = gflat(a, p)
        off_n, sh_n = gflat(a, n)
        gia_v[j // 8, pl.ds((j % 8) * 16, 16)] = off_p
        ssa_v[j // 8, pl.ds((j % 8) * 16, 16)] = sh_p
        gib_v[j // 8, pl.ds((j % 8) * 16, 16)] = off_n
        ssb_v[j // 8, pl.ds((j % 8) * 16, 16)] = sh_n
        na = plsc.load_gather(nrm_v, [a])
        nsa_v[j // 8, pl.ds((j % 8) * 16, 16)] = (
            na + plsc.load_gather(nrm_v, [p]))
        nsb_v[j // 8, pl.ds((j % 8) * 16, 16)] = (
            na + plsc.load_gather(nrm_v, [n]))

        @pl.when(j % 8 == 7)
        def _():
            t = j // 8
            pltpu.async_copy(g_hbm.at[gia_v.at[t]], gva_v.at[t], sem)
            pltpu.async_copy(g_hbm.at[gib_v.at[t]], gvb_v.at[t], sem)

        return 0

    pltpu.sync_copy(trip_hbm.at[pl.ds(src_off, _S)], idx_v.at[pl.ds(0, _S)])
    pltpu.sync_copy(trip_hbm.at[pl.ds(_P + src_off, _S)],
                    idx_v.at[pl.ds(_S, _S)])
    pltpu.sync_copy(trip_hbm.at[pl.ds(2 * _P + src_off, _S)],
                    idx_v.at[pl.ds(2 * _S, _S)])
    lax.fori_loop(0, _S // 16, build_trip, 0)
    lax.fori_loop(0, _NSUB, drain_a, 0)
    lax.fori_loop(0, _NSUB, drain_b, 0)
    lax.fori_loop(0, _S // 16, fin_a, 0)
    lax.fori_loop(0, _S // 16, fin_b, 0)
    dst = pl.multiple_of(4 * (_P // _GSUB) + dst_base, 8)
    pltpu.sync_copy(nsa_v, out_hbm.at[pl.ds(dst, _NSUB), :])
    dst = pl.multiple_of(5 * (_P // _GSUB) + dst_base, 8)
    pltpu.sync_copy(nsb_v, out_hbm.at[pl.ds(dst, _NSUB), :])


def _sc_stage(g_flat, pos, neg, opp, onp, trip, nrm):
    mesh = plsc.VectorSubcoreMesh(core_axis_name="c", subcore_axis_name="s")
    return pl.kernel(
        _sc_body,
        out_type=jax.ShapeDtypeStruct((6 * _P // _GSUB, _GSUB), jnp.float32),
        mesh=mesh,
        scratch_types=[
            pltpu.VMEM((_N,), jnp.float32),
            pltpu.VMEM((3 * _S,), jnp.int32),
            pltpu.VMEM((_NSUB, _GSUB), jnp.int32),
            pltpu.VMEM((_NSUB, _GSUB), jnp.int32),
            pltpu.VMEM((_NSUB, _GSUB), jnp.int32),
            pltpu.VMEM((_NSUB, _GSUB), jnp.int32),
            pltpu.VMEM((_NSUB, _GSUB), jnp.float32),
            pltpu.VMEM((_NSUB, _GSUB), jnp.float32),
            pltpu.VMEM((_NSUB, _GSUB), jnp.int32),
            pltpu.VMEM((_NSUB, _GSUB), jnp.int32),
            pltpu.SemaphoreType.DMA,
        ],
        compiler_params=pltpu.CompilerParams(needs_layout_passes=False),
    )(g_flat, pos, neg, opp, onp, trip, nrm)


_BC = 16384


def _reduce_body(d2_ref, tot_ref, cnt_ref):
    i = pl.program_id(0)
    d = jnp.sqrt(jnp.maximum(d2_ref[...], 0.0) + 1e-12)
    l1 = jnp.maximum(d[0:1, :] - d[1:2, :] + _M1, 0.0)
    l2 = jnp.maximum(_M2 - d[2:3, :], 0.0)
    l3 = jnp.maximum(_M3 - d[3:4, :], 0.0)
    l4 = jnp.maximum(d[4:5, :] - d[5:6, :] + _M2 + _M3, 0.0)
    s = jnp.sum(l1) + jnp.sum(l2) + jnp.sum(l3) + jnp.sum(l4)
    c = (jnp.sum((l1 > 0).astype(jnp.float32))
         + jnp.sum((l2 > 0).astype(jnp.float32))
         + jnp.sum((l3 > 0).astype(jnp.float32))
         + jnp.sum((l4 > 0).astype(jnp.float32)))

    @pl.when(i == 0)
    def _():
        tot_ref[...] = jnp.zeros((1, 1), jnp.float32)
        cnt_ref[...] = jnp.zeros((1, 1), jnp.float32)

    tot_ref[...] += jnp.reshape(s, (1, 1))
    cnt_ref[...] += jnp.reshape(c, (1, 1))


def _reduce(d2):
    return pl.pallas_call(
        _reduce_body,
        grid=(_P // _BC,),
        in_specs=[pl.BlockSpec((6, _BC), lambda i: (0, i))],
        out_specs=[pl.BlockSpec((1, 1), lambda i: (0, 0)),
                   pl.BlockSpec((1, 1), lambda i: (0, 0))],
        out_shape=[jax.ShapeDtypeStruct((1, 1), jnp.float32),
                   jax.ShapeDtypeStruct((1, 1), jnp.float32)],
        compiler_params=pltpu.CompilerParams(
            dimension_semantics=("arbitrary",)),
    )(d2)


def kernel(embeddings, labels, positive_pairs, negative_pairs,
           overlap_positive_pairs, overlap_negative_pairs, triplets):
    del labels
    g = _gram(embeddings)
    nrm = _norms(embeddings)
    d2 = _sc_stage(
        g.reshape(-1),
        positive_pairs.T.reshape(-1),
        negative_pairs.T.reshape(-1),
        overlap_positive_pairs.T.reshape(-1),
        overlap_negative_pairs.T.reshape(-1),
        triplets.T.reshape(-1),
        nrm.reshape(-1),
    )
    tot, cnt = _reduce(d2.reshape(6, _P))
    t = tot[0, 0]
    c = cnt[0, 0]
    return jnp.where(c > 0, t / jnp.maximum(c, 1.0), jnp.float32(0.0))

# --- scband reference (transcript-rebuilt; emitter-appended) ---
"""Pipeline reference for scband-multi-anchor-loss-73229192397493 (READ-ONLY COPY).

The authoritative reference and input builder live on the scoring server;
editing this copy changes nothing except your own understanding.
"""

import jax, jax.numpy as jnp
import numpy as np

MARGIN1 = 1.0
MARGIN2 = 0.5
MARGIN3 = 0.5
LAMBDA_REG = 0.01


def _l2(a, b):
    return jnp.sqrt(jnp.sum((a - b) ** 2, axis=-1) + 1e-12)


def setup_inputs(seed: int = 0) -> dict:
    key = jax.random.key(seed)
    ks = jax.random.split(key, 7)
    N, D, P, T = 16384, 128, 262144, 262144
    return {
        "embeddings": jax.random.normal(ks[0], (N, D), dtype=jnp.float32),
        "labels": jax.random.randint(ks[1], (N,), 0, 1000, dtype=jnp.int32),
        "positive_pairs": jax.random.randint(ks[2], (P, 2), 0, N, dtype=jnp.int32),
        "negative_pairs": jax.random.randint(ks[3], (P, 2), 0, N, dtype=jnp.int32),
        "overlap_positive_pairs": jax.random.randint(ks[4], (P, 2), 0, N, dtype=jnp.int32),
        "overlap_negative_pairs": jax.random.randint(ks[5], (P, 2), 0, N, dtype=jnp.int32),
        "triplets": jax.random.randint(ks[6], (T, 3), 0, N, dtype=jnp.int32),
    }


def reference(embeddings, labels, positive_pairs, negative_pairs,
              overlap_positive_pairs, overlap_negative_pairs, triplets):
    e = embeddings
    # loss part 1: pair margin loss
    pos_d = _l2(jnp.take(e, positive_pairs[:, 0], axis=0),
                jnp.take(e, positive_pairs[:, 1], axis=0))
    neg_d = _l2(jnp.take(e, negative_pairs[:, 0], axis=0),
                jnp.take(e, negative_pairs[:, 1], axis=0))
    loss1 = jax.nn.relu(pos_d - neg_d + MARGIN1)
    # loss part 2: overlap positive pairs, relu(-d + margin2)
    opp_d = _l2(jnp.take(e, overlap_positive_pairs[:, 0], axis=0),
                jnp.take(e, overlap_positive_pairs[:, 1], axis=0))
    loss2 = jax.nn.relu(-opp_d + MARGIN2)
    # loss part 3: overlap negative pairs, relu(-d + margin3)
    onp_d = _l2(jnp.take(e, overlap_negative_pairs[:, 0], axis=0),
                jnp.take(e, overlap_negative_pairs[:, 1], axis=0))
    loss3 = jax.nn.relu(-onp_d + MARGIN3)
    # loss part 4: triplet loss with margin2 + margin3
    a = jnp.take(e, triplets[:, 0], axis=0)
    p = jnp.take(e, triplets[:, 1], axis=0)
    n = jnp.take(e, triplets[:, 2], axis=0)
    loss4 = jax.nn.relu(_l2(a, p) - _l2(a, n) + MARGIN2 + MARGIN3)

    all_losses = jnp.concatenate([loss1, loss2, loss3, loss4], axis=0)
    # AvgNonZeroReducer: mean over strictly-positive loss elements
    num_nonzero = jnp.sum((all_losses > 0).astype(jnp.float32))
    total = jnp.sum(all_losses)
    loss = jnp.where(num_nonzero > 0, total / jnp.maximum(num_nonzero, 1.0), 0.0)
    # regularization term: module has no parameters -> reg = 0
    reg_term = LAMBDA_REG * 0.0
    return loss + reg_term

if __name__ == "__main__":
    import jax
    _d = setup_inputs()
    print(jax.jit(kernel)(*tuple(_d.values())))

</pallas_src>

<mosaic_0001>
#map = affine_map<(d0, d1) -> (0)>
#map1 = affine_map<(d0, d1) -> (0, 0)>
module attributes {stable_mosaic.version = 14 : i64} {
  func.func @_sc_body(%arg0: i32, %arg1: i32, %arg2: memref<67633152xi32, #tpu.memory_space<hbm>>, %arg3: memref<524288xi32, #tpu.memory_space<hbm>>, %arg4: memref<524288xi32, #tpu.memory_space<hbm>>, %arg5: memref<524288xi32, #tpu.memory_space<hbm>>, %arg6: memref<524288xi32, #tpu.memory_space<hbm>>, %arg7: memref<786432xi32, #tpu.memory_space<hbm>>, %arg8: memref<16384xf32, #tpu.memory_space<hbm>>, %arg9: memref<12288x128xf32, #tpu.memory_space<hbm>>, %arg10: memref<16384xf32, #tpu.memory_space<vmem>>, %arg11: memref<24576xi32, #tpu.memory_space<vmem>>, %arg12: memref<64x128xi32, #tpu.memory_space<vmem>>, %arg13: memref<64x128xi32, #tpu.memory_space<vmem>>, %arg14: memref<64x128xi32, #tpu.memory_space<vmem>>, %arg15: memref<64x128xi32, #tpu.memory_space<vmem>>, %arg16: memref<64x128xf32, #tpu.memory_space<vmem>>, %arg17: memref<64x128xf32, #tpu.memory_space<vmem>>, %arg18: memref<64x128xi32, #tpu.memory_space<vmem>>, %arg19: memref<64x128xi32, #tpu.memory_space<vmem>>, %arg20: memref<!tpu.dma_semaphore, #tpu.memory_space<semaphore_mem>>) attributes {dimension_semantics = [#tpu.dimension_semantics<core_parallel>, #tpu.dimension_semantics<subcore_parallel>], iteration_bounds = array<i64: 2, 16>, scalar_prefetch = 0 : i64, scratch_operands = 11 : i64, tpu.core_type = #tpu.core_type<sc_vector_subcore>, window_params = [{transform_indices = #map}, {transform_indices = #map}, {transform_indices = #map}, {transform_indices = #map}, {transform_indices = #map}, {transform_indices = #map}, {transform_indices = #map}, {transform_indices = #map1}]} {
    %mul3A = arith.constant 2 : i32
    %mul3A_0 = arith.muli %arg1, %mul3A : i32
    %add3A = arith.addi %mul3A_0, %arg0 : i32
    %mul3A_1 = arith.constant 8192 : i32
    %mul3A_2 = arith.muli %add3A, %mul3A_1 : i32
    "tpu.region"() ({
      %run_scoped3A = tpu.sem_alloc : memref<!tpu.dma_semaphore, #tpu.memory_space<semaphore_mem>>
      tpu.enqueue_dma source(%arg8 : memref<16384xf32, #tpu.memory_space<hbm>>) target(%arg10 : memref<16384xf32, #tpu.memory_space<vmem>>) target_semaphore(%run_scoped3A : memref<!tpu.dma_semaphore, #tpu.memory_space<semaphore_mem>>)
      tpu.wait_dma2 semaphore(%run_scoped3A : memref<!tpu.dma_semaphore, #tpu.memory_space<semaphore_mem>>) src(%arg8 : memref<16384xf32, #tpu.memory_space<hbm>>) dst(%arg10 : memref<16384xf32, #tpu.memory_space<vmem>>)
      tpu.yield
    }) : () -> ()
    %multiple_of3A = tpu.assume_multiple %mul3A_2, 8 : i32
    %mul3A_3 = arith.constant 64 : i32
    %mul3A_4 = arith.muli %add3A, %mul3A_3 : i32
    "tpu.region"() ({
      %run_scoped3A = tpu.sem_alloc : memref<!tpu.dma_semaphore, #tpu.memory_space<semaphore_mem>>
      %dma_start3A = arith.constant 0 : i32
      %dma_start3A_153 = tpu.memref_slice %arg11[%dma_start3A] : memref<24576xi32, #tpu.memory_space<vmem>> -> memref<8192xi32, #tpu.memory_space<vmem>>
      %dma_start3A_154 = tpu.memref_slice %arg3[%multiple_of3A] : memref<524288xi32, #tpu.memory_space<hbm>> -> memref<8192xi32, #tpu.memory_space<hbm>>
      %dma_start3A_155 = arith.constant 0 : i32
      %dma_start3A_156 = tpu.memref_slice %arg11[%dma_start3A_155] : memref<24576xi32, #tpu.memory_space<vmem>> -> memref<8192xi32, #tpu.memory_space<vmem>>
      %dma_start3A_157 = tpu.memref_slice %arg3[%multiple_of3A] : memref<524288xi32, #tpu.memory_space<hbm>> -> memref<8192xi32, #tpu.memory_space<hbm>>
      tpu.enqueue_dma source(%dma_start3A_157 : memref<8192xi32, #tpu.memory_space<hbm>>) target(%dma_start3A_156 : memref<8192xi32, #tpu.memory_space<vmem>>) target_semaphore(%run_scoped3A : memref<!tpu.dma_semaphore, #tpu.memory_space<semaphore_mem>>)
      %dma_wait3A = arith.constant 0 : i32
      %dma_wait3A_158 = tpu.memref_slice %arg11[%dma_wait3A] : memref<24576xi32, #tpu.memory_space<vmem>> -> memref<8192xi32, #tpu.memory_space<vmem>>
      %dma_wait3A_159 = tpu.memref_slice %arg3[%multiple_of3A] : memref<524288xi32, #tpu.memory_space<hbm>> -> memref<8192xi32, #tpu.memory_space<hbm>>
      %dma_wait3A_160 = arith.constant 0 : i32
      %dma_wait3A_161 = tpu.memref_slice %arg11[%dma_wait3A_160] : memref<24576xi32, #tpu.memory_space<vmem>> -> memref<8192xi32, #tpu.memory_space<vmem>>
      %dma_wait3A_162 = tpu.memref_slice %arg3[%multiple_of3A] : memref<524288xi32, #tpu.memory_space<hbm>> -> memref<8192xi32, #tpu.memory_space<hbm>>
      tpu.wait_dma2 semaphore(%run_scoped3A : memref<!tpu.dma_semaphore, #tpu.memory_space<semaphore_mem>>) src(%dma_wait3A_162 : memref<8192xi32, #tpu.memory_space<hbm>>) dst(%dma_wait3A_161 : memref<8192xi32, #tpu.memory_space<vmem>>)
      tpu.yield
    }) : () -> ()
    %add3A_5 = arith.constant 262144 : i32
    %add3A_6 = arith.addi %add3A_5, %multiple_of3A : i32
    "tpu.region"() ({
      %run_scoped3A = tpu.sem_alloc : memref<!tpu.dma_semaphore, #tpu.memory_space<semaphore_mem>>
      %dma_start3A = arith.constant 8192 : i32
      %dma_start3A_153 = tpu.memref_slice %arg11[%dma_start3A] : memref<24576xi32, #tpu.memory_space<vmem>> -> memref<8192xi32, #tpu.memory_space<vmem>>
      %dma_start3A_154 = tpu.memref_slice %arg3[%add3A_6] : memref<524288xi32, #tpu.memory_space<hbm>> -> memref<8192xi32, #tpu.memory_space<hbm>>
      %dma_start3A_155 = arith.constant 8192 : i32
      %dma_start3A_156 = tpu.memref_slice %arg11[%dma_start3A_155] : memref<24576xi32, #tpu.memory_space<vmem>> -> memref<8192xi32, #tpu.memory_space<vmem>>
      %dma_start3A_157 = tpu.memref_slice %arg3[%add3A_6] : memref<524288xi32, #tpu.memory_space<hbm>> -> memref<8192xi32, #tpu.memory_space<hbm>>
      tpu.enqueue_dma source(%dma_start3A_157 : memref<8192xi32, #tpu.memory_space<hbm>>) target(%dma_start3A_156 : memref<8192xi32, #tpu.memory_space<vmem>>) target_semaphore(%run_scoped3A : memref<!tpu.dma_semaphore, #tpu.memory_space<semaphore_mem>>)
      %dma_wait3A = arith.constant 8192 : i32
      %dma_wait3A_158 = tpu.memref_slice %arg11[%dma_wait3A] : memref<24576xi32, #tpu.memory_space<vmem>> -> memref<8192xi32, #tpu.memory_space<vmem>>
      %dma_wait3A_159 = tpu.memref_slice %arg3[%add3A_6] : memref<524288xi32, #tpu.memory_space<hbm>> -> memref<8192xi32, #tpu.memory_space<hbm>>
      %dma_wait3A_160 = arith.constant 8192 : i32
      %dma_wait3A_161 = tpu.memref_slice %arg11[%dma_wait3A_160] : memref<24576xi32, #tpu.memory_space<vmem>> -> memref<8192xi32, #tpu.memory_space<vmem>>
      %dma_wait3A_162 = tpu.memref_slice %arg3[%add3A_6] : memref<524288xi32, #tpu.memory_space<hbm>> -> memref<8192xi32, #tpu.memory_space<hbm>>
      tpu.wait_dma2 semaphore(%run_scoped3A : memref<!tpu.dma_semaphore, #tpu.memory_space<semaphore_mem>>) src(%dma_wait3A_162 : memref<8192xi32, #tpu.memory_space<hbm>>) dst(%dma_wait3A_161 : memref<8192xi32, #tpu.memory_space<vmem>>)
      tpu.yield
    }) : () -> ()
    %scan3A = arith.constant 0 : i32
    %scan3A_7 = arith.constant 0 : i32
    %scan3A_8 = arith.constant 512 : i32
    %scan3A_9 = arith.addi %scan3A_7, %scan3A_8 : i32
    %scan3A_10 = arith.constant 1 : i32
    %scan3A_11 = scf.for %scan3A_153 = %scan3A_7 to %scan3A_9 step %scan3A_10 iter_args(%scan3A_154 = %scan3A) -> (i32)  : i32 {
      %mul3A_155 = arith.constant 16 : i32
      %mul3A_156 = arith.muli %scan3A_153, %mul3A_155 : i32
      %get3A = arith.index_cast %mul3A_156 : i32 to index
      %get3A_157 = tpu.vector_load %arg11[%get3A] {strides = array<i32>} : memref<24576xi32, #tpu.memory_space<vmem>>, vector<16xi32>,
      %mul3A_158 = arith.constant 16 : i32
      %mul3A_159 = arith.muli %scan3A_153, %mul3A_158 : i32
      %add3A_160 = arith.constant 8192 : i32
      %add3A_161 = arith.addi %add3A_160, %mul3A_159 : i32
      %get3A_162 = arith.index_cast %add3A_161 : i32 to index
      %get3A_163 = tpu.vector_load %arg11[%get3A_162] {strides = array<i32>} : memref<24576xi32, #tpu.memory_space<vmem>>, vector<16xi32>,
      %min3A = arith.minsi %get3A_157, %get3A_163 : vector<16xi32>
      %max3A = arith.maxsi %get3A_157, %get3A_163 : vector<16xi32>
      %shift_right_arithmetic3A = arith.constant 7 : i32
      %shift_right_arithmetic3A_164 = vector.broadcast %shift_right_arithmetic3A : i32 to vector<16xi32>
      %shift_right_arithmetic3A_165 = arith.shrsi %min3A, %shift_right_arithmetic3A_164 : vector<16xi32>
      %shift_right_arithmetic3A_166 = arith.constant 7 : i32
      %shift_right_arithmetic3A_167 = vector.broadcast %shift_right_arithmetic3A_166 : i32 to vector<16xi32>
      %shift_right_arithmetic3A_168 = arith.shrsi %max3A, %shift_right_arithmetic3A_167 : vector<16xi32>
      %lt3A = arith.constant 64 : i32
      %lt3A_169 = vector.broadcast %lt3A : i32 to vector<16xi32>
      %lt3A_170 = arith.cmpi slt, %shift_right_arithmetic3A_165, %lt3A_169 : vector<16xi32>
      %sub3A = arith.constant 127 : i32
      %sub3A_171 = vector.broadcast %sub3A : i32 to vector<16xi32>
      %sub3A_172 = arith.subi %sub3A_171, %shift_right_arithmetic3A_165 : vector<16xi32>
      %select_n3A = arith.select %lt3A_170, %shift_right_arithmetic3A_165, %sub3A_172 : vector<16xi1>, vector<16xi32>
      %sub3A_173 = arith.subi %shift_right_arithmetic3A_168, %shift_right_arithmetic3A_165 : vector<16xi32>
      %add3A_174 = arith.constant 1 : i32
      %add3A_175 = vector.broadcast %add3A_174 : i32 to vector<16xi32>
      %add3A_176 = arith.addi %shift_right_arithmetic3A_168, %add3A_175 : vector<16xi32>
      %select_n3A_177 = arith.select %lt3A_170, %sub3A_173, %add3A_176 : vector<16xi1>, vector<16xi32>
      %mul3A_178 = arith.constant 1056768 : i32
      %mul3A_179 = vector.broadcast %mul3A_178 : i32 to vector<16xi32>
      %mul3A_180 = arith.muli %select_n3A, %mul3A_179 : vector<16xi32>
      %shift_left3A = arith.constant 13 : i32
      %shift_left3A_181 = vector.broadcast %shift_left3A : i32 to vector<16xi32>
      %shift_left3A_182 = arith.shli %select_n3A_177, %shift_left3A_181 : vector<16xi32>
      %add3A_183 = arith.addi %mul3A_180, %shift_left3A_182 : vector<16xi32>
      %and3A = arith.constant 63 : i32
      %and3A_184 = vector.broadcast %and3A : i32 to vector<16xi32>
      %and3A_185 = arith.andi %min3A, %and3A_184 : vector<16xi32>
      %shift_left3A_186 = arith.constant 7 : i32
      %shift_left3A_187 = vector.broadcast %shift_left3A_186 : i32 to vector<16xi32>
      %shift_left3A_188 = arith.shli %and3A_185, %shift_left3A_187 : vector<16xi32>
      %add3A_189 = arith.addi %add3A_183, %shift_left3A_188 : vector<16xi32>
      %and3A_190 = arith.constant 127 : i32
      %and3A_191 = vector.broadcast %and3A_190 : i32 to vector<16xi32>
      %and3A_192 = arith.andi %max3A, %and3A_191 : vector<16xi32>
      %add3A_193 = arith.addi %add3A_189, %and3A_192 : vector<16xi32>
      %and3A_194 = arith.constant 64 : i32
      %and3A_195 = vector.broadcast %and3A_194 : i32 to vector<16xi32>
      %and3A_196 = arith.andi %min3A, %and3A_195 : vector<16xi32>
      %sub3A_197 = arith.constant 64 : i32
      %sub3A_198 = vector.broadcast %sub3A_197 : i32 to vector<16xi32>
      %sub3A_199 = arith.subi %sub3A_198, %and3A_196 : vector<16xi32>
      %shift_right_arithmetic3A_200 = arith.constant 2 : i32
      %shift_right_arithmetic3A_201 = vector.broadcast %shift_right_arithmetic3A_200 : i32 to vector<16xi32>
      %shift_right_arithmetic3A_202 = arith.shrsi %sub3A_199, %shift_right_arithmetic3A_201 : vector<16xi32>
      %jit3A = arith.constant 8 : i32
      %div3A = arith.divsi %scan3A_153, %jit3A : i32
      %sign3A = arith.constant 0 : i32
      %sign3A_203 = arith.cmpi sgt, %scan3A_153, %sign3A : i32
      %sign3A_204 = arith.extui %sign3A_203 : i1 to i32
      %sign3A_205 = arith.constant 0 : i32
      %sign3A_206 = arith.cmpi slt, %scan3A_153, %sign3A_205 : i32
      %sign3A_207 = arith.extui %sign3A_206 : i1 to i32
      %sign3A_208 = arith.subi %sign3A_204, %sign3A_207 : i32
      %sign3A_209 = arith.constant 0 : i32
      %sign3A_210 = arith.cmpi sgt, %jit3A, %sign3A_209 : i32
      %sign3A_211 = arith.extui %sign3A_210 : i1 to i32
      %sign3A_212 = arith.constant 0 : i32
      %sign3A_213 = arith.cmpi slt, %jit3A, %sign3A_212 : i32
      %sign3A_214 = arith.extui %sign3A_213 : i1 to i32
      %sign3A_215 = arith.subi %sign3A_211, %sign3A_214 : i32
      %ne3A = arith.cmpi ne, %sign3A_208, %sign3A_215 : i32
      %rem3A = arith.remsi %scan3A_153, %jit3A : i32
      %ne3A_216 = arith.constant 0 : i32
      %ne3A_217 = arith.cmpi ne, %rem3A, %ne3A_216 : i32
      %and3A_218 = arith.andi %ne3A, %ne3A_217 : i1
      %sub3A_219 = arith.constant 1 : i32
      %sub3A_220 = arith.subi %div3A, %sub3A_219 : i32
      %select_n3A_221 = arith.select %and3A_218, %sub3A_220, %div3A : i32
      %jit3A_222 = arith.constant 8 : i32
      %eq3A = arith.constant 0 : i32
      %eq3A_223 = arith.cmpi eq, %jit3A_222, %eq3A : i32
      %jit3A_224 = arith.constant 1 : i32
      %select_n3A_225 = arith.select %eq3A_223, %jit3A_224, %jit3A_222 : i32
      %rem3A_226 = arith.remsi %scan3A_153, %select_n3A_225 : i32
      %ne3A_227 = arith.constant 0 : i32
      %ne3A_228 = arith.cmpi ne, %rem3A_226, %ne3A_227 : i32
      %lt3A_229 = arith.constant 0 : i32
      %lt3A_230 = arith.cmpi slt, %rem3A_226, %lt3A_229 : i32
      %lt3A_231 = arith.constant 0 : i32
      %lt3A_232 = arith.cmpi slt, %select_n3A_225, %lt3A_231 : i32
      %ne3A_233 = arith.xori %lt3A_230, %lt3A_232 : i1
      %and3A_234 = arith.andi %ne3A_233, %ne3A_228 : i1
      %add3A_235 = arith.addi %rem3A_226, %select_n3A_225 : i32
      %select_n3A_236 = arith.select %and3A_234, %add3A_235, %rem3A_226 : i32
      %mul3A_237 = arith.constant 16 : i32
      %mul3A_238 = arith.muli %select_n3A_236, %mul3A_237 : i32
      %swap3A = arith.index_cast %select_n3A_221 : i32 to index
      %swap3A_239 = arith.index_cast %mul3A_238 : i32 to index
      %swap3A_240 = tpu.vector_load %arg12[%swap3A, %swap3A_239] {strides = array<i32>} : memref<64x128xi32, #tpu.memory_space<vmem>>, vector<16xi32>,
      tpu.vector_store %arg12[%swap3A, %swap3A_239], %add3A_193 {strides = array<i32>} : memref<64x128xi32, #tpu.memory_space<vmem>>, vector<16xi32>,
      %jit3A_241 = arith.constant 8 : i32
      %div3A_242 = arith.divsi %scan3A_153, %jit3A_241 : i32
      %sign3A_243 = arith.constant 0 : i32
      %sign3A_244 = arith.cmpi sgt, %scan3A_153, %sign3A_243 : i32
      %sign3A_245 = arith.extui %sign3A_244 : i1 to i32
      %sign3A_246 = arith.constant 0 : i32
      %sign3A_247 = arith.cmpi slt, %scan3A_153, %sign3A_246 : i32
      %sign3A_248 = arith.extui %sign3A_247 : i1 to i32
      %sign3A_249 = arith.subi %sign3A_245, %sign3A_248 : i32
      %sign3A_250 = arith.constant 0 : i32
      %sign3A_251 = arith.cmpi sgt, %jit3A_241, %sign3A_250 : i32
      %sign3A_252 = arith.extui %sign3A_251 : i1 to i32
      %sign3A_253 = arith.constant 0 : i32
      %sign3A_254 = arith.cmpi slt, %jit3A_241, %sign3A_253 : i32
      %sign3A_255 = arith.extui %sign3A_254 : i1 to i32
      %sign3A_256 = arith.subi %sign3A_252, %sign3A_255 : i32
      %ne3A_257 = arith.cmpi ne, %sign3A_249, %sign3A_256 : i32
      %rem3A_258 = arith.remsi %scan3A_153, %jit3A_241 : i32
      %ne3A_259 = arith.constant 0 : i32
      %ne3A_260 = arith.cmpi ne, %rem3A_258, %ne3A_259 : i32
      %and3A_261 = arith.andi %ne3A_257, %ne3A_260 : i1
      %sub3A_262 = arith.constant 1 : i32
      %sub3A_263 = arith.subi %div3A_242, %sub3A_262 : i32
      %select_n3A_264 = arith.select %and3A_261, %sub3A_263, %div3A_242 : i32
      %jit3A_265 = arith.constant 8 : i32
      %eq3A_266 = arith.constant 0 : i32
      %eq3A_267 = arith.cmpi eq, %jit3A_265, %eq3A_266 : i32
      %jit3A_268 = arith.constant 1 : i32
      %select_n3A_269 = arith.select %eq3A_267, %jit3A_268, %jit3A_265 : i32
      %rem3A_270 = arith.remsi %scan3A_153, %select_n3A_269 : i32
      %ne3A_271 = arith.constant 0 : i32
      %ne3A_272 = arith.cmpi ne, %rem3A_270, %ne3A_271 : i32
      %lt3A_273 = arith.constant 0 : i32
      %lt3A_274 = arith.cmpi slt, %rem3A_270, %lt3A_273 : i32
      %lt3A_275 = arith.constant 0 : i32
      %lt3A_276 = arith.cmpi slt, %select_n3A_269, %lt3A_275 : i32
      %ne3A_277 = arith.xori %lt3A_274, %lt3A_276 : i1
      %and3A_278 = arith.andi %ne3A_277, %ne3A_272 : i1
      %add3A_279 = arith.addi %rem3A_270, %select_n3A_269 : i32
      %select_n3A_280 = arith.select %and3A_278, %add3A_279, %rem3A_270 : i32
      %mul3A_281 = arith.constant 16 : i32
      %mul3A_282 = arith.muli %select_n3A_280, %mul3A_281 : i32
      %swap3A_283 = arith.index_cast %select_n3A_264 : i32 to index
      %swap3A_284 = arith.index_cast %mul3A_282 : i32 to index
      %swap3A_285 = tpu.vector_load %arg18[%swap3A_283, %swap3A_284] {strides = array<i32>} : memref<64x128xi32, #tpu.memory_space<vmem>>, vector<16xi32>,
      tpu.vector_store %arg18[%swap3A_283, %swap3A_284], %shift_right_arithmetic3A_202 {strides = array<i32>} : memref<64x128xi32, #tpu.memory_space<vmem>>, vector<16xi32>,
      %gather3A = tpu.vector_load_idx %arg10[%get3A_157] : memref<16384xf32, #tpu.memory_space<vmem>>[vector<16xi32>], vector<16xf32>,
      %gather3A_286 = tpu.vector_load_idx %arg10[%get3A_163] : memref<16384xf32, #tpu.memory_space<vmem>>[vector<16xi32>], vector<16xf32>,
      %add3A_287 = arith.addf %gather3A, %gather3A_286 : vector<16xf32>
      %jit3A_288 = arith.constant 8 : i32
      %div3A_289 = arith.divsi %scan3A_153, %jit3A_288 : i32
      %sign3A_290 = arith.constant 0 : i32
      %sign3A_291 = arith.cmpi sgt, %scan3A_153, %sign3A_290 : i32
      %sign3A_292 = arith.extui %sign3A_291 : i1 to i32
      %sign3A_293 = arith.constant 0 : i32
      %sign3A_294 = arith.cmpi slt, %scan3A_153, %sign3A_293 : i32
      %sign3A_295 = arith.extui %sign3A_294 : i1 to i32
      %sign3A_296 = arith.subi %sign3A_292, %sign3A_295 : i32
      %sign3A_297 = arith.constant 0 : i32
      %sign3A_298 = arith.cmpi sgt, %jit3A_288, %sign3A_297 : i32
      %sign3A_299 = arith.extui %sign3A_298 : i1 to i32
      %sign3A_300 = arith.constant 0 : i32
      %sign3A_301 = arith.cmpi slt, %jit3A_288, %sign3A_300 : i32
      %sign3A_302 = arith.extui %sign3A_301 : i1 to i32
      %sign3A_303 = arith.subi %sign3A_299, %sign3A_302 : i32
      %ne3A_304 = arith.cmpi ne, %sign3A_296, %sign3A_303 : i32
      %rem3A_305 = arith.remsi %scan3A_153, %jit3A_288 : i32
      %ne3A_306 = arith.constant 0 : i32
      %ne3A_307 = arith.cmpi ne, %rem3A_305, %ne3A_306 : i32
      %and3A_308 = arith.andi %ne3A_304, %ne3A_307 : i1
      %sub3A_309 = arith.constant 1 : i32
      %sub3A_310 = arith.subi %div3A_289, %sub3A_309 : i32
      %select_n3A_311 = arith.select %and3A_308, %sub3A_310, %div3A_289 : i32
      %jit3A_312 = arith.constant 8 : i32
      %eq3A_313 = arith.constant 0 : i32
      %eq3A_314 = arith.cmpi eq, %jit3A_312, %eq3A_313 : i32
      %jit3A_315 = arith.constant 1 : i32
      %select_n3A_316 = arith.select %eq3A_314, %jit3A_315, %jit3A_312 : i32
      %rem3A_317 = arith.remsi %scan3A_153, %select_n3A_316 : i32
      %ne3A_318 = arith.constant 0 : i32
      %ne3A_319 = arith.cmpi ne, %rem3A_317, %ne3A_318 : i32
      %lt3A_320 = arith.constant 0 : i32
      %lt3A_321 = arith.cmpi slt, %rem3A_317, %lt3A_320 : i32
      %lt3A_322 = arith.constant 0 : i32
      %lt3A_323 = arith.cmpi slt, %select_n3A_316, %lt3A_322 : i32
      %ne3A_324 = arith.xori %lt3A_321, %lt3A_323 : i1
      %and3A_325 = arith.andi %ne3A_324, %ne3A_319 : i1
      %add3A_326 = arith.addi %rem3A_317, %select_n3A_316 : i32
      %select_n3A_327 = arith.select %and3A_325, %add3A_326, %rem3A_317 : i32
      %mul3A_328 = arith.constant 16 : i32
      %mul3A_329 = arith.muli %select_n3A_327, %mul3A_328 : i32
      %swap3A_330 = arith.index_cast %select_n3A_311 : i32 to index
      %swap3A_331 = arith.index_cast %mul3A_329 : i32 to index
      %swap3A_332 = tpu.vector_load %arg16[%swap3A_330, %swap3A_331] {strides = array<i32>} : memref<64x128xf32, #tpu.memory_space<vmem>>, vector<16xf32>,
      tpu.vector_store %arg16[%swap3A_330, %swap3A_331], %add3A_287 {strides = array<i32>} : memref<64x128xf32, #tpu.memory_space<vmem>>, vector<16xf32>,
      %jit3A_333 = arith.constant 8 : i32
      %eq3A_334 = arith.constant 0 : i32
      %eq3A_335 = arith.cmpi eq, %jit3A_333, %eq3A_334 : i32
      %jit3A_336 = arith.constant 1 : i32
      %select_n3A_337 = arith.select %eq3A_335, %jit3A_336, %jit3A_333 : i32
      %rem3A_338 = arith.remsi %scan3A_153, %select_n3A_337 : i32
      %ne3A_339 = arith.constant 0 : i32
      %ne3A_340 = arith.cmpi ne, %rem3A_338, %ne3A_339 : i32
      %lt3A_341 = arith.constant 0 : i32
      %lt3A_342 = arith.cmpi slt, %rem3A_338, %lt3A_341 : i32
      %lt3A_343 = arith.constant 0 : i32
      %lt3A_344 = arith.cmpi slt, %select_n3A_337, %lt3A_343 : i32
      %ne3A_345 = arith.xori %lt3A_342, %lt3A_344 : i1
      %and3A_346 = arith.andi %ne3A_345, %ne3A_340 : i1
      %add3A_347 = arith.addi %rem3A_338, %select_n3A_337 : i32
      %select_n3A_348 = arith.select %and3A_346, %add3A_347, %rem3A_338 : i32
      %eq3A_349 = arith.constant 7 : i32
      %eq3A_350 = arith.cmpi eq, %select_n3A_348, %eq3A_349 : i32
      %convert_element_type3A = arith.extui %eq3A_350 : i1 to i32
      %cond3A = arith.constant 0 : i32
      %cond3A_351 = arith.cmpi ne, %convert_element_type3A, %cond3A : i32
      scf.if %cond3A_351 {
        %jit3A_353 = arith.constant 8 : i32
        %div3A_354 = arith.divsi %scan3A_153, %jit3A_353 : i32
        %sign3A_355 = arith.constant 0 : i32
        %sign3A_356 = arith.cmpi sgt, %scan3A_153, %sign3A_355 : i32
        %sign3A_357 = arith.extui %sign3A_356 : i1 to i32
        %sign3A_358 = arith.constant 0 : i32
        %sign3A_359 = arith.cmpi slt, %scan3A_153, %sign3A_358 : i32
        %sign3A_360 = arith.extui %sign3A_359 : i1 to i32
        %sign3A_361 = arith.subi %sign3A_357, %sign3A_360 : i32
        %sign3A_362 = arith.constant 0 : i32
        %sign3A_363 = arith.cmpi sgt, %jit3A_353, %sign3A_362 : i32
        %sign3A_364 = arith.extui %sign3A_363 : i1 to i32
        %sign3A_365 = arith.constant 0 : i32
        %sign3A_366 = arith.cmpi slt, %jit3A_353, %sign3A_365 : i32
        %sign3A_367 = arith.extui %sign3A_366 : i1 to i32
        %sign3A_368 = arith.subi %sign3A_364, %sign3A_367 : i32
        %ne3A_369 = arith.cmpi ne, %sign3A_361, %sign3A_368 : i32
        %rem3A_370 = arith.remsi %scan3A_153, %jit3A_353 : i32
        %ne3A_371 = arith.constant 0 : i32
        %ne3A_372 = arith.cmpi ne, %rem3A_370, %ne3A_371 : i32
        %and3A_373 = arith.andi %ne3A_369, %ne3A_372 : i1
        %sub3A_374 = arith.constant 1 : i32
        %sub3A_375 = arith.subi %div3A_354, %sub3A_374 : i32
        %select_n3A_376 = arith.select %and3A_373, %sub3A_375, %div3A_354 : i32
        %dma_start3A = arith.constant 0 : i32
        %dma_start3A_377 = tpu.memref_slice %arg14[%select_n3A_376, %dma_start3A] : memref<64x128xi32, #tpu.memory_space<vmem>> -> memref<1x128xi32, #tpu.memory_space<vmem>>
        %dma_start3A_378 = tpu.memref_squeeze %dma_start3A_377 : memref<1x128xi32, #tpu.memory_space<vmem>> -> memref<128xi32, #tpu.memory_space<vmem>>
        %dma_start3A_379 = arith.constant 0 : i32
        %dma_start3A_380 = tpu.memref_slice %arg12[%select_n3A_376, %dma_start3A_379] : memref<64x128xi32, #tpu.memory_space<vmem>> -> memref<1x128xi32, #tpu.memory_space<vmem>>
        %dma_start3A_381 = tpu.memref_squeeze %dma_start3A_380 : memref<1x128xi32, #tpu.memory_space<vmem>> -> memref<128xi32, #tpu.memory_space<vmem>>
        %dma_start3A_382 = arith.constant 0 : i32
        %dma_start3A_383 = tpu.memref_slice %arg2[%dma_start3A_382] : memref<67633152xi32, #tpu.memory_space<hbm>> -> memref<67633152xi32, #tpu.memory_space<hbm>>
        tpu.enqueue_indirect_dma source(%dma_start3A_383 : memref<67633152xi32, #tpu.memory_space<hbm>>) target(%dma_start3A_378 : memref<128xi32, #tpu.memory_space<vmem>>) offsets(%dma_start3A_381 : memref<128xi32, #tpu.memory_space<vmem>>) semaphore(%arg20 : memref<!tpu.dma_semaphore, #tpu.memory_space<semaphore_mem>>)
      } else {
      }
      %scan3A_352 = arith.constant 0 : i32
      scf.yield %scan3A_352 : i32
    }
    %scan3A_12 = arith.constant 512 : i32
    %scan3A_13 = arith.constant 0 : i32
    %scan3A_14 = arith.constant 0 : i32
    %scan3A_15 = arith.constant 64 : i32
    %scan3A_16 = arith.addi %scan3A_14, %scan3A_15 : i32
    %scan3A_17 = arith.constant 1 : i32
    %scan3A_18 = scf.for %scan3A_153 = %scan3A_14 to %scan3A_16 step %scan3A_17 iter_args(%scan3A_154 = %scan3A_13) -> (i32)  : i32 {
      %dma_wait3A = arith.constant 0 : i32
      %dma_wait3A_155 = tpu.memref_slice %arg14[%scan3A_153, %dma_wait3A] : memref<64x128xi32, #tpu.memory_space<vmem>> -> memref<1x128xi32, #tpu.memory_space<vmem>>
      %dma_wait3A_156 = tpu.memref_squeeze %dma_wait3A_155 : memref<1x128xi32, #tpu.memory_space<vmem>> -> memref<128xi32, #tpu.memory_space<vmem>>
      %dma_wait3A_157 = arith.constant 0 : i32
      %dma_wait3A_158 = tpu.memref_slice %arg12[%scan3A_153, %dma_wait3A_157] : memref<64x128xi32, #tpu.memory_space<vmem>> -> memref<1x128xi32, #tpu.memory_space<vmem>>
      %dma_wait3A_159 = tpu.memref_squeeze %dma_wait3A_158 : memref<1x128xi32, #tpu.memory_space<vmem>> -> memref<128xi32, #tpu.memory_space<vmem>>
      %dma_wait3A_160 = arith.constant 0 : i32
      %dma_wait3A_161 = tpu.memref_slice %arg2[%dma_wait3A_160] : memref<67633152xi32, #tpu.memory_space<hbm>> -> memref<67633152xi32, #tpu.memory_space<hbm>>
      tpu.wait_indirect_dma semaphore(%arg20 : memref<!tpu.dma_semaphore, #tpu.memory_space<semaphore_mem>>) src(%dma_wait3A_161 : memref<67633152xi32, #tpu.memory_space<hbm>>) dst(%dma_wait3A_156 : memref<128xi32, #tpu.memory_space<vmem>>)
      %scan3A_162 = arith.constant 0 : i32
      scf.yield %scan3A_162 : i32
    }
    %scan3A_19 = arith.constant 64 : i32
    %scan3A_20 = arith.constant 0 : i32
    %scan3A_21 = arith.constant 0 : i32
    %scan3A_22 = arith.constant 512 : i32
    %scan3A_23 = arith.addi %scan3A_21, %scan3A_22 : i32
    %scan3A_24 = arith.constant 1 : i32
    %scan3A_25 = scf.for %scan3A_153 = %scan3A_21 to %scan3A_23 step %scan3A_24 iter_args(%scan3A_154 = %scan3A_20) -> (i32)  : i32 {
      %jit3A = arith.constant 8 : i32
      %div3A = arith.divsi %scan3A_153, %jit3A : i32
      %sign3A = arith.constant 0 : i32
      %sign3A_155 = arith.cmpi sgt, %scan3A_153, %sign3A : i32
      %sign3A_156 = arith.extui %sign3A_155 : i1 to i32
      %sign3A_157 = arith.constant 0 : i32
      %sign3A_158 = arith.cmpi slt, %scan3A_153, %sign3A_157 : i32
      %sign3A_159 = arith.extui %sign3A_158 : i1 to i32
      %sign3A_160 = arith.subi %sign3A_156, %sign3A_159 : i32
      %sign3A_161 = arith.constant 0 : i32
      %sign3A_162 = arith.cmpi sgt, %jit3A, %sign3A_161 : i32
      %sign3A_163 = arith.extui %sign3A_162 : i1 to i32
      %sign3A_164 = arith.constant 0 : i32
      %sign3A_165 = arith.cmpi slt, %jit3A, %sign3A_164 : i32
      %sign3A_166 = arith.extui %sign3A_165 : i1 to i32
      %sign3A_167 = arith.subi %sign3A_163, %sign3A_166 : i32
      %ne3A = arith.cmpi ne, %sign3A_160, %sign3A_167 : i32
      %rem3A = arith.remsi %scan3A_153, %jit3A : i32
      %ne3A_168 = arith.constant 0 : i32
      %ne3A_169 = arith.cmpi ne, %rem3A, %ne3A_168 : i32
      %and3A = arith.andi %ne3A, %ne3A_169 : i1
      %sub3A = arith.constant 1 : i32
      %sub3A_170 = arith.subi %div3A, %sub3A : i32
      %select_n3A = arith.select %and3A, %sub3A_170, %div3A : i32
      %jit3A_171 = arith.constant 8 : i32
      %eq3A = arith.constant 0 : i32
      %eq3A_172 = arith.cmpi eq, %jit3A_171, %eq3A : i32
      %jit3A_173 = arith.constant 1 : i32
      %select_n3A_174 = arith.select %eq3A_172, %jit3A_173, %jit3A_171 : i32
      %rem3A_175 = arith.remsi %scan3A_153, %select_n3A_174 : i32
      %ne3A_176 = arith.constant 0 : i32
      %ne3A_177 = arith.cmpi ne, %rem3A_175, %ne3A_176 : i32
      %lt3A = arith.constant 0 : i32
      %lt3A_178 = arith.cmpi slt, %rem3A_175, %lt3A : i32
      %lt3A_179 = arith.constant 0 : i32
      %lt3A_180 = arith.cmpi slt, %select_n3A_174, %lt3A_179 : i32
      %ne3A_181 = arith.xori %lt3A_178, %lt3A_180 : i1
      %and3A_182 = arith.andi %ne3A_181, %ne3A_177 : i1
      %add3A_183 = arith.addi %rem3A_175, %select_n3A_174 : i32
      %select_n3A_184 = arith.select %and3A_182, %add3A_183, %rem3A_175 : i32
      %mul3A_185 = arith.constant 16 : i32
      %mul3A_186 = arith.muli %select_n3A_184, %mul3A_185 : i32
      %get3A = arith.index_cast %select_n3A : i32 to index
      %get3A_187 = arith.index_cast %mul3A_186 : i32 to index
      %get3A_188 = tpu.vector_load %arg14[%get3A, %get3A_187] {strides = array<i32>} : memref<64x128xi32, #tpu.memory_space<vmem>>, vector<16xi32>,
      %jit3A_189 = arith.constant 8 : i32
      %div3A_190 = arith.divsi %scan3A_153, %jit3A_189 : i32
      %sign3A_191 = arith.constant 0 : i32
      %sign3A_192 = arith.cmpi sgt, %scan3A_153, %sign3A_191 : i32
      %sign3A_193 = arith.extui %sign3A_192 : i1 to i32
      %sign3A_194 = arith.constant 0 : i32
      %sign3A_195 = arith.cmpi slt, %scan3A_153, %sign3A_194 : i32
      %sign3A_196 = arith.extui %sign3A_195 : i1 to i32
      %sign3A_197 = arith.subi %sign3A_193, %sign3A_196 : i32
      %sign3A_198 = arith.constant 0 : i32
      %sign3A_199 = arith.cmpi sgt, %jit3A_189, %sign3A_198 : i32
      %sign3A_200 = arith.extui %sign3A_199 : i1 to i32
      %sign3A_201 = arith.constant 0 : i32
      %sign3A_202 = arith.cmpi slt, %jit3A_189, %sign3A_201 : i32
      %sign3A_203 = arith.extui %sign3A_202 : i1 to i32
      %sign3A_204 = arith.subi %sign3A_200, %sign3A_203 : i32
      %ne3A_205 = arith.cmpi ne, %sign3A_197, %sign3A_204 : i32
      %rem3A_206 = arith.remsi %scan3A_153, %jit3A_189 : i32
      %ne3A_207 = arith.constant 0 : i32
      %ne3A_208 = arith.cmpi ne, %rem3A_206, %ne3A_207 : i32
      %and3A_209 = arith.andi %ne3A_205, %ne3A_208 : i1
      %sub3A_210 = arith.constant 1 : i32
      %sub3A_211 = arith.subi %div3A_190, %sub3A_210 : i32
      %select_n3A_212 = arith.select %and3A_209, %sub3A_211, %div3A_190 : i32
      %jit3A_213 = arith.constant 8 : i32
      %eq3A_214 = arith.constant 0 : i32
      %eq3A_215 = arith.cmpi eq, %jit3A_213, %eq3A_214 : i32
      %jit3A_216 = arith.constant 1 : i32
      %select_n3A_217 = arith.select %eq3A_215, %jit3A_216, %jit3A_213 : i32
      %rem3A_218 = arith.remsi %scan3A_153, %select_n3A_217 : i32
      %ne3A_219 = arith.constant 0 : i32
      %ne3A_220 = arith.cmpi ne, %rem3A_218, %ne3A_219 : i32
      %lt3A_221 = arith.constant 0 : i32
      %lt3A_222 = arith.cmpi slt, %rem3A_218, %lt3A_221 : i32
      %lt3A_223 = arith.constant 0 : i32
      %lt3A_224 = arith.cmpi slt, %select_n3A_217, %lt3A_223 : i32
      %ne3A_225 = arith.xori %lt3A_222, %lt3A_224 : i1
      %and3A_226 = arith.andi %ne3A_225, %ne3A_220 : i1
      %add3A_227 = arith.addi %rem3A_218, %select_n3A_217 : i32
      %select_n3A_228 = arith.select %and3A_226, %add3A_227, %rem3A_218 : i32
      %mul3A_229 = arith.constant 16 : i32
      %mul3A_230 = arith.muli %select_n3A_228, %mul3A_229 : i32
      %get3A_231 = arith.index_cast %select_n3A_212 : i32 to index
      %get3A_232 = arith.index_cast %mul3A_230 : i32 to index
      %get3A_233 = tpu.vector_load %arg18[%get3A_231, %get3A_232] {strides = array<i32>} : memref<64x128xi32, #tpu.memory_space<vmem>>, vector<16xi32>,
      %shift_left3A = arith.shli %get3A_188, %get3A_233 : vector<16xi32>
      %and3A_234 = arith.constant -65536 : i32
      %and3A_235 = vector.broadcast %and3A_234 : i32 to vector<16xi32>
      %and3A_236 = arith.andi %shift_left3A, %and3A_235 : vector<16xi32>
      %bitcast3A = vector.bitcast %and3A_236 : vector<16xi32> to vector<16xf32>
      %jit3A_237 = arith.constant 8 : i32
      %div3A_238 = arith.divsi %scan3A_153, %jit3A_237 : i32
      %sign3A_239 = arith.constant 0 : i32
      %sign3A_240 = arith.cmpi sgt, %scan3A_153, %sign3A_239 : i32
      %sign3A_241 = arith.extui %sign3A_240 : i1 to i32
      %sign3A_242 = arith.constant 0 : i32
      %sign3A_243 = arith.cmpi slt, %scan3A_153, %sign3A_242 : i32
      %sign3A_244 = arith.extui %sign3A_243 : i1 to i32
      %sign3A_245 = arith.subi %sign3A_241, %sign3A_244 : i32
      %sign3A_246 = arith.constant 0 : i32
      %sign3A_247 = arith.cmpi sgt, %jit3A_237, %sign3A_246 : i32
      %sign3A_248 = arith.extui %sign3A_247 : i1 to i32
      %sign3A_249 = arith.constant 0 : i32
      %sign3A_250 = arith.cmpi slt, %jit3A_237, %sign3A_249 : i32
      %sign3A_251 = arith.extui %sign3A_250 : i1 to i32
      %sign3A_252 = arith.subi %sign3A_248, %sign3A_251 : i32
      %ne3A_253 = arith.cmpi ne, %sign3A_245, %sign3A_252 : i32
      %rem3A_254 = arith.remsi %scan3A_153, %jit3A_237 : i32
      %ne3A_255 = arith.constant 0 : i32
      %ne3A_256 = arith.cmpi ne, %rem3A_254, %ne3A_255 : i32
      %and3A_257 = arith.andi %ne3A_253, %ne3A_256 : i1
      %sub3A_258 = arith.constant 1 : i32
      %sub3A_259 = arith.subi %div3A_238, %sub3A_258 : i32
      %select_n3A_260 = arith.select %and3A_257, %sub3A_259, %div3A_238 : i32
      %jit3A_261 = arith.constant 8 : i32
      %eq3A_262 = arith.constant 0 : i32
      %eq3A_263 = arith.cmpi eq, %jit3A_261, %eq3A_262 : i32
      %jit3A_264 = arith.constant 1 : i32
      %select_n3A_265 = arith.select %eq3A_263, %jit3A_264, %jit3A_261 : i32
      %rem3A_266 = arith.remsi %scan3A_153, %select_n3A_265 : i32
      %ne3A_267 = arith.constant 0 : i32
      %ne3A_268 = arith.cmpi ne, %rem3A_266, %ne3A_267 : i32
      %lt3A_269 = arith.constant 0 : i32
      %lt3A_270 = arith.cmpi slt, %rem3A_266, %lt3A_269 : i32
      %lt3A_271 = arith.constant 0 : i32
      %lt3A_272 = arith.cmpi slt, %select_n3A_265, %lt3A_271 : i32
      %ne3A_273 = arith.xori %lt3A_270, %lt3A_272 : i1
      %and3A_274 = arith.andi %ne3A_273, %ne3A_268 : i1
      %add3A_275 = arith.addi %rem3A_266, %select_n3A_265 : i32
      %select_n3A_276 = arith.select %and3A_274, %add3A_275, %rem3A_266 : i32
      %mul3A_277 = arith.constant 16 : i32
      %mul3A_278 = arith.muli %select_n3A_276, %mul3A_277 : i32
      %get3A_279 = arith.index_cast %select_n3A_260 : i32 to index
      %get3A_280 = arith.index_cast %mul3A_278 : i32 to index
      %get3A_281 = tpu.vector_load %arg16[%get3A_279, %get3A_280] {strides = array<i32>} : memref<64x128xf32, #tpu.memory_space<vmem>>, vector<16xf32>,
      %mul3A_282 = arith.constant 2.000000e+00 : f32
      %mul3A_283 = vector.broadcast %mul3A_282 : f32 to vector<16xf32>
      %mul3A_284 = arith.mulf %mul3A_283, %bitcast3A : vector<16xf32>
      %sub3A_285 = arith.subf %get3A_281, %mul3A_284 : vector<16xf32>
      %jit3A_286 = arith.constant 8 : i32
      %div3A_287 = arith.divsi %scan3A_153, %jit3A_286 : i32
      %sign3A_288 = arith.constant 0 : i32
      %sign3A_289 = arith.cmpi sgt, %scan3A_153, %sign3A_288 : i32
      %sign3A_290 = arith.extui %sign3A_289 : i1 to i32
      %sign3A_291 = arith.constant 0 : i32
      %sign3A_292 = arith.cmpi slt, %scan3A_153, %sign3A_291 : i32
      %sign3A_293 = arith.extui %sign3A_292 : i1 to i32
      %sign3A_294 = arith.subi %sign3A_290, %sign3A_293 : i32
      %sign3A_295 = arith.constant 0 : i32
      %sign3A_296 = arith.cmpi sgt, %jit3A_286, %sign3A_295 : i32
      %sign3A_297 = arith.extui %sign3A_296 : i1 to i32
      %sign3A_298 = arith.constant 0 : i32
      %sign3A_299 = arith.cmpi slt, %jit3A_286, %sign3A_298 : i32
      %sign3A_300 = arith.extui %sign3A_299 : i1 to i32
      %sign3A_301 = arith.subi %sign3A_297, %sign3A_300 : i32
      %ne3A_302 = arith.cmpi ne, %sign3A_294, %sign3A_301 : i32
      %rem3A_303 = arith.remsi %scan3A_153, %jit3A_286 : i32
      %ne3A_304 = arith.constant 0 : i32
      %ne3A_305 = arith.cmpi ne, %rem3A_303, %ne3A_304 : i32
      %and3A_306 = arith.andi %ne3A_302, %ne3A_305 : i1
      %sub3A_307 = arith.constant 1 : i32
      %sub3A_308 = arith.subi %div3A_287, %sub3A_307 : i32
      %select_n3A_309 = arith.select %and3A_306, %sub3A_308, %div3A_287 : i32
      %jit3A_310 = arith.constant 8 : i32
      %eq3A_311 = arith.constant 0 : i32
      %eq3A_312 = arith.cmpi eq, %jit3A_310, %eq3A_311 : i32
      %jit3A_313 = arith.constant 1 : i32
      %select_n3A_314 = arith.select %eq3A_312, %jit3A_313, %jit3A_310 : i32
      %rem3A_315 = arith.remsi %scan3A_153, %select_n3A_314 : i32
      %ne3A_316 = arith.constant 0 : i32
      %ne3A_317 = arith.cmpi ne, %rem3A_315, %ne3A_316 : i32
      %lt3A_318 = arith.constant 0 : i32
      %lt3A_319 = arith.cmpi slt, %rem3A_315, %lt3A_318 : i32
      %lt3A_320 = arith.constant 0 : i32
      %lt3A_321 = arith.cmpi slt, %select_n3A_314, %lt3A_320 : i32
      %ne3A_322 = arith.xori %lt3A_319, %lt3A_321 : i1
      %and3A_323 = arith.andi %ne3A_322, %ne3A_317 : i1
      %add3A_324 = arith.addi %rem3A_315, %select_n3A_314 : i32
      %select_n3A_325 = arith.select %and3A_323, %add3A_324, %rem3A_315 : i32
      %mul3A_326 = arith.constant 16 : i32
      %mul3A_327 = arith.muli %select_n3A_325, %mul3A_326 : i32
      %swap3A = arith.index_cast %select_n3A_309 : i32 to index
      %swap3A_328 = arith.index_cast %mul3A_327 : i32 to index
      %swap3A_329 = tpu.vector_load %arg16[%swap3A, %swap3A_328] {strides = array<i32>} : memref<64x128xf32, #tpu.memory_space<vmem>>, vector<16xf32>,
      tpu.vector_store %arg16[%swap3A, %swap3A_328], %sub3A_285 {strides = array<i32>} : memref<64x128xf32, #tpu.memory_space<vmem>>, vector<16xf32>,
      %scan3A_330 = arith.constant 0 : i32
      scf.yield %scan3A_330 : i32
    }
    %scan3A_26 = arith.constant 512 : i32
    %add3A_27 = arith.constant 0 : i32
    %add3A_28 = arith.addi %add3A_27, %mul3A_4 : i32
    %multiple_of3A_29 = tpu.assume_multiple %add3A_28, 8 : i32
    "tpu.region"() ({
      %run_scoped3A = tpu.sem_alloc : memref<!tpu.dma_semaphore, #tpu.memory_space<semaphore_mem>>
      %dma_start3A = arith.constant 0 : i32
      %dma_start3A_153 = tpu.memref_slice %arg9[%multiple_of3A_29, %dma_start3A] : memref<12288x128xf32, #tpu.memory_space<hbm>> -> memref<64x128xf32, #tpu.memory_space<hbm>>
      %dma_start3A_154 = arith.constant 0 : i32
      %dma_start3A_155 = tpu.memref_slice %arg9[%multiple_of3A_29, %dma_start3A_154] : memref<12288x128xf32, #tpu.memory_space<hbm>> -> memref<64x128xf32, #tpu.memory_space<hbm>>
      tpu.enqueue_dma source(%arg16 : memref<64x128xf32, #tpu.memory_space<vmem>>) target(%dma_start3A_155 : memref<64x128xf32, #tpu.memory_space<hbm>>) target_semaphore(%run_scoped3A : memref<!tpu.dma_semaphore, #tpu.memory_space<semaphore_mem>>)
      %dma_wait3A = arith.constant 0 : i32
      %dma_wait3A_156 = tpu.memref_slice %arg9[%multiple_of3A_29, %dma_wait3A] : memref<12288x128xf32, #tpu.memory_space<hbm>> -> memref<64x128xf32, #tpu.memory_space<hbm>>
      %dma_wait3A_157 = arith.constant 0 : i32
      %dma_wait3A_158 = tpu.memref_slice %arg9[%multiple_of3A_29, %dma_wait3A_157] : memref<12288x128xf32, #tpu.memory_space<hbm>> -> memref<64x128xf32, #tpu.memory_space<hbm>>
      tpu.wait_dma2 semaphore(%run_scoped3A : memref<!tpu.dma_semaphore, #tpu.memory_space<semaphore_mem>>) src(%arg16 : memref<64x128xf32, #tpu.memory_space<vmem>>) dst(%dma_wait3A_158 : memref<64x128xf32, #tpu.memory_space<hbm>>)
      tpu.yield
    }) : () -> ()
    "tpu.region"() ({
      %run_scoped3A = tpu.sem_alloc : memref<!tpu.dma_semaphore, #tpu.memory_space<semaphore_mem>>
      %dma_start3A = arith.constant 0 : i32
      %dma_start3A_153 = tpu.memref_slice %arg11[%dma_start3A] : memref<24576xi32, #tpu.memory_space<vmem>> -> memref<8192xi32, #tpu.memory_space<vmem>>
      %dma_start3A_154 = tpu.memref_slice %arg4[%multiple_of3A] : memref<524288xi32, #tpu.memory_space<hbm>> -> memref<8192xi32, #tpu.memory_space<hbm>>
      %dma_start3A_155 = arith.constant 0 : i32
      %dma_start3A_156 = tpu.memref_slice %arg11[%dma_start3A_155] : memref<24576xi32, #tpu.memory_space<vmem>> -> memref<8192xi32, #tpu.memory_space<vmem>>
      %dma_start3A_157 = tpu.memref_slice %arg4[%multiple_of3A] : memref<524288xi32, #tpu.memory_space<hbm>> -> memref<8192xi32, #tpu.memory_space<hbm>>
      tpu.enqueue_dma source(%dma_start3A_157 : memref<8192xi32, #tpu.memory_space<hbm>>) target(%dma_start3A_156 : memref<8192xi32, #tpu.memory_space<vmem>>) target_semaphore(%run_scoped3A : memref<!tpu.dma_semaphore, #tpu.memory_space<semaphore_mem>>)
      %dma_wait3A = arith.constant 0 : i32
      %dma_wait3A_158 = tpu.memref_slice %arg11[%dma_wait3A] : memref<24576xi32, #tpu.memory_space<vmem>> -> memref<8192xi32, #tpu.memory_space<vmem>>
      %dma_wait3A_159 = tpu.memref_slice %arg4[%multiple_of3A] : memref<524288xi32, #tpu.memory_space<hbm>> -> memref<8192xi32, #tpu.memory_space<hbm>>
      %dma_wait3A_160 = arith.constant 0 : i32
      %dma_wait3A_161 = tpu.memref_slice %arg11[%dma_wait3A_160] : memref<24576xi32, #tpu.memory_space<vmem>> -> memref<8192xi32, #tpu.memory_space<vmem>>
      %dma_wait3A_162 = tpu.memref_slice %arg4[%multiple_of3A] : memref<524288xi32, #tpu.memory_space<hbm>> -> memref<8192xi32, #tpu.memory_space<hbm>>
      tpu.wait_dma2 semaphore(%run_scoped3A : memref<!tpu.dma_semaphore, #tpu.memory_space<semaphore_mem>>) src(%dma_wait3A_162 : memref<8192xi32, #tpu.memory_space<hbm>>) dst(%dma_wait3A_161 : memref<8192xi32, #tpu.memory_space<vmem>>)
      tpu.yield
    }) : () -> ()
    %add3A_30 = arith.constant 262144 : i32
    %add3A_31 = arith.addi %add3A_30, %multiple_of3A : i32
    "tpu.region"() ({
      %run_scoped3A = tpu.sem_alloc : memref<!tpu.dma_semaphore, #tpu.memory_space<semaphore_mem>>
      %dma_start3A = arith.constant 8192 : i32
      %dma_start3A_153 = tpu.memref_slice %arg11[%dma_start3A] : memref<24576xi32, #tpu.memory_space<vmem>> -> memref<8192xi32, #tpu.memory_space<vmem>>
      %dma_start3A_154 = tpu.memref_slice %arg4[%add3A_31] : memref<524288xi32, #tpu.memory_space<hbm>> -> memref<8192xi32, #tpu.memory_space<hbm>>
      %dma_start3A_155 = arith.constant 8192 : i32
      %dma_start3A_156 = tpu.memref_slice %arg11[%dma_start3A_155] : memref<24576xi32, #tpu.memory_space<vmem>> -> memref<8192xi32, #tpu.memory_space<vmem>>
      %dma_start3A_157 = tpu.memref_slice %arg4[%add3A_31] : memref<524288xi32, #tpu.memory_space<hbm>> -> memref<8192xi32, #tpu.memory_space<hbm>>
      tpu.enqueue_dma source(%dma_start3A_157 : memref<8192xi32, #tpu.memory_space<hbm>>) target(%dma_start3A_156 : memref<8192xi32, #tpu.memory_space<vmem>>) target_semaphore(%run_scoped3A : memref<!tpu.dma_semaphore, #tpu.memory_space<semaphore_mem>>)
      %dma_wait3A = arith.constant 8192 : i32
      %dma_wait3A_158 = tpu.memref_slice %arg11[%dma_wait3A] : memref<24576xi32, #tpu.memory_space<vmem>> -> memref<8192xi32, #tpu.memory_space<vmem>>
      %dma_wait3A_159 = tpu.memref_slice %arg4[%add3A_31] : memref<524288xi32, #tpu.memory_space<hbm>> -> memref<8192xi32, #tpu.memory_space<hbm>>
      %dma_wait3A_160 = arith.constant 8192 : i32
      %dma_wait3A_161 = tpu.memref_slice %arg11[%dma_wait3A_160] : memref<24576xi32, #tpu.memory_space<vmem>> -> memref<8192xi32, #tpu.memory_space<vmem>>
      %dma_wait3A_162 = tpu.memref_slice %arg4[%add3A_31] : memref<524288xi32, #tpu.memory_space<hbm>> -> memref<8192xi32, #tpu.memory_space<hbm>>
      tpu.wait_dma2 semaphore(%run_scoped3A : memref<!tpu.dma_semaphore, #tpu.memory_space<semaphore_mem>>) src(%dma_wait3A_162 : memref<8192xi32, #tpu.memory_space<hbm>>) dst(%dma_wait3A_161 : memref<8192xi32, #tpu.memory_space<vmem>>)
      tpu.yield
    }) : () -> ()
    %scan3A_32 = arith.constant 0 : i32
    %scan3A_33 = arith.constant 0 : i32
    %scan3A_34 = arith.constant 512 : i32
    %scan3A_35 = arith.addi %scan3A_33, %scan3A_34 : i32
    %scan3A_36 = arith.constant 1 : i32
    %scan3A_37 = scf.for %scan3A_153 = %scan3A_33 to %scan3A_35 step %scan3A_36 iter_args(%scan3A_154 = %scan3A_32) -> (i32)  : i32 {
      %mul3A_155 = arith.constant 16 : i32
      %mul3A_156 = arith.muli %scan3A_153, %mul3A_155 : i32
      %get3A = arith.index_cast %mul3A_156 : i32 to index
      %get3A_157 = tpu.vector_load %arg11[%get3A] {strides = array<i32>} : memref<24576xi32, #tpu.memory_space<vmem>>, vector<16xi32>,
      %mul3A_158 = arith.constant 16 : i32
      %mul3A_159 = arith.muli %scan3A_153, %mul3A_158 : i32
      %add3A_160 = arith.constant 8192 : i32
      %add3A_161 = arith.addi %add3A_160, %mul3A_159 : i32
      %get3A_162 = arith.index_cast %add3A_161 : i32 to index
      %get3A_163 = tpu.vector_load %arg11[%get3A_162] {strides = array<i32>} : memref<24576xi32, #tpu.memory_space<vmem>>, vector<16xi32>,
      %min3A = arith.minsi %get3A_157, %get3A_163 : vector<16xi32>
      %max3A = arith.maxsi %get3A_157, %get3A_163 : vector<16xi32>
      %shift_right_arithmetic3A = arith.constant 7 : i32
      %shift_right_arithmetic3A_164 = vector.broadcast %shift_right_arithmetic3A : i32 to vector<16xi32>
      %shift_right_arithmetic3A_165 = arith.shrsi %min3A, %shift_right_arithmetic3A_164 : vector<16xi32>
      %shift_right_arithmetic3A_166 = arith.constant 7 : i32
      %shift_right_arithmetic3A_167 = vector.broadcast %shift_right_arithmetic3A_166 : i32 to vector<16xi32>
      %shift_right_arithmetic3A_168 = arith.shrsi %max3A, %shift_right_arithmetic3A_167 : vector<16xi32>
      %lt3A = arith.constant 64 : i32
      %lt3A_169 = vector.broadcast %lt3A : i32 to vector<16xi32>
      %lt3A_170 = arith.cmpi slt, %shift_right_arithmetic3A_165, %lt3A_169 : vector<16xi32>
      %sub3A = arith.constant 127 : i32
      %sub3A_171 = vector.broadcast %sub3A : i32 to vector<16xi32>
      %sub3A_172 = arith.subi %sub3A_171, %shift_right_arithmetic3A_165 : vector<16xi32>
      %select_n3A = arith.select %lt3A_170, %shift_right_arithmetic3A_165, %sub3A_172 : vector<16xi1>, vector<16xi32>
      %sub3A_173 = arith.subi %shift_right_arithmetic3A_168, %shift_right_arithmetic3A_165 : vector<16xi32>
      %add3A_174 = arith.constant 1 : i32
      %add3A_175 = vector.broadcast %add3A_174 : i32 to vector<16xi32>
      %add3A_176 = arith.addi %shift_right_arithmetic3A_168, %add3A_175 : vector<16xi32>
      %select_n3A_177 = arith.select %lt3A_170, %sub3A_173, %add3A_176 : vector<16xi1>, vector<16xi32>
      %mul3A_178 = arith.constant 1056768 : i32
      %mul3A_179 = vector.broadcast %mul3A_178 : i32 to vector<16xi32>
      %mul3A_180 = arith.muli %select_n3A, %mul3A_179 : vector<16xi32>
      %shift_left3A = arith.constant 13 : i32
      %shift_left3A_181 = vector.broadcast %shift_left3A : i32 to vector<16xi32>
      %shift_left3A_182 = arith.shli %select_n3A_177, %shift_left3A_181 : vector<16xi32>
      %add3A_183 = arith.addi %mul3A_180, %shift_left3A_182 : vector<16xi32>
      %and3A = arith.constant 63 : i32
      %and3A_184 = vector.broadcast %and3A : i32 to vector<16xi32>
      %and3A_185 = arith.andi %min3A, %and3A_184 : vector<16xi32>
      %shift_left3A_186 = arith.constant 7 : i32
      %shift_left3A_187 = vector.broadcast %shift_left3A_186 : i32 to vector<16xi32>
      %shift_left3A_188 = arith.shli %and3A_185, %shift_left3A_187 : vector<16xi32>
      %add3A_189 = arith.addi %add3A_183, %shift_left3A_188 : vector<16xi32>
      %and3A_190 = arith.constant 127 : i32
      %and3A_191 = vector.broadcast %and3A_190 : i32 to vector<16xi32>
      %and3A_192 = arith.andi %max3A, %and3A_191 : vector<16xi32>
      %add3A_193 = arith.addi %add3A_189, %and3A_192 : vector<16xi32>
      %and3A_194 = arith.constant 64 : i32
      %and3A_195 = vector.broadcast %and3A_194 : i32 to vector<16xi32>
      %and3A_196 = arith.andi %min3A, %and3A_195 : vector<16xi32>
      %sub3A_197 = arith.constant 64 : i32
      %sub3A_198 = vector.broadcast %sub3A_197 : i32 to vector<16xi32>
      %sub3A_199 = arith.subi %sub3A_198, %and3A_196 : vector<16xi32>
      %shift_right_arithmetic3A_200 = arith.constant 2 : i32
      %shift_right_arithmetic3A_201 = vector.broadcast %shift_right_arithmetic3A_200 : i32 to vector<16xi32>
      %shift_right_arithmetic3A_202 = arith.shrsi %sub3A_199, %shift_right_arithmetic3A_201 : vector<16xi32>
      %jit3A = arith.constant 8 : i32
      %div3A = arith.divsi %scan3A_153, %jit3A : i32
      %sign3A = arith.constant 0 : i32
      %sign3A_203 = arith.cmpi sgt, %scan3A_153, %sign3A : i32
      %sign3A_204 = arith.extui %sign3A_203 : i1 to i32
      %sign3A_205 = arith.constant 0 : i32
      %sign3A_206 = arith.cmpi slt, %scan3A_153, %sign3A_205 : i32
      %sign3A_207 = arith.extui %sign3A_206 : i1 to i32
      %sign3A_208 = arith.subi %sign3A_204, %sign3A_207 : i32
      %sign3A_209 = arith.constant 0 : i32
      %sign3A_210 = arith.cmpi sgt, %jit3A, %sign3A_209 : i32
      %sign3A_211 = arith.extui %sign3A_210 : i1 to i32
      %sign3A_212 = arith.constant 0 : i32
      %sign3A_213 = arith.cmpi slt, %jit3A, %sign3A_212 : i32
      %sign3A_214 = arith.extui %sign3A_213 : i1 to i32
      %sign3A_215 = arith.subi %sign3A_211, %sign3A_214 : i32
      %ne3A = arith.cmpi ne, %sign3A_208, %sign3A_215 : i32
      %rem3A = arith.remsi %scan3A_153, %jit3A : i32
      %ne3A_216 = arith.constant 0 : i32
      %ne3A_217 = arith.cmpi ne, %rem3A, %ne3A_216 : i32
      %and3A_218 = arith.andi %ne3A, %ne3A_217 : i1
      %sub3A_219 = arith.constant 1 : i32
      %sub3A_220 = arith.subi %div3A, %sub3A_219 : i32
      %select_n3A_221 = arith.select %and3A_218, %sub3A_220, %div3A : i32
      %jit3A_222 = arith.constant 8 : i32
      %eq3A = arith.constant 0 : i32
      %eq3A_223 = arith.cmpi eq, %jit3A_222, %eq3A : i32
      %jit3A_224 = arith.constant 1 : i32
      %select_n3A_225 = arith.select %eq3A_223, %jit3A_224, %jit3A_222 : i32
      %rem3A_226 = arith.remsi %scan3A_153, %select_n3A_225 : i32
      %ne3A_227 = arith.constant 0 : i32
      %ne3A_228 = arith.cmpi ne, %rem3A_226, %ne3A_227 : i32
      %lt3A_229 = arith.constant 0 : i32
      %lt3A_230 = arith.cmpi slt, %rem3A_226, %lt3A_229 : i32
      %lt3A_231 = arith.constant 0 : i32
      %lt3A_232 = arith.cmpi slt, %select_n3A_225, %lt3A_231 : i32
      %ne3A_233 = arith.xori %lt3A_230, %lt3A_232 : i1
      %and3A_234 = arith.andi %ne3A_233, %ne3A_228 : i1
      %add3A_235 = arith.addi %rem3A_226, %select_n3A_225 : i32
      %select_n3A_236 = arith.select %and3A_234, %add3A_235, %rem3A_226 : i32
      %mul3A_237 = arith.constant 16 : i32
      %mul3A_238 = arith.muli %select_n3A_236, %mul3A_237 : i32
      %swap3A = arith.index_cast %select_n3A_221 : i32 to index
      %swap3A_239 = arith.index_cast %mul3A_238 : i32 to index
      %swap3A_240 = tpu.vector_load %arg12[%swap3A, %swap3A_239] {strides = array<i32>} : memref<64x128xi32, #tpu.memory_space<vmem>>, vector<16xi32>,
      tpu.vector_store %arg12[%swap3A, %swap3A_239], %add3A_193 {strides = array<i32>} : memref<64x128xi32, #tpu.memory_space<vmem>>, vector<16xi32>,
      %jit3A_241 = arith.constant 8 : i32
      %div3A_242 = arith.divsi %scan3A_153, %jit3A_241 : i32
      %sign3A_243 = arith.constant 0 : i32
      %sign3A_244 = arith.cmpi sgt, %scan3A_153, %sign3A_243 : i32
      %sign3A_245 = arith.extui %sign3A_244 : i1 to i32
      %sign3A_246 = arith.constant 0 : i32
      %sign3A_247 = arith.cmpi slt, %scan3A_153, %sign3A_246 : i32
      %sign3A_248 = arith.extui %sign3A_247 : i1 to i32
      %sign3A_249 = arith.subi %sign3A_245, %sign3A_248 : i32
      %sign3A_250 = arith.constant 0 : i32
      %sign3A_251 = arith.cmpi sgt, %jit3A_241, %sign3A_250 : i32
      %sign3A_252 = arith.extui %sign3A_251 : i1 to i32
      %sign3A_253 = arith.constant 0 : i32
      %sign3A_254 = arith.cmpi slt, %jit3A_241, %sign3A_253 : i32
      %sign3A_255 = arith.extui %sign3A_254 : i1 to i32
      %sign3A_256 = arith.subi %sign3A_252, %sign3A_255 : i32
      %ne3A_257 = arith.cmpi ne, %sign3A_249, %sign3A_256 : i32
      %rem3A_258 = arith.remsi %scan3A_153, %jit3A_241 : i32
      %ne3A_259 = arith.constant 0 : i32
      %ne3A_260 = arith.cmpi ne, %rem3A_258, %ne3A_259 : i32
      %and3A_261 = arith.andi %ne3A_257, %ne3A_260 : i1
      %sub3A_262 = arith.constant 1 : i32
      %sub3A_263 = arith.subi %div3A_242, %sub3A_262 : i32
      %select_n3A_264 = arith.select %and3A_261, %sub3A_263, %div3A_242 : i32
      %jit3A_265 = arith.constant 8 : i32
      %eq3A_266 = arith.constant 0 : i32
      %eq3A_267 = arith.cmpi eq, %jit3A_265, %eq3A_266 : i32
      %jit3A_268 = arith.constant 1 : i32
      %select_n3A_269 = arith.select %eq3A_267, %jit3A_268, %jit3A_265 : i32
      %rem3A_270 = arith.remsi %scan3A_153, %select_n3A_269 : i32
      %ne3A_271 = arith.constant 0 : i32
      %ne3A_272 = arith.cmpi ne, %rem3A_270, %ne3A_271 : i32
      %lt3A_273 = arith.constant 0 : i32
      %lt3A_274 = arith.cmpi slt, %rem3A_270, %lt3A_273 : i32
      %lt3A_275 = arith.constant 0 : i32
      %lt3A_276 = arith.cmpi slt, %select_n3A_269, %lt3A_275 : i32
      %ne3A_277 = arith.xori %lt3A_274, %lt3A_276 : i1
      %and3A_278 = arith.andi %ne3A_277, %ne3A_272 : i1
      %add3A_279 = arith.addi %rem3A_270, %select_n3A_269 : i32
      %select_n3A_280 = arith.select %and3A_278, %add3A_279, %rem3A_270 : i32
      %mul3A_281 = arith.constant 16 : i32
      %mul3A_282 = arith.muli %select_n3A_280, %mul3A_281 : i32
      %swap3A_283 = arith.index_cast %select_n3A_264 : i32 to index
      %swap3A_284 = arith.index_cast %mul3A_282 : i32 to index
      %swap3A_285 = tpu.vector_load %arg18[%swap3A_283, %swap3A_284] {strides = array<i32>} : memref<64x128xi32, #tpu.memory_space<vmem>>, vector<16xi32>,
      tpu.vector_store %arg18[%swap3A_283, %swap3A_284], %shift_right_arithmetic3A_202 {strides = array<i32>} : memref<64x128xi32, #tpu.memory_space<vmem>>, vector<16xi32>,
      %gather3A = tpu.vector_load_idx %arg10[%get3A_157] : memref<16384xf32, #tpu.memory_space<vmem>>[vector<16xi32>], vector<16xf32>,
      %gather3A_286 = tpu.vector_load_idx %arg10[%get3A_163] : memref<16384xf32, #tpu.memory_space<vmem>>[vector<16xi32>], vector<16xf32>,
      %add3A_287 = arith.addf %gather3A, %gather3A_286 : vector<16xf32>
      %jit3A_288 = arith.constant 8 : i32
      %div3A_289 = arith.divsi %scan3A_153, %jit3A_288 : i32
      %sign3A_290 = arith.constant 0 : i32
      %sign3A_291 = arith.cmpi sgt, %scan3A_153, %sign3A_290 : i32
      %sign3A_292 = arith.extui %sign3A_291 : i1 to i32
      %sign3A_293 = arith.constant 0 : i32
      %sign3A_294 = arith.cmpi slt, %scan3A_153, %sign3A_293 : i32
      %sign3A_295 = arith.extui %sign3A_294 : i1 to i32
      %sign3A_296 = arith.subi %sign3A_292, %sign3A_295 : i32
      %sign3A_297 = arith.constant 0 : i32
      %sign3A_298 = arith.cmpi sgt, %jit3A_288, %sign3A_297 : i32
      %sign3A_299 = arith.extui %sign3A_298 : i1 to i32
      %sign3A_300 = arith.constant 0 : i32
      %sign3A_301 = arith.cmpi slt, %jit3A_288, %sign3A_300 : i32
      %sign3A_302 = arith.extui %sign3A_301 : i1 to i32
      %sign3A_303 = arith.subi %sign3A_299, %sign3A_302 : i32
      %ne3A_304 = arith.cmpi ne, %sign3A_296, %sign3A_303 : i32
      %rem3A_305 = arith.remsi %scan3A_153, %jit3A_288 : i32
      %ne3A_306 = arith.constant 0 : i32
      %ne3A_307 = arith.cmpi ne, %rem3A_305, %ne3A_306 : i32
      %and3A_308 = arith.andi %ne3A_304, %ne3A_307 : i1
      %sub3A_309 = arith.constant 1 : i32
      %sub3A_310 = arith.subi %div3A_289, %sub3A_309 : i32
      %select_n3A_311 = arith.select %and3A_308, %sub3A_310, %div3A_289 : i32
      %jit3A_312 = arith.constant 8 : i32
      %eq3A_313 = arith.constant 0 : i32
      %eq3A_314 = arith.cmpi eq, %jit3A_312, %eq3A_313 : i32
      %jit3A_315 = arith.constant 1 : i32
      %select_n3A_316 = arith.select %eq3A_314, %jit3A_315, %jit3A_312 : i32
      %rem3A_317 = arith.remsi %scan3A_153, %select_n3A_316 : i32
      %ne3A_318 = arith.constant 0 : i32
      %ne3A_319 = arith.cmpi ne, %rem3A_317, %ne3A_318 : i32
      %lt3A_320 = arith.constant 0 : i32
      %lt3A_321 = arith.cmpi slt, %rem3A_317, %lt3A_320 : i32
      %lt3A_322 = arith.constant 0 : i32
      %lt3A_323 = arith.cmpi slt, %select_n3A_316, %lt3A_322 : i32
      %ne3A_324 = arith.xori %lt3A_321, %lt3A_323 : i1
      %and3A_325 = arith.andi %ne3A_324, %ne3A_319 : i1
      %add3A_326 = arith.addi %rem3A_317, %select_n3A_316 : i32
      %select_n3A_327 = arith.select %and3A_325, %add3A_326, %rem3A_317 : i32
      %mul3A_328 = arith.constant 16 : i32
      %mul3A_329 = arith.muli %select_n3A_327, %mul3A_328 : i32
      %swap3A_330 = arith.index_cast %select_n3A_311 : i32 to index
      %swap3A_331 = arith.index_cast %mul3A_329 : i32 to index
      %swap3A_332 = tpu.vector_load %arg16[%swap3A_330, %swap3A_331] {strides = array<i32>} : memref<64x128xf32, #tpu.memory_space<vmem>>, vector<16xf32>,
      tpu.vector_store %arg16[%swap3A_330, %swap3A_331], %add3A_287 {strides = array<i32>} : memref<64x128xf32, #tpu.memory_space<vmem>>, vector<16xf32>,
      %jit3A_333 = arith.constant 8 : i32
      %eq3A_334 = arith.constant 0 : i32
      %eq3A_335 = arith.cmpi eq, %jit3A_333, %eq3A_334 : i32
      %jit3A_336 = arith.constant 1 : i32
      %select_n3A_337 = arith.select %eq3A_335, %jit3A_336, %jit3A_333 : i32
      %rem3A_338 = arith.remsi %scan3A_153, %select_n3A_337 : i32
      %ne3A_339 = arith.constant 0 : i32
      %ne3A_340 = arith.cmpi ne, %rem3A_338, %ne3A_339 : i32
      %lt3A_341 = arith.constant 0 : i32
      %lt3A_342 = arith.cmpi slt, %rem3A_338, %lt3A_341 : i32
      %lt3A_343 = arith.constant 0 : i32
      %lt3A_344 = arith.cmpi slt, %select_n3A_337, %lt3A_343 : i32
      %ne3A_345 = arith.xori %lt3A_342, %lt3A_344 : i1
      %and3A_346 = arith.andi %ne3A_345, %ne3A_340 : i1
      %add3A_347 = arith.addi %rem3A_338, %select_n3A_337 : i32
      %select_n3A_348 = arith.select %and3A_346, %add3A_347, %rem3A_338 : i32
      %eq3A_349 = arith.constant 7 : i32
      %eq3A_350 = arith.cmpi eq, %select_n3A_348, %eq3A_349 : i32
      %convert_element_type3A = arith.extui %eq3A_350 : i1 to i32
      %cond3A = arith.constant 0 : i32
      %cond3A_351 = arith.cmpi ne, %convert_element_type3A, %cond3A : i32
      scf.if %cond3A_351 {
        %jit3A_353 = arith.constant 8 : i32
        %div3A_354 = arith.divsi %scan3A_153, %jit3A_353 : i32
        %sign3A_355 = arith.constant 0 : i32
        %sign3A_356 = arith.cmpi sgt, %scan3A_153, %sign3A_355 : i32
        %sign3A_357 = arith.extui %sign3A_356 : i1 to i32
        %sign3A_358 = arith.constant 0 : i32
        %sign3A_359 = arith.cmpi slt, %scan3A_153, %sign3A_358 : i32
        %sign3A_360 = arith.extui %sign3A_359 : i1 to i32
        %sign3A_361 = arith.subi %sign3A_357, %sign3A_360 : i32
        %sign3A_362 = arith.constant 0 : i32
        %sign3A_363 = arith.cmpi sgt, %jit3A_353, %sign3A_362 : i32
        %sign3A_364 = arith.extui %sign3A_363 : i1 to i32
        %sign3A_365 = arith.constant 0 : i32
        %sign3A_366 = arith.cmpi slt, %jit3A_353, %sign3A_365 : i32
        %sign3A_367 = arith.extui %sign3A_366 : i1 to i32
        %sign3A_368 = arith.subi %sign3A_364, %sign3A_367 : i32
        %ne3A_369 = arith.cmpi ne, %sign3A_361, %sign3A_368 : i32
        %rem3A_370 = arith.remsi %scan3A_153, %jit3A_353 : i32
        %ne3A_371 = arith.constant 0 : i32
        %ne3A_372 = arith.cmpi ne, %rem3A_370, %ne3A_371 : i32
        %and3A_373 = arith.andi %ne3A_369, %ne3A_372 : i1
        %sub3A_374 = arith.constant 1 : i32
        %sub3A_375 = arith.subi %div3A_354, %sub3A_374 : i32
        %select_n3A_376 = arith.select %and3A_373, %sub3A_375, %div3A_354 : i32
        %dma_start3A = arith.constant 0 : i32
        %dma_start3A_377 = tpu.memref_slice %arg14[%select_n3A_376, %dma_start3A] : memref<64x128xi32, #tpu.memory_space<vmem>> -> memref<1x128xi32, #tpu.memory_space<vmem>>
        %dma_start3A_378 = tpu.memref_squeeze %dma_start3A_377 : memref<1x128xi32, #tpu.memory_space<vmem>> -> memref<128xi32, #tpu.memory_space<vmem>>
        %dma_start3A_379 = arith.constant 0 : i32
        %dma_start3A_380 = tpu.memref_slice %arg12[%select_n3A_376, %dma_start3A_379] : memref<64x128xi32, #tpu.memory_space<vmem>> -> memref<1x128xi32, #tpu.memory_space<vmem>>
        %dma_start3A_381 = tpu.memref_squeeze %dma_start3A_380 : memref<1x128xi32, #tpu.memory_space<vmem>> -> memref<128xi32, #tpu.memory_space<vmem>>
        %dma_start3A_382 = arith.constant 0 : i32
        %dma_start3A_383 = tpu.memref_slice %arg2[%dma_start3A_382] : memref<67633152xi32, #tpu.memory_space<hbm>> -> memref<67633152xi32, #tpu.memory_space<hbm>>
        tpu.enqueue_indirect_dma source(%dma_start3A_383 : memref<67633152xi32, #tpu.memory_space<hbm>>) target(%dma_start3A_378 : memref<128xi32, #tpu.memory_space<vmem>>) offsets(%dma_start3A_381 : memref<128xi32, #tpu.memory_space<vmem>>) semaphore(%arg20 : memref<!tpu.dma_semaphore, #tpu.memory_space<semaphore_mem>>)
      } else {
      }
      %scan3A_352 = arith.constant 0 : i32
      scf.yield %scan3A_352 : i32
    }
    %scan3A_38 = arith.constant 512 : i32
    %scan3A_39 = arith.constant 0 : i32
    %scan3A_40 = arith.constant 0 : i32
    %scan3A_41 = arith.constant 64 : i32
    %scan3A_42 = arith.addi %scan3A_40, %scan3A_41 : i32
    %scan3A_43 = arith.constant 1 : i32
    %scan3A_44 = scf.for %scan3A_153 = %scan3A_40 to %scan3A_42 step %scan3A_43 iter_args(%scan3A_154 = %scan3A_39) -> (i32)  : i32 {
      %dma_wait3A = arith.constant 0 : i32
      %dma_wait3A_155 = tpu.memref_slice %arg14[%scan3A_153, %dma_wait3A] : memref<64x128xi32, #tpu.memory_space<vmem>> -> memref<1x128xi32, #tpu.memory_space<vmem>>
      %dma_wait3A_156 = tpu.memref_squeeze %dma_wait3A_155 : memref<1x128xi32, #tpu.memory_space<vmem>> -> memref<128xi32, #tpu.memory_space<vmem>>
      %dma_wait3A_157 = arith.constant 0 : i32
      %dma_wait3A_158 = tpu.memref_slice %arg12[%scan3A_153, %dma_wait3A_157] : memref<64x128xi32, #tpu.memory_space<vmem>> -> memref<1x128xi32, #tpu.memory_space<vmem>>
      %dma_wait3A_159 = tpu.memref_squeeze %dma_wait3A_158 : memref<1x128xi32, #tpu.memory_space<vmem>> -> memref<128xi32, #tpu.memory_space<vmem>>
      %dma_wait3A_160 = arith.constant 0 : i32
      %dma_wait3A_161 = tpu.memref_slice %arg2[%dma_wait3A_160] : memref<67633152xi32, #tpu.memory_space<hbm>> -> memref<67633152xi32, #tpu.memory_space<hbm>>
      tpu.wait_indirect_dma semaphore(%arg20 : memref<!tpu.dma_semaphore, #tpu.memory_space<semaphore_mem>>) src(%dma_wait3A_161 : memref<67633152xi32, #tpu.memory_space<hbm>>) dst(%dma_wait3A_156 : memref<128xi32, #tpu.memory_space<vmem>>)
      %scan3A_162 = arith.constant 0 : i32
      scf.yield %scan3A_162 : i32
    }
    %scan3A_45 = arith.constant 64 : i32
    %scan3A_46 = arith.constant 0 : i32
    %scan3A_47 = arith.constant 0 : i32
    %scan3A_48 = arith.constant 512 : i32
    %scan3A_49 = arith.addi %scan3A_47, %scan3A_48 : i32
    %scan3A_50 = arith.constant 1 : i32
    %scan3A_51 = scf.for %scan3A_153 = %scan3A_47 to %scan3A_49 step %scan3A_50 iter_args(%scan3A_154 = %scan3A_46) -> (i32)  : i32 {
      %jit3A = arith.constant 8 : i32
      %div3A = arith.divsi %scan3A_153, %jit3A : i32
      %sign3A = arith.constant 0 : i32
      %sign3A_155 = arith.cmpi sgt, %scan3A_153, %sign3A : i32
      %sign3A_156 = arith.extui %sign3A_155 : i1 to i32
      %sign3A_157 = arith.constant 0 : i32
      %sign3A_158 = arith.cmpi slt, %scan3A_153, %sign3A_157 : i32
      %sign3A_159 = arith.extui %sign3A_158 : i1 to i32
      %sign3A_160 = arith.subi %sign3A_156, %sign3A_159 : i32
      %sign3A_161 = arith.constant 0 : i32
      %sign3A_162 = arith.cmpi sgt, %jit3A, %sign3A_161 : i32
      %sign3A_163 = arith.extui %sign3A_162 : i1 to i32
      %sign3A_164 = arith.constant 0 : i32
      %sign3A_165 = arith.cmpi slt, %jit3A, %sign3A_164 : i32
      %sign3A_166 = arith.extui %sign3A_165 : i1 to i32
      %sign3A_167 = arith.subi %sign3A_163, %sign3A_166 : i32
      %ne3A = arith.cmpi ne, %sign3A_160, %sign3A_167 : i32
      %rem3A = arith.remsi %scan3A_153, %jit3A : i32
      %ne3A_168 = arith.constant 0 : i32
      %ne3A_169 = arith.cmpi ne, %rem3A, %ne3A_168 : i32
      %and3A = arith.andi %ne3A, %ne3A_169 : i1
      %sub3A = arith.constant 1 : i32
      %sub3A_170 = arith.subi %div3A, %sub3A : i32
      %select_n3A = arith.select %and3A, %sub3A_170, %div3A : i32
      %jit3A_171 = arith.constant 8 : i32
      %eq3A = arith.constant 0 : i32
      %eq3A_172 = arith.cmpi eq, %jit3A_171, %eq3A : i32
      %jit3A_173 = arith.constant 1 : i32
      %select_n3A_174 = arith.select %eq3A_172, %jit3A_173, %jit3A_171 : i32
      %rem3A_175 = arith.remsi %scan3A_153, %select_n3A_174 : i32
      %ne3A_176 = arith.constant 0 : i32
      %ne3A_177 = arith.cmpi ne, %rem3A_175, %ne3A_176 : i32
      %lt3A = arith.constant 0 : i32
      %lt3A_178 = arith.cmpi slt, %rem3A_175, %lt3A : i32
      %lt3A_179 = arith.constant 0 : i32
      %lt3A_180 = arith.cmpi slt, %select_n3A_174, %lt3A_179 : i32
      %ne3A_181 = arith.xori %lt3A_178, %lt3A_180 : i1
      %and3A_182 = arith.andi %ne3A_181, %ne3A_177 : i1
      %add3A_183 = arith.addi %rem3A_175, %select_n3A_174 : i32
      %select_n3A_184 = arith.select %and3A_182, %add3A_183, %rem3A_175 : i32
      %mul3A_185 = arith.constant 16 : i32
      %mul3A_186 = arith.muli %select_n3A_184, %mul3A_185 : i32
      %get3A = arith.index_cast %select_n3A : i32 to index
      %get3A_187 = arith.index_cast %mul3A_186 : i32 to index
      %get3A_188 = tpu.vector_load %arg14[%get3A, %get3A_187] {strides = array<i32>} : memref<64x128xi32, #tpu.memory_space<vmem>>, vector<16xi32>,
      %jit3A_189 = arith.constant 8 : i32
      %div3A_190 = arith.divsi %scan3A_153, %jit3A_189 : i32
      %sign3A_191 = arith.constant 0 : i32
      %sign3A_192 = arith.cmpi sgt, %scan3A_153, %sign3A_191 : i32
      %sign3A_193 = arith.extui %sign3A_192 : i1 to i32
      %sign3A_194 = arith.constant 0 : i32
      %sign3A_195 = arith.cmpi slt, %scan3A_153, %sign3A_194 : i32
      %sign3A_196 = arith.extui %sign3A_195 : i1 to i32
      %sign3A_197 = arith.subi %sign3A_193, %sign3A_196 : i32
      %sign3A_198 = arith.constant 0 : i32
      %sign3A_199 = arith.cmpi sgt, %jit3A_189, %sign3A_198 : i32
      %sign3A_200 = arith.extui %sign3A_199 : i1 to i32
      %sign3A_201 = arith.constant 0 : i32
      %sign3A_202 = arith.cmpi slt, %jit3A_189, %sign3A_201 : i32
      %sign3A_203 = arith.extui %sign3A_202 : i1 to i32
      %sign3A_204 = arith.subi %sign3A_200, %sign3A_203 : i32
      %ne3A_205 = arith.cmpi ne, %sign3A_197, %sign3A_204 : i32
      %rem3A_206 = arith.remsi %scan3A_153, %jit3A_189 : i32
      %ne3A_207 = arith.constant 0 : i32
      %ne3A_208 = arith.cmpi ne, %rem3A_206, %ne3A_207 : i32
      %and3A_209 = arith.andi %ne3A_205, %ne3A_208 : i1
      %sub3A_210 = arith.constant 1 : i32
      %sub3A_211 = arith.subi %div3A_190, %sub3A_210 : i32
      %select_n3A_212 = arith.select %and3A_209, %sub3A_211, %div3A_190 : i32
      %jit3A_213 = arith.constant 8 : i32
      %eq3A_214 = arith.constant 0 : i32
      %eq3A_215 = arith.cmpi eq, %jit3A_213, %eq3A_214 : i32
      %jit3A_216 = arith.constant 1 : i32
      %select_n3A_217 = arith.select %eq3A_215, %jit3A_216, %jit3A_213 : i32
      %rem3A_218 = arith.remsi %scan3A_153, %select_n3A_217 : i32
      %ne3A_219 = arith.constant 0 : i32
      %ne3A_220 = arith.cmpi ne, %rem3A_218, %ne3A_219 : i32
      %lt3A_221 = arith.constant 0 : i32
      %lt3A_222 = arith.cmpi slt, %rem3A_218, %lt3A_221 : i32
      %lt3A_223 = arith.constant 0 : i32
      %lt3A_224 = arith.cmpi slt, %select_n3A_217, %lt3A_223 : i32
      %ne3A_225 = arith.xori %lt3A_222, %lt3A_224 : i1
      %and3A_226 = arith.andi %ne3A_225, %ne3A_220 : i1
      %add3A_227 = arith.addi %rem3A_218, %select_n3A_217 : i32
      %select_n3A_228 = arith.select %and3A_226, %add3A_227, %rem3A_218 : i32
      %mul3A_229 = arith.constant 16 : i32
      %mul3A_230 = arith.muli %select_n3A_228, %mul3A_229 : i32
      %get3A_231 = arith.index_cast %select_n3A_212 : i32 to index
      %get3A_232 = arith.index_cast %mul3A_230 : i32 to index
      %get3A_233 = tpu.vector_load %arg18[%get3A_231, %get3A_232] {strides = array<i32>} : memref<64x128xi32, #tpu.memory_space<vmem>>, vector<16xi32>,
      %shift_left3A = arith.shli %get3A_188, %get3A_233 : vector<16xi32>
      %and3A_234 = arith.constant -65536 : i32
      %and3A_235 = vector.broadcast %and3A_234 : i32 to vector<16xi32>
      %and3A_236 = arith.andi %shift_left3A, %and3A_235 : vector<16xi32>
      %bitcast3A = vector.bitcast %and3A_236 : vector<16xi32> to vector<16xf32>
      %jit3A_237 = arith.constant 8 : i32
      %div3A_238 = arith.divsi %scan3A_153, %jit3A_237 : i32
      %sign3A_239 = arith.constant 0 : i32
      %sign3A_240 = arith.cmpi sgt, %scan3A_153, %sign3A_239 : i32
      %sign3A_241 = arith.extui %sign3A_240 : i1 to i32
      %sign3A_242 = arith.constant 0 : i32
      %sign3A_243 = arith.cmpi slt, %scan3A_153, %sign3A_242 : i32
      %sign3A_244 = arith.extui %sign3A_243 : i1 to i32
      %sign3A_245 = arith.subi %sign3A_241, %sign3A_244 : i32
      %sign3A_246 = arith.constant 0 : i32
      %sign3A_247 = arith.cmpi sgt, %jit3A_237, %sign3A_246 : i32
      %sign3A_248 = arith.extui %sign3A_247 : i1 to i32
      %sign3A_249 = arith.constant 0 : i32
      %sign3A_250 = arith.cmpi slt, %jit3A_237, %sign3A_249 : i32
      %sign3A_251 = arith.extui %sign3A_250 : i1 to i32
      %sign3A_252 = arith.subi %sign3A_248, %sign3A_251 : i32
      %ne3A_253 = arith.cmpi ne, %sign3A_245, %sign3A_252 : i32
      %rem3A_254 = arith.remsi %scan3A_153, %jit3A_237 : i32
      %ne3A_255 = arith.constant 0 : i32
      %ne3A_256 = arith.cmpi ne, %rem3A_254, %ne3A_255 : i32
      %and3A_257 = arith.andi %ne3A_253, %ne3A_256 : i1
      %sub3A_258 = arith.constant 1 : i32
      %sub3A_259 = arith.subi %div3A_238, %sub3A_258 : i32
      %select_n3A_260 = arith.select %and3A_257, %sub3A_259, %div3A_238 : i32
      %jit3A_261 = arith.constant 8 : i32
      %eq3A_262 = arith.constant 0 : i32
      %eq3A_263 = arith.cmpi eq, %jit3A_261, %eq3A_262 : i32
      %jit3A_264 = arith.constant 1 : i32
      %select_n3A_265 = arith.select %eq3A_263, %jit3A_264, %jit3A_261 : i32
      %rem3A_266 = arith.remsi %scan3A_153, %select_n3A_265 : i32
      %ne3A_267 = arith.constant 0 : i32
      %ne3A_268 = arith.cmpi ne, %rem3A_266, %ne3A_267 : i32
      %lt3A_269 = arith.constant 0 : i32
      %lt3A_270 = arith.cmpi slt, %rem3A_266, %lt3A_269 : i32
      %lt3A_271 = arith.constant 0 : i32
      %lt3A_272 = arith.cmpi slt, %select_n3A_265, %lt3A_271 : i32
      %ne3A_273 = arith.xori %lt3A_270, %lt3A_272 : i1
      %and3A_274 = arith.andi %ne3A_273, %ne3A_268 : i1
      %add3A_275 = arith.addi %rem3A_266, %select_n3A_265 : i32
      %select_n3A_276 = arith.select %and3A_274, %add3A_275, %rem3A_266 : i32
      %mul3A_277 = arith.constant 16 : i32
      %mul3A_278 = arith.muli %select_n3A_276, %mul3A_277 : i32
      %get3A_279 = arith.index_cast %select_n3A_260 : i32 to index
      %get3A_280 = arith.index_cast %mul3A_278 : i32 to index
      %get3A_281 = tpu.vector_load %arg16[%get3A_279, %get3A_280] {strides = array<i32>} : memref<64x128xf32, #tpu.memory_space<vmem>>, vector<16xf32>,
      %mul3A_282 = arith.constant 2.000000e+00 : f32
      %mul3A_283 = vector.broadcast %mul3A_282 : f32 to vector<16xf32>
      %mul3A_284 = arith.mulf %mul3A_283, %bitcast3A : vector<16xf32>
      %sub3A_285 = arith.subf %get3A_281, %mul3A_284 : vector<16xf32>
      %jit3A_286 = arith.constant 8 : i32
      %div3A_287 = arith.divsi %scan3A_153, %jit3A_286 : i32
      %sign3A_288 = arith.constant 0 : i32
      %sign3A_289 = arith.cmpi sgt, %scan3A_153, %sign3A_288 : i32
      %sign3A_290 = arith.extui %sign3A_289 : i1 to i32
      %sign3A_291 = arith.constant 0 : i32
      %sign3A_292 = arith.cmpi slt, %scan3A_153, %sign3A_291 : i32
      %sign3A_293 = arith.extui %sign3A_292 : i1 to i32
      %sign3A_294 = arith.subi %sign3A_290, %sign3A_293 : i32
      %sign3A_295 = arith.constant 0 : i32
      %sign3A_296 = arith.cmpi sgt, %jit3A_286, %sign3A_295 : i32
      %sign3A_297 = arith.extui %sign3A_296 : i1 to i32
      %sign3A_298 = arith.constant 0 : i32
      %sign3A_299 = arith.cmpi slt, %jit3A_286, %sign3A_298 : i32
      %sign3A_300 = arith.extui %sign3A_299 : i1 to i32
      %sign3A_301 = arith.subi %sign3A_297, %sign3A_300 : i32
      %ne3A_302 = arith.cmpi ne, %sign3A_294, %sign3A_301 : i32
      %rem3A_303 = arith.remsi %scan3A_153, %jit3A_286 : i32
      %ne3A_304 = arith.constant 0 : i32
      %ne3A_305 = arith.cmpi ne, %rem3A_303, %ne3A_304 : i32
      %and3A_306 = arith.andi %ne3A_302, %ne3A_305 : i1
      %sub3A_307 = arith.constant 1 : i32
      %sub3A_308 = arith.subi %div3A_287, %sub3A_307 : i32
      %select_n3A_309 = arith.select %and3A_306, %sub3A_308, %div3A_287 : i32
      %jit3A_310 = arith.constant 8 : i32
      %eq3A_311 = arith.constant 0 : i32
      %eq3A_312 = arith.cmpi eq, %jit3A_310, %eq3A_311 : i32
      %jit3A_313 = arith.constant 1 : i32
      %select_n3A_314 = arith.select %eq3A_312, %jit3A_313, %jit3A_310 : i32
      %rem3A_315 = arith.remsi %scan3A_153, %select_n3A_314 : i32
      %ne3A_316 = arith.constant 0 : i32
      %ne3A_317 = arith.cmpi ne, %rem3A_315, %ne3A_316 : i32
      %lt3A_318 = arith.constant 0 : i32
      %lt3A_319 = arith.cmpi slt, %rem3A_315, %lt3A_318 : i32
      %lt3A_320 = arith.constant 0 : i32
      %lt3A_321 = arith.cmpi slt, %select_n3A_314, %lt3A_320 : i32
      %ne3A_322 = arith.xori %lt3A_319, %lt3A_321 : i1
      %and3A_323 = arith.andi %ne3A_322, %ne3A_317 : i1
      %add3A_324 = arith.addi %rem3A_315, %select_n3A_314 : i32
      %select_n3A_325 = arith.select %and3A_323, %add3A_324, %rem3A_315 : i32
      %mul3A_326 = arith.constant 16 : i32
      %mul3A_327 = arith.muli %select_n3A_325, %mul3A_326 : i32
      %swap3A = arith.index_cast %select_n3A_309 : i32 to index
      %swap3A_328 = arith.index_cast %mul3A_327 : i32 to index
      %swap3A_329 = tpu.vector_load %arg16[%swap3A, %swap3A_328] {strides = array<i32>} : memref<64x128xf32, #tpu.memory_space<vmem>>, vector<16xf32>,
      tpu.vector_store %arg16[%swap3A, %swap3A_328], %sub3A_285 {strides = array<i32>} : memref<64x128xf32, #tpu.memory_space<vmem>>, vector<16xf32>,
      %scan3A_330 = arith.constant 0 : i32
      scf.yield %scan3A_330 : i32
    }
    %scan3A_52 = arith.constant 512 : i32
    %add3A_53 = arith.constant 2048 : i32
    %add3A_54 = arith.addi %add3A_53, %mul3A_4 : i32
    %multiple_of3A_55 = tpu.assume_multiple %add3A_54, 8 : i32
    "tpu.region"() ({
      %run_scoped3A = tpu.sem_alloc : memref<!tpu.dma_semaphore, #tpu.memory_space<semaphore_mem>>
      %dma_start3A = arith.constant 0 : i32
      %dma_start3A_153 = tpu.memref_slice %arg9[%multiple_of3A_55, %dma_start3A] : memref<12288x128xf32, #tpu.memory_space<hbm>> -> memref<64x128xf32, #tpu.memory_space<hbm>>
      %dma_start3A_154 = arith.constant 0 : i32
      %dma_start3A_155 = tpu.memref_slice %arg9[%multiple_of3A_55, %dma_start3A_154] : memref<12288x128xf32, #tpu.memory_space<hbm>> -> memref<64x128xf32, #tpu.memory_space<hbm>>
      tpu.enqueue_dma source(%arg16 : memref<64x128xf32, #tpu.memory_space<vmem>>) target(%dma_start3A_155 : memref<64x128xf32, #tpu.memory_space<hbm>>) target_semaphore(%run_scoped3A : memref<!tpu.dma_semaphore, #tpu.memory_space<semaphore_mem>>)
      %dma_wait3A = arith.constant 0 : i32
      %dma_wait3A_156 = tpu.memref_slice %arg9[%multiple_of3A_55, %dma_wait3A] : memref<12288x128xf32, #tpu.memory_space<hbm>> -> memref<64x128xf32, #tpu.memory_space<hbm>>
      %dma_wait3A_157 = arith.constant 0 : i32
      %dma_wait3A_158 = tpu.memref_slice %arg9[%multiple_of3A_55, %dma_wait3A_157] : memref<12288x128xf32, #tpu.memory_space<hbm>> -> memref<64x128xf32, #tpu.memory_space<hbm>>
      tpu.wait_dma2 semaphore(%run_scoped3A : memref<!tpu.dma_semaphore, #tpu.memory_space<semaphore_mem>>) src(%arg16 : memref<64x128xf32, #tpu.memory_space<vmem>>) dst(%dma_wait3A_158 : memref<64x128xf32, #tpu.memory_space<hbm>>)
      tpu.yield
    }) : () -> ()
    "tpu.region"() ({
      %run_scoped3A = tpu.sem_alloc : memref<!tpu.dma_semaphore, #tpu.memory_space<semaphore_mem>>
      %dma_start3A = arith.constant 0 : i32
      %dma_start3A_153 = tpu.memref_slice %arg11[%dma_start3A] : memref<24576xi32, #tpu.memory_space<vmem>> -> memref<8192xi32, #tpu.memory_space<vmem>>
      %dma_start3A_154 = tpu.memref_slice %arg5[%multiple_of3A] : memref<524288xi32, #tpu.memory_space<hbm>> -> memref<8192xi32, #tpu.memory_space<hbm>>
      %dma_start3A_155 = arith.constant 0 : i32
      %dma_start3A_156 = tpu.memref_slice %arg11[%dma_start3A_155] : memref<24576xi32, #tpu.memory_space<vmem>> -> memref<8192xi32, #tpu.memory_space<vmem>>
      %dma_start3A_157 = tpu.memref_slice %arg5[%multiple_of3A] : memref<524288xi32, #tpu.memory_space<hbm>> -> memref<8192xi32, #tpu.memory_space<hbm>>
      tpu.enqueue_dma source(%dma_start3A_157 : memref<8192xi32, #tpu.memory_space<hbm>>) target(%dma_start3A_156 : memref<8192xi32, #tpu.memory_space<vmem>>) target_semaphore(%run_scoped3A : memref<!tpu.dma_semaphore, #tpu.memory_space<semaphore_mem>>)
      %dma_wait3A = arith.constant 0 : i32
      %dma_wait3A_158 = tpu.memref_slice %arg11[%dma_wait3A] : memref<24576xi32, #tpu.memory_space<vmem>> -> memref<8192xi32, #tpu.memory_space<vmem>>
      %dma_wait3A_159 = tpu.memref_slice %arg5[%multiple_of3A] : memref<524288xi32, #tpu.memory_space<hbm>> -> memref<8192xi32, #tpu.memory_space<hbm>>
      %dma_wait3A_160 = arith.constant 0 : i32
      %dma_wait3A_161 = tpu.memref_slice %arg11[%dma_wait3A_160] : memref<24576xi32, #tpu.memory_space<vmem>> -> memref<8192xi32, #tpu.memory_space<vmem>>
      %dma_wait3A_162 = tpu.memref_slice %arg5[%multiple_of3A] : memref<524288xi32, #tpu.memory_space<hbm>> -> memref<8192xi32, #tpu.memory_space<hbm>>
      tpu.wait_dma2 semaphore(%run_scoped3A : memref<!tpu.dma_semaphore, #tpu.memory_space<semaphore_mem>>) src(%dma_wait3A_162 : memref<8192xi32, #tpu.memory_space<hbm>>) dst(%dma_wait3A_161 : memref<8192xi32, #tpu.memory_space<vmem>>)
      tpu.yield
    }) : () -> ()
    %add3A_56 = arith.constant 262144 : i32
    %add3A_57 = arith.addi %add3A_56, %multiple_of3A : i32
    "tpu.region"() ({
      %run_scoped3A = tpu.sem_alloc : memref<!tpu.dma_semaphore, #tpu.memory_space<semaphore_mem>>
      %dma_start3A = arith.constant 8192 : i32
      %dma_start3A_153 = tpu.memref_slice %arg11[%dma_start3A] : memref<24576xi32, #tpu.memory_space<vmem>> -> memref<8192xi32, #tpu.memory_space<vmem>>
      %dma_start3A_154 = tpu.memref_slice %arg5[%add3A_57] : memref<524288xi32, #tpu.memory_space<hbm>> -> memref<8192xi32, #tpu.memory_space<hbm>>
      %dma_start3A_155 = arith.constant 8192 : i32
      %dma_start3A_156 = tpu.memref_slice %arg11[%dma_start3A_155] : memref<24576xi32, #tpu.memory_space<vmem>> -> memref<8192xi32, #tpu.memory_space<vmem>>
      %dma_start3A_157 = tpu.memref_slice %arg5[%add3A_57] : memref<524288xi32, #tpu.memory_space<hbm>> -> memref<8192xi32, #tpu.memory_space<hbm>>
      tpu.enqueue_dma source(%dma_start3A_157 : memref<8192xi32, #tpu.memory_space<hbm>>) target(%dma_start3A_156 : memref<8192xi32, #tpu.memory_space<vmem>>) target_semaphore(%run_scoped3A : memref<!tpu.dma_semaphore, #tpu.memory_space<semaphore_mem>>)
      %dma_wait3A = arith.constant 8192 : i32
      %dma_wait3A_158 = tpu.memref_slice %arg11[%dma_wait3A] : memref<24576xi32, #tpu.memory_space<vmem>> -> memref<8192xi32, #tpu.memory_space<vmem>>
      %dma_wait3A_159 = tpu.memref_slice %arg5[%add3A_57] : memref<524288xi32, #tpu.memory_space<hbm>> -> memref<8192xi32, #tpu.memory_space<hbm>>
      %dma_wait3A_160 = arith.constant 8192 : i32
      %dma_wait3A_161 = tpu.memref_slice %arg11[%dma_wait3A_160] : memref<24576xi32, #tpu.memory_space<vmem>> -> memref<8192xi32, #tpu.memory_space<vmem>>
      %dma_wait3A_162 = tpu.memref_slice %arg5[%add3A_57] : memref<524288xi32, #tpu.memory_space<hbm>> -> memref<8192xi32, #tpu.memory_space<hbm>>
      tpu.wait_dma2 semaphore(%run_scoped3A : memref<!tpu.dma_semaphore, #tpu.memory_space<semaphore_mem>>) src(%dma_wait3A_162 : memref<8192xi32, #tpu.memory_space<hbm>>) dst(%dma_wait3A_161 : memref<8192xi32, #tpu.memory_space<vmem>>)
      tpu.yield
    }) : () -> ()
    %scan3A_58 = arith.constant 0 : i32
    %scan3A_59 = arith.constant 0 : i32
    %scan3A_60 = arith.constant 512 : i32
    %scan3A_61 = arith.addi %scan3A_59, %scan3A_60 : i32
    %scan3A_62 = arith.constant 1 : i32
    %scan3A_63 = scf.for %scan3A_153 = %scan3A_59 to %scan3A_61 step %scan3A_62 iter_args(%scan3A_154 = %scan3A_58) -> (i32)  : i32 {
      %mul3A_155 = arith.constant 16 : i32
      %mul3A_156 = arith.muli %scan3A_153, %mul3A_155 : i32
      %get3A = arith.index_cast %mul3A_156 : i32 to index
      %get3A_157 = tpu.vector_load %arg11[%get3A] {strides = array<i32>} : memref<24576xi32, #tpu.memory_space<vmem>>, vector<16xi32>,
      %mul3A_158 = arith.constant 16 : i32
      %mul3A_159 = arith.muli %scan3A_153, %mul3A_158 : i32
      %add3A_160 = arith.constant 8192 : i32
      %add3A_161 = arith.addi %add3A_160, %mul3A_159 : i32
      %get3A_162 = arith.index_cast %add3A_161 : i32 to index
      %get3A_163 = tpu.vector_load %arg11[%get3A_162] {strides = array<i32>} : memref<24576xi32, #tpu.memory_space<vmem>>, vector<16xi32>,
      %min3A = arith.minsi %get3A_157, %get3A_163 : vector<16xi32>
      %max3A = arith.maxsi %get3A_157, %get3A_163 : vector<16xi32>
      %shift_right_arithmetic3A = arith.constant 7 : i32
      %shift_right_arithmetic3A_164 = vector.broadcast %shift_right_arithmetic3A : i32 to vector<16xi32>
      %shift_right_arithmetic3A_165 = arith.shrsi %min3A, %shift_right_arithmetic3A_164 : vector<16xi32>
      %shift_right_arithmetic3A_166 = arith.constant 7 : i32
      %shift_right_arithmetic3A_167 = vector.broadcast %shift_right_arithmetic3A_166 : i32 to vector<16xi32>
      %shift_right_arithmetic3A_168 = arith.shrsi %max3A, %shift_right_arithmetic3A_167 : vector<16xi32>
      %lt3A = arith.constant 64 : i32
      %lt3A_169 = vector.broadcast %lt3A : i32 to vector<16xi32>
      %lt3A_170 = arith.cmpi slt, %shift_right_arithmetic3A_165, %lt3A_169 : vector<16xi32>
      %sub3A = arith.constant 127 : i32
      %sub3A_171 = vector.broadcast %sub3A : i32 to vector<16xi32>
      %sub3A_172 = arith.subi %sub3A_171, %shift_right_arithmetic3A_165 : vector<16xi32>
      %select_n3A = arith.select %lt3A_170, %shift_right_arithmetic3A_165, %sub3A_172 : vector<16xi1>, vector<16xi32>
      %sub3A_173 = arith.subi %shift_right_arithmetic3A_168, %shift_right_arithmetic3A_165 : vector<16xi32>
      %add3A_174 = arith.constant 1 : i32
      %add3A_175 = vector.broadcast %add3A_174 : i32 to vector<16xi32>
      %add3A_176 = arith.addi %shift_right_arithmetic3A_168, %add3A_175 : vector<16xi32>
      %select_n3A_177 = arith.select %lt3A_170, %sub3A_173, %add3A_176 : vector<16xi1>, vector<16xi32>
      %mul3A_178 = arith.constant 1056768 : i32
      %mul3A_179 = vector.broadcast %mul3A_178 : i32 to vector<16xi32>
      %mul3A_180 = arith.muli %select_n3A, %mul3A_179 : vector<16xi32>
      %shift_left3A = arith.constant 13 : i32
      %shift_left3A_181 = vector.broadcast %shift_left3A : i32 to vector<16xi32>
      %shift_left3A_182 = arith.shli %select_n3A_177, %shift_left3A_181 : vector<16xi32>
      %add3A_183 = arith.addi %mul3A_180, %shift_left3A_182 : vector<16xi32>
      %and3A = arith.constant 63 : i32
      %and3A_184 = vector.broadcast %and3A : i32 to vector<16xi32>
      %and3A_185 = arith.andi %min3A, %and3A_184 : vector<16xi32>
      %shift_left3A_186 = arith.constant 7 : i32
      %shift_left3A_187 = vector.broadcast %shift_left3A_186 : i32 to vector<16xi32>
      %shift_left3A_188 = arith.shli %and3A_185, %shift_left3A_187 : vector<16xi32>
      %add3A_189 = arith.addi %add3A_183, %shift_left3A_188 : vector<16xi32>
      %and3A_190 = arith.constant 127 : i32
      %and3A_191 = vector.broadcast %and3A_190 : i32 to vector<16xi32>
      %and3A_192 = arith.andi %max3A, %and3A_191 : vector<16xi32>
      %add3A_193 = arith.addi %add3A_189, %and3A_192 : vector<16xi32>
      %and3A_194 = arith.constant 64 : i32
      %and3A_195 = vector.broadcast %and3A_194 : i32 to vector<16xi32>
      %and3A_196 = arith.andi %min3A, %and3A_195 : vector<16xi32>
      %sub3A_197 = arith.constant 64 : i32
      %sub3A_198 = vector.broadcast %sub3A_197 : i32 to vector<16xi32>
      %sub3A_199 = arith.subi %sub3A_198, %and3A_196 : vector<16xi32>
      %shift_right_arithmetic3A_200 = arith.constant 2 : i32
      %shift_right_arithmetic3A_201 = vector.broadcast %shift_right_arithmetic3A_200 : i32 to vector<16xi32>
      %shift_right_arithmetic3A_202 = arith.shrsi %sub3A_199, %shift_right_arithmetic3A_201 : vector<16xi32>
      %jit3A = arith.constant 8 : i32
      %div3A = arith.divsi %scan3A_153, %jit3A : i32
      %sign3A = arith.constant 0 : i32
      %sign3A_203 = arith.cmpi sgt, %scan3A_153, %sign3A : i32
      %sign3A_204 = arith.extui %sign3A_203 : i1 to i32
      %sign3A_205 = arith.constant 0 : i32
      %sign3A_206 = arith.cmpi slt, %scan3A_153, %sign3A_205 : i32
      %sign3A_207 = arith.extui %sign3A_206 : i1 to i32
      %sign3A_208 = arith.subi %sign3A_204, %sign3A_207 : i32
      %sign3A_209 = arith.constant 0 : i32
      %sign3A_210 = arith.cmpi sgt, %jit3A, %sign3A_209 : i32
      %sign3A_211 = arith.extui %sign3A_210 : i1 to i32
      %sign3A_212 = arith.constant 0 : i32
      %sign3A_213 = arith.cmpi slt, %jit3A, %sign3A_212 : i32
      %sign3A_214 = arith.extui %sign3A_213 : i1 to i32
      %sign3A_215 = arith.subi %sign3A_211, %sign3A_214 : i32
      %ne3A = arith.cmpi ne, %sign3A_208, %sign3A_215 : i32
      %rem3A = arith.remsi %scan3A_153, %jit3A : i32
      %ne3A_216 = arith.constant 0 : i32
      %ne3A_217 = arith.cmpi ne, %rem3A, %ne3A_216 : i32
      %and3A_218 = arith.andi %ne3A, %ne3A_217 : i1
      %sub3A_219 = arith.constant 1 : i32
      %sub3A_220 = arith.subi %div3A, %sub3A_219 : i32
      %select_n3A_221 = arith.select %and3A_218, %sub3A_220, %div3A : i32
      %jit3A_222 = arith.constant 8 : i32
      %eq3A = arith.constant 0 : i32
      %eq3A_223 = arith.cmpi eq, %jit3A_222, %eq3A : i32
      %jit3A_224 = arith.constant 1 : i32
      %select_n3A_225 = arith.select %eq3A_223, %jit3A_224, %jit3A_222 : i32
      %rem3A_226 = arith.remsi %scan3A_153, %select_n3A_225 : i32
      %ne3A_227 = arith.constant 0 : i32
      %ne3A_228 = arith.cmpi ne, %rem3A_226, %ne3A_227 : i32
      %lt3A_229 = arith.constant 0 : i32
      %lt3A_230 = arith.cmpi slt, %rem3A_226, %lt3A_229 : i32
      %lt3A_231 = arith.constant 0 : i32
      %lt3A_232 = arith.cmpi slt, %select_n3A_225, %lt3A_231 : i32
      %ne3A_233 = arith.xori %lt3A_230, %lt3A_232 : i1
      %and3A_234 = arith.andi %ne3A_233, %ne3A_228 : i1
      %add3A_235 = arith.addi %rem3A_226, %select_n3A_225 : i32
      %select_n3A_236 = arith.select %and3A_234, %add3A_235, %rem3A_226 : i32
      %mul3A_237 = arith.constant 16 : i32
      %mul3A_238 = arith.muli %select_n3A_236, %mul3A_237 : i32
      %swap3A = arith.index_cast %select_n3A_221 : i32 to index
      %swap3A_239 = arith.index_cast %mul3A_238 : i32 to index
      %swap3A_240 = tpu.vector_load %arg12[%swap3A, %swap3A_239] {strides = array<i32>} : memref<64x128xi32, #tpu.memory_space<vmem>>, vector<16xi32>,
      tpu.vector_store %arg12[%swap3A, %swap3A_239], %add3A_193 {strides = array<i32>} : memref<64x128xi32, #tpu.memory_space<vmem>>, vector<16xi32>,
      %jit3A_241 = arith.constant 8 : i32
      %div3A_242 = arith.divsi %scan3A_153, %jit3A_241 : i32
      %sign3A_243 = arith.constant 0 : i32
      %sign3A_244 = arith.cmpi sgt, %scan3A_153, %sign3A_243 : i32
      %sign3A_245 = arith.extui %sign3A_244 : i1 to i32
      %sign3A_246 = arith.constant 0 : i32
      %sign3A_247 = arith.cmpi slt, %scan3A_153, %sign3A_246 : i32
      %sign3A_248 = arith.extui %sign3A_247 : i1 to i32
      %sign3A_249 = arith.subi %sign3A_245, %sign3A_248 : i32
      %sign3A_250 = arith.constant 0 : i32
      %sign3A_251 = arith.cmpi sgt, %jit3A_241, %sign3A_250 : i32
      %sign3A_252 = arith.extui %sign3A_251 : i1 to i32
      %sign3A_253 = arith.constant 0 : i32
      %sign3A_254 = arith.cmpi slt, %jit3A_241, %sign3A_253 : i32
      %sign3A_255 = arith.extui %sign3A_254 : i1 to i32
      %sign3A_256 = arith.subi %sign3A_252, %sign3A_255 : i32
      %ne3A_257 = arith.cmpi ne, %sign3A_249, %sign3A_256 : i32
      %rem3A_258 = arith.remsi %scan3A_153, %jit3A_241 : i32
      %ne3A_259 = arith.constant 0 : i32
      %ne3A_260 = arith.cmpi ne, %rem3A_258, %ne3A_259 : i32
      %and3A_261 = arith.andi %ne3A_257, %ne3A_260 : i1
      %sub3A_262 = arith.constant 1 : i32
      %sub3A_263 = arith.subi %div3A_242, %sub3A_262 : i32
      %select_n3A_264 = arith.select %and3A_261, %sub3A_263, %div3A_242 : i32
      %jit3A_265 = arith.constant 8 : i32
      %eq3A_266 = arith.constant 0 : i32
      %eq3A_267 = arith.cmpi eq, %jit3A_265, %eq3A_266 : i32
      %jit3A_268 = arith.constant 1 : i32
      %select_n3A_269 = arith.select %eq3A_267, %jit3A_268, %jit3A_265 : i32
      %rem3A_270 = arith.remsi %scan3A_153, %select_n3A_269 : i32
      %ne3A_271 = arith.constant 0 : i32
      %ne3A_272 = arith.cmpi ne, %rem3A_270, %ne3A_271 : i32
      %lt3A_273 = arith.constant 0 : i32
      %lt3A_274 = arith.cmpi slt, %rem3A_270, %lt3A_273 : i32
      %lt3A_275 = arith.constant 0 : i32
      %lt3A_276 = arith.cmpi slt, %select_n3A_269, %lt3A_275 : i32
      %ne3A_277 = arith.xori %lt3A_274, %lt3A_276 : i1
      %and3A_278 = arith.andi %ne3A_277, %ne3A_272 : i1
      %add3A_279 = arith.addi %rem3A_270, %select_n3A_269 : i32
      %select_n3A_280 = arith.select %and3A_278, %add3A_279, %rem3A_270 : i32
      %mul3A_281 = arith.constant 16 : i32
      %mul3A_282 = arith.muli %select_n3A_280, %mul3A_281 : i32
      %swap3A_283 = arith.index_cast %select_n3A_264 : i32 to index
      %swap3A_284 = arith.index_cast %mul3A_282 : i32 to index
      %swap3A_285 = tpu.vector_load %arg18[%swap3A_283, %swap3A_284] {strides = array<i32>} : memref<64x128xi32, #tpu.memory_space<vmem>>, vector<16xi32>,
      tpu.vector_store %arg18[%swap3A_283, %swap3A_284], %shift_right_arithmetic3A_202 {strides = array<i32>} : memref<64x128xi32, #tpu.memory_space<vmem>>, vector<16xi32>,
      %gather3A = tpu.vector_load_idx %arg10[%get3A_157] : memref<16384xf32, #tpu.memory_space<vmem>>[vector<16xi32>], vector<16xf32>,
      %gather3A_286 = tpu.vector_load_idx %arg10[%get3A_163] : memref<16384xf32, #tpu.memory_space<vmem>>[vector<16xi32>], vector<16xf32>,
      %add3A_287 = arith.addf %gather3A, %gather3A_286 : vector<16xf32>
      %jit3A_288 = arith.constant 8 : i32
      %div3A_289 = arith.divsi %scan3A_153, %jit3A_288 : i32
      %sign3A_290 = arith.constant 0 : i32
      %sign3A_291 = arith.cmpi sgt, %scan3A_153, %sign3A_290 : i32
      %sign3A_292 = arith.extui %sign3A_291 : i1 to i32
      %sign3A_293 = arith.constant 0 : i32
      %sign3A_294 = arith.cmpi slt, %scan3A_153, %sign3A_293 : i32
      %sign3A_295 = arith.extui %sign3A_294 : i1 to i32
      %sign3A_296 = arith.subi %sign3A_292, %sign3A_295 : i32
      %sign3A_297 = arith.constant 0 : i32
      %sign3A_298 = arith.cmpi sgt, %jit3A_288, %sign3A_297 : i32
      %sign3A_299 = arith.extui %sign3A_298 : i1 to i32
      %sign3A_300 = arith.constant 0 : i32
      %sign3A_301 = arith.cmpi slt, %jit3A_288, %sign3A_300 : i32
      %sign3A_302 = arith.extui %sign3A_301 : i1 to i32
      %sign3A_303 = arith.subi %sign3A_299, %sign3A_302 : i32
      %ne3A_304 = arith.cmpi ne, %sign3A_296, %sign3A_303 : i32
      %rem3A_305 = arith.remsi %scan3A_153, %jit3A_288 : i32
      %ne3A_306 = arith.constant 0 : i32
      %ne3A_307 = arith.cmpi ne, %rem3A_305, %ne3A_306 : i32
      %and3A_308 = arith.andi %ne3A_304, %ne3A_307 : i1
      %sub3A_309 = arith.constant 1 : i32
      %sub3A_310 = arith.subi %div3A_289, %sub3A_309 : i32
      %select_n3A_311 = arith.select %and3A_308, %sub3A_310, %div3A_289 : i32
      %jit3A_312 = arith.constant 8 : i32
      %eq3A_313 = arith.constant 0 : i32
      %eq3A_314 = arith.cmpi eq, %jit3A_312, %eq3A_313 : i32
      %jit3A_315 = arith.constant 1 : i32
      %select_n3A_316 = arith.select %eq3A_314, %jit3A_315, %jit3A_312 : i32
      %rem3A_317 = arith.remsi %scan3A_153, %select_n3A_316 : i32
      %ne3A_318 = arith.constant 0 : i32
      %ne3A_319 = arith.cmpi ne, %rem3A_317, %ne3A_318 : i32
      %lt3A_320 = arith.constant 0 : i32
      %lt3A_321 = arith.cmpi slt, %rem3A_317, %lt3A_320 : i32
      %lt3A_322 = arith.constant 0 : i32
      %lt3A_323 = arith.cmpi slt, %select_n3A_316, %lt3A_322 : i32
      %ne3A_324 = arith.xori %lt3A_321, %lt3A_323 : i1
      %and3A_325 = arith.andi %ne3A_324, %ne3A_319 : i1
      %add3A_326 = arith.addi %rem3A_317, %select_n3A_316 : i32
      %select_n3A_327 = arith.select %and3A_325, %add3A_326, %rem3A_317 : i32
      %mul3A_328 = arith.constant 16 : i32
      %mul3A_329 = arith.muli %select_n3A_327, %mul3A_328 : i32
      %swap3A_330 = arith.index_cast %select_n3A_311 : i32 to index
      %swap3A_331 = arith.index_cast %mul3A_329 : i32 to index
      %swap3A_332 = tpu.vector_load %arg16[%swap3A_330, %swap3A_331] {strides = array<i32>} : memref<64x128xf32, #tpu.memory_space<vmem>>, vector<16xf32>,
      tpu.vector_store %arg16[%swap3A_330, %swap3A_331], %add3A_287 {strides = array<i32>} : memref<64x128xf32, #tpu.memory_space<vmem>>, vector<16xf32>,
      %jit3A_333 = arith.constant 8 : i32
      %eq3A_334 = arith.constant 0 : i32
      %eq3A_335 = arith.cmpi eq, %jit3A_333, %eq3A_334 : i32
      %jit3A_336 = arith.constant 1 : i32
      %select_n3A_337 = arith.select %eq3A_335, %jit3A_336, %jit3A_333 : i32
      %rem3A_338 = arith.remsi %scan3A_153, %select_n3A_337 : i32
      %ne3A_339 = arith.constant 0 : i32
      %ne3A_340 = arith.cmpi ne, %rem3A_338, %ne3A_339 : i32
      %lt3A_341 = arith.constant 0 : i32
      %lt3A_342 = arith.cmpi slt, %rem3A_338, %lt3A_341 : i32
      %lt3A_343 = arith.constant 0 : i32
      %lt3A_344 = arith.cmpi slt, %select_n3A_337, %lt3A_343 : i32
      %ne3A_345 = arith.xori %lt3A_342, %lt3A_344 : i1
      %and3A_346 = arith.andi %ne3A_345, %ne3A_340 : i1
      %add3A_347 = arith.addi %rem3A_338, %select_n3A_337 : i32
      %select_n3A_348 = arith.select %and3A_346, %add3A_347, %rem3A_338 : i32
      %eq3A_349 = arith.constant 7 : i32
      %eq3A_350 = arith.cmpi eq, %select_n3A_348, %eq3A_349 : i32
      %convert_element_type3A = arith.extui %eq3A_350 : i1 to i32
      %cond3A = arith.constant 0 : i32
      %cond3A_351 = arith.cmpi ne, %convert_element_type3A, %cond3A : i32
      scf.if %cond3A_351 {
        %jit3A_353 = arith.constant 8 : i32
        %div3A_354 = arith.divsi %scan3A_153, %jit3A_353 : i32
        %sign3A_355 = arith.constant 0 : i32
        %sign3A_356 = arith.cmpi sgt, %scan3A_153, %sign3A_355 : i32
        %sign3A_357 = arith.extui %sign3A_356 : i1 to i32
        %sign3A_358 = arith.constant 0 : i32
        %sign3A_359 = arith.cmpi slt, %scan3A_153, %sign3A_358 : i32
        %sign3A_360 = arith.extui %sign3A_359 : i1 to i32
        %sign3A_361 = arith.subi %sign3A_357, %sign3A_360 : i32
        %sign3A_362 = arith.constant 0 : i32
        %sign3A_363 = arith.cmpi sgt, %jit3A_353, %sign3A_362 : i32
        %sign3A_364 = arith.extui %sign3A_363 : i1 to i32
        %sign3A_365 = arith.constant 0 : i32
        %sign3A_366 = arith.cmpi slt, %jit3A_353, %sign3A_365 : i32
        %sign3A_367 = arith.extui %sign3A_366 : i1 to i32
        %sign3A_368 = arith.subi %sign3A_364, %sign3A_367 : i32
        %ne3A_369 = arith.cmpi ne, %sign3A_361, %sign3A_368 : i32
        %rem3A_370 = arith.remsi %scan3A_153, %jit3A_353 : i32
        %ne3A_371 = arith.constant 0 : i32
        %ne3A_372 = arith.cmpi ne, %rem3A_370, %ne3A_371 : i32
        %and3A_373 = arith.andi %ne3A_369, %ne3A_372 : i1
        %sub3A_374 = arith.constant 1 : i32
        %sub3A_375 = arith.subi %div3A_354, %sub3A_374 : i32
        %select_n3A_376 = arith.select %and3A_373, %sub3A_375, %div3A_354 : i32
        %dma_start3A = arith.constant 0 : i32
        %dma_start3A_377 = tpu.memref_slice %arg14[%select_n3A_376, %dma_start3A] : memref<64x128xi32, #tpu.memory_space<vmem>> -> memref<1x128xi32, #tpu.memory_space<vmem>>
        %dma_start3A_378 = tpu.memref_squeeze %dma_start3A_377 : memref<1x128xi32, #tpu.memory_space<vmem>> -> memref<128xi32, #tpu.memory_space<vmem>>
        %dma_start3A_379 = arith.constant 0 : i32
        %dma_start3A_380 = tpu.memref_slice %arg12[%select_n3A_376, %dma_start3A_379] : memref<64x128xi32, #tpu.memory_space<vmem>> -> memref<1x128xi32, #tpu.memory_space<vmem>>
        %dma_start3A_381 = tpu.memref_squeeze %dma_start3A_380 : memref<1x128xi32, #tpu.memory_space<vmem>> -> memref<128xi32, #tpu.memory_space<vmem>>
        %dma_start3A_382 = arith.constant 0 : i32
        %dma_start3A_383 = tpu.memref_slice %arg2[%dma_start3A_382] : memref<67633152xi32, #tpu.memory_space<hbm>> -> memref<67633152xi32, #tpu.memory_space<hbm>>
        tpu.enqueue_indirect_dma source(%dma_start3A_383 : memref<67633152xi32, #tpu.memory_space<hbm>>) target(%dma_start3A_378 : memref<128xi32, #tpu.memory_space<vmem>>) offsets(%dma_start3A_381 : memref<128xi32, #tpu.memory_space<vmem>>) semaphore(%arg20 : memref<!tpu.dma_semaphore, #tpu.memory_space<semaphore_mem>>)
      } else {
      }
      %scan3A_352 = arith.constant 0 : i32
      scf.yield %scan3A_352 : i32
    }
    %scan3A_64 = arith.constant 512 : i32
    %scan3A_65 = arith.constant 0 : i32
    %scan3A_66 = arith.constant 0 : i32
    %scan3A_67 = arith.constant 64 : i32
    %scan3A_68 = arith.addi %scan3A_66, %scan3A_67 : i32
    %scan3A_69 = arith.constant 1 : i32
    %scan3A_70 = scf.for %scan3A_153 = %scan3A_66 to %scan3A_68 step %scan3A_69 iter_args(%scan3A_154 = %scan3A_65) -> (i32)  : i32 {
      %dma_wait3A = arith.constant 0 : i32
      %dma_wait3A_155 = tpu.memref_slice %arg14[%scan3A_153, %dma_wait3A] : memref<64x128xi32, #tpu.memory_space<vmem>> -> memref<1x128xi32, #tpu.memory_space<vmem>>
      %dma_wait3A_156 = tpu.memref_squeeze %dma_wait3A_155 : memref<1x128xi32, #tpu.memory_space<vmem>> -> memref<128xi32, #tpu.memory_space<vmem>>
      %dma_wait3A_157 = arith.constant 0 : i32
      %dma_wait3A_158 = tpu.memref_slice %arg12[%scan3A_153, %dma_wait3A_157] : memref<64x128xi32, #tpu.memory_space<vmem>> -> memref<1x128xi32, #tpu.memory_space<vmem>>
      %dma_wait3A_159 = tpu.memref_squeeze %dma_wait3A_158 : memref<1x128xi32, #tpu.memory_space<vmem>> -> memref<128xi32, #tpu.memory_space<vmem>>
      %dma_wait3A_160 = arith.constant 0 : i32
      %dma_wait3A_161 = tpu.memref_slice %arg2[%dma_wait3A_160] : memref<67633152xi32, #tpu.memory_space<hbm>> -> memref<67633152xi32, #tpu.memory_space<hbm>>
      tpu.wait_indirect_dma semaphore(%arg20 : memref<!tpu.dma_semaphore, #tpu.memory_space<semaphore_mem>>) src(%dma_wait3A_161 : memref<67633152xi32, #tpu.memory_space<hbm>>) dst(%dma_wait3A_156 : memref<128xi32, #tpu.memory_space<vmem>>)
      %scan3A_162 = arith.constant 0 : i32
      scf.yield %scan3A_162 : i32
    }
    %scan3A_71 = arith.constant 64 : i32
    %scan3A_72 = arith.constant 0 : i32
    %scan3A_73 = arith.constant 0 : i32
    %scan3A_74 = arith.constant 512 : i32
    %scan3A_75 = arith.addi %scan3A_73, %scan3A_74 : i32
    %scan3A_76 = arith.constant 1 : i32
    %scan3A_77 = scf.for %scan3A_153 = %scan3A_73 to %scan3A_75 step %scan3A_76 iter_args(%scan3A_154 = %scan3A_72) -> (i32)  : i32 {
      %jit3A = arith.constant 8 : i32
      %div3A = arith.divsi %scan3A_153, %jit3A : i32
      %sign3A = arith.constant 0 : i32
      %sign3A_155 = arith.cmpi sgt, %scan3A_153, %sign3A : i32
      %sign3A_156 = arith.extui %sign3A_155 : i1 to i32
      %sign3A_157 = arith.constant 0 : i32
      %sign3A_158 = arith.cmpi slt, %scan3A_153, %sign3A_157 : i32
      %sign3A_159 = arith.extui %sign3A_158 : i1 to i32
      %sign3A_160 = arith.subi %sign3A_156, %sign3A_159 : i32
      %sign3A_161 = arith.constant 0 : i32
      %sign3A_162 = arith.cmpi sgt, %jit3A, %sign3A_161 : i32
      %sign3A_163 = arith.extui %sign3A_162 : i1 to i32
      %sign3A_164 = arith.constant 0 : i32
      %sign3A_165 = arith.cmpi slt, %jit3A, %sign3A_164 : i32
      %sign3A_166 = arith.extui %sign3A_165 : i1 to i32
      %sign3A_167 = arith.subi %sign3A_163, %sign3A_166 : i32
      %ne3A = arith.cmpi ne, %sign3A_160, %sign3A_167 : i32
      %rem3A = arith.remsi %scan3A_153, %jit3A : i32
      %ne3A_168 = arith.constant 0 : i32
      %ne3A_169 = arith.cmpi ne, %rem3A, %ne3A_168 : i32
      %and3A = arith.andi %ne3A, %ne3A_169 : i1
      %sub3A = arith.constant 1 : i32
      %sub3A_170 = arith.subi %div3A, %sub3A : i32
      %select_n3A = arith.select %and3A, %sub3A_170, %div3A : i32
      %jit3A_171 = arith.constant 8 : i32
      %eq3A = arith.constant 0 : i32
      %eq3A_172 = arith.cmpi eq, %jit3A_171, %eq3A : i32
      %jit3A_173 = arith.constant 1 : i32
      %select_n3A_174 = arith.select %eq3A_172, %jit3A_173, %jit3A_171 : i32
      %rem3A_175 = arith.remsi %scan3A_153, %select_n3A_174 : i32
      %ne3A_176 = arith.constant 0 : i32
      %ne3A_177 = arith.cmpi ne, %rem3A_175, %ne3A_176 : i32
      %lt3A = arith.constant 0 : i32
      %lt3A_178 = arith.cmpi slt, %rem3A_175, %lt3A : i32
      %lt3A_179 = arith.constant 0 : i32
      %lt3A_180 = arith.cmpi slt, %select_n3A_174, %lt3A_179 : i32
      %ne3A_181 = arith.xori %lt3A_178, %lt3A_180 : i1
      %and3A_182 = arith.andi %ne3A_181, %ne3A_177 : i1
      %add3A_183 = arith.addi %rem3A_175, %select_n3A_174 : i32
      %select_n3A_184 = arith.select %and3A_182, %add3A_183, %rem3A_175 : i32
      %mul3A_185 = arith.constant 16 : i32
      %mul3A_186 = arith.muli %select_n3A_184, %mul3A_185 : i32
      %get3A = arith.index_cast %select_n3A : i32 to index
      %get3A_187 = arith.index_cast %mul3A_186 : i32 to index
      %get3A_188 = tpu.vector_load %arg14[%get3A, %get3A_187] {strides = array<i32>} : memref<64x128xi32, #tpu.memory_space<vmem>>, vector<16xi32>,
      %jit3A_189 = arith.constant 8 : i32
      %div3A_190 = arith.divsi %scan3A_153, %jit3A_189 : i32
      %sign3A_191 = arith.constant 0 : i32
      %sign3A_192 = arith.cmpi sgt, %scan3A_153, %sign3A_191 : i32
      %sign3A_193 = arith.extui %sign3A_192 : i1 to i32
      %sign3A_194 = arith.constant 0 : i32
      %sign3A_195 = arith.cmpi slt, %scan3A_153, %sign3A_194 : i32
      %sign3A_196 = arith.extui %sign3A_195 : i1 to i32
      %sign3A_197 = arith.subi %sign3A_193, %sign3A_196 : i32
      %sign3A_198 = arith.constant 0 : i32
      %sign3A_199 = arith.cmpi sgt, %jit3A_189, %sign3A_198 : i32
      %sign3A_200 = arith.extui %sign3A_199 : i1 to i32
      %sign3A_201 = arith.constant 0 : i32
      %sign3A_202 = arith.cmpi slt, %jit3A_189, %sign3A_201 : i32
      %sign3A_203 = arith.extui %sign3A_202 : i1 to i32
      %sign3A_204 = arith.subi %sign3A_200, %sign3A_203 : i32
      %ne3A_205 = arith.cmpi ne, %sign3A_197, %sign3A_204 : i32
      %rem3A_206 = arith.remsi %scan3A_153, %jit3A_189 : i32
      %ne3A_207 = arith.constant 0 : i32
      %ne3A_208 = arith.cmpi ne, %rem3A_206, %ne3A_207 : i32
      %and3A_209 = arith.andi %ne3A_205, %ne3A_208 : i1
      %sub3A_210 = arith.constant 1 : i32
      %sub3A_211 = arith.subi %div3A_190, %sub3A_210 : i32
      %select_n3A_212 = arith.select %and3A_209, %sub3A_211, %div3A_190 : i32
      %jit3A_213 = arith.constant 8 : i32
      %eq3A_214 = arith.constant 0 : i32
      %eq3A_215 = arith.cmpi eq, %jit3A_213, %eq3A_214 : i32
      %jit3A_216 = arith.constant 1 : i32
      %select_n3A_217 = arith.select %eq3A_215, %jit3A_216, %jit3A_213 : i32
      %rem3A_218 = arith.remsi %scan3A_153, %select_n3A_217 : i32
      %ne3A_219 = arith.constant 0 : i32
      %ne3A_220 = arith.cmpi ne, %rem3A_218, %ne3A_219 : i32
      %lt3A_221 = arith.constant 0 : i32
      %lt3A_222 = arith.cmpi slt, %rem3A_218, %lt3A_221 : i32
      %lt3A_223 = arith.constant 0 : i32
      %lt3A_224 = arith.cmpi slt, %select_n3A_217, %lt3A_223 : i32
      %ne3A_225 = arith.xori %lt3A_222, %lt3A_224 : i1
      %and3A_226 = arith.andi %ne3A_225, %ne3A_220 : i1
      %add3A_227 = arith.addi %rem3A_218, %select_n3A_217 : i32
      %select_n3A_228 = arith.select %and3A_226, %add3A_227, %rem3A_218 : i32
      %mul3A_229 = arith.constant 16 : i32
      %mul3A_230 = arith.muli %select_n3A_228, %mul3A_229 : i32
      %get3A_231 = arith.index_cast %select_n3A_212 : i32 to index
      %get3A_232 = arith.index_cast %mul3A_230 : i32 to index
      %get3A_233 = tpu.vector_load %arg18[%get3A_231, %get3A_232] {strides = array<i32>} : memref<64x128xi32, #tpu.memory_space<vmem>>, vector<16xi32>,
      %shift_left3A = arith.shli %get3A_188, %get3A_233 : vector<16xi32>
      %and3A_234 = arith.constant -65536 : i32
      %and3A_235 = vector.broadcast %and3A_234 : i32 to vector<16xi32>
      %and3A_236 = arith.andi %shift_left3A, %and3A_235 : vector<16xi32>
      %bitcast3A = vector.bitcast %and3A_236 : vector<16xi32> to vector<16xf32>
      %jit3A_237 = arith.constant 8 : i32
      %div3A_238 = arith.divsi %scan3A_153, %jit3A_237 : i32
      %sign3A_239 = arith.constant 0 : i32
      %sign3A_240 = arith.cmpi sgt, %scan3A_153, %sign3A_239 : i32
      %sign3A_241 = arith.extui %sign3A_240 : i1 to i32
      %sign3A_242 = arith.constant 0 : i32
      %sign3A_243 = arith.cmpi slt, %scan3A_153, %sign3A_242 : i32
      %sign3A_244 = arith.extui %sign3A_243 : i1 to i32
      %sign3A_245 = arith.subi %sign3A_241, %sign3A_244 : i32
      %sign3A_246 = arith.constant 0 : i32
      %sign3A_247 = arith.cmpi sgt, %jit3A_237, %sign3A_246 : i32
      %sign3A_248 = arith.extui %sign3A_247 : i1 to i32
      %sign3A_249 = arith.constant 0 : i32
      %sign3A_250 = arith.cmpi slt, %jit3A_237, %sign3A_249 : i32
      %sign3A_251 = arith.extui %sign3A_250 : i1 to i32
      %sign3A_252 = arith.subi %sign3A_248, %sign3A_251 : i32
      %ne3A_253 = arith.cmpi ne, %sign3A_245, %sign3A_252 : i32
      %rem3A_254 = arith.remsi %scan3A_153, %jit3A_237 : i32
      %ne3A_255 = arith.constant 0 : i32
      %ne3A_256 = arith.cmpi ne, %rem3A_254, %ne3A_255 : i32
      %and3A_257 = arith.andi %ne3A_253, %ne3A_256 : i1
      %sub3A_258 = arith.constant 1 : i32
      %sub3A_259 = arith.subi %div3A_238, %sub3A_258 : i32
      %select_n3A_260 = arith.select %and3A_257, %sub3A_259, %div3A_238 : i32
      %jit3A_261 = arith.constant 8 : i32
      %eq3A_262 = arith.constant 0 : i32
      %eq3A_263 = arith.cmpi eq, %jit3A_261, %eq3A_262 : i32
      %jit3A_264 = arith.constant 1 : i32
      %select_n3A_265 = arith.select %eq3A_263, %jit3A_264, %jit3A_261 : i32
      %rem3A_266 = arith.remsi %scan3A_153, %select_n3A_265 : i32
      %ne3A_267 = arith.constant 0 : i32
      %ne3A_268 = arith.cmpi ne, %rem3A_266, %ne3A_267 : i32
      %lt3A_269 = arith.constant 0 : i32
      %lt3A_270 = arith.cmpi slt, %rem3A_266, %lt3A_269 : i32
      %lt3A_271 = arith.constant 0 : i32
      %lt3A_272 = arith.cmpi slt, %select_n3A_265, %lt3A_271 : i32
      %ne3A_273 = arith.xori %lt3A_270, %lt3A_272 : i1
      %and3A_274 = arith.andi %ne3A_273, %ne3A_268 : i1
      %add3A_275 = arith.addi %rem3A_266, %select_n3A_265 : i32
      %select_n3A_276 = arith.select %and3A_274, %add3A_275, %rem3A_266 : i32
      %mul3A_277 = arith.constant 16 : i32
      %mul3A_278 = arith.muli %select_n3A_276, %mul3A_277 : i32
      %get3A_279 = arith.index_cast %select_n3A_260 : i32 to index
      %get3A_280 = arith.index_cast %mul3A_278 : i32 to index
      %get3A_281 = tpu.vector_load %arg16[%get3A_279, %get3A_280] {strides = array<i32>} : memref<64x128xf32, #tpu.memory_space<vmem>>, vector<16xf32>,
      %mul3A_282 = arith.constant 2.000000e+00 : f32
      %mul3A_283 = vector.broadcast %mul3A_282 : f32 to vector<16xf32>
      %mul3A_284 = arith.mulf %mul3A_283, %bitcast3A : vector<16xf32>
      %sub3A_285 = arith.subf %get3A_281, %mul3A_284 : vector<16xf32>
      %jit3A_286 = arith.constant 8 : i32
      %div3A_287 = arith.divsi %scan3A_153, %jit3A_286 : i32
      %sign3A_288 = arith.constant 0 : i32
      %sign3A_289 = arith.cmpi sgt, %scan3A_153, %sign3A_288 : i32
      %sign3A_290 = arith.extui %sign3A_289 : i1 to i32
      %sign3A_291 = arith.constant 0 : i32
      %sign3A_292 = arith.cmpi slt, %scan3A_153, %sign3A_291 : i32
      %sign3A_293 = arith.extui %sign3A_292 : i1 to i32
      %sign3A_294 = arith.subi %sign3A_290, %sign3A_293 : i32
      %sign3A_295 = arith.constant 0 : i32
      %sign3A_296 = arith.cmpi sgt, %jit3A_286, %sign3A_295 : i32
      %sign3A_297 = arith.extui %sign3A_296 : i1 to i32
      %sign3A_298 = arith.constant 0 : i32
      %sign3A_299 = arith.cmpi slt, %jit3A_286, %sign3A_298 : i32
      %sign3A_300 = arith.extui %sign3A_299 : i1 to i32
      %sign3A_301 = arith.subi %sign3A_297, %sign3A_300 : i32
      %ne3A_302 = arith.cmpi ne, %sign3A_294, %sign3A_301 : i32
      %rem3A_303 = arith.remsi %scan3A_153, %jit3A_286 : i32
      %ne3A_304 = arith.constant 0 : i32
      %ne3A_305 = arith.cmpi ne, %rem3A_303, %ne3A_304 : i32
      %and3A_306 = arith.andi %ne3A_302, %ne3A_305 : i1
      %sub3A_307 = arith.constant 1 : i32
      %sub3A_308 = arith.subi %div3A_287, %sub3A_307 : i32
      %select_n3A_309 = arith.select %and3A_306, %sub3A_308, %div3A_287 : i32
      %jit3A_310 = arith.constant 8 : i32
      %eq3A_311 = arith.constant 0 : i32
      %eq3A_312 = arith.cmpi eq, %jit3A_310, %eq3A_311 : i32
      %jit3A_313 = arith.constant 1 : i32
      %select_n3A_314 = arith.select %eq3A_312, %jit3A_313, %jit3A_310 : i32
      %rem3A_315 = arith.remsi %scan3A_153, %select_n3A_314 : i32
      %ne3A_316 = arith.constant 0 : i32
      %ne3A_317 = arith.cmpi ne, %rem3A_315, %ne3A_316 : i32
      %lt3A_318 = arith.constant 0 : i32
      %lt3A_319 = arith.cmpi slt, %rem3A_315, %lt3A_318 : i32
      %lt3A_320 = arith.constant 0 : i32
      %lt3A_321 = arith.cmpi slt, %select_n3A_314, %lt3A_320 : i32
      %ne3A_322 = arith.xori %lt3A_319, %lt3A_321 : i1
      %and3A_323 = arith.andi %ne3A_322, %ne3A_317 : i1
      %add3A_324 = arith.addi %rem3A_315, %select_n3A_314 : i32
      %select_n3A_325 = arith.select %and3A_323, %add3A_324, %rem3A_315 : i32
      %mul3A_326 = arith.constant 16 : i32
      %mul3A_327 = arith.muli %select_n3A_325, %mul3A_326 : i32
      %swap3A = arith.index_cast %select_n3A_309 : i32 to index
      %swap3A_328 = arith.index_cast %mul3A_327 : i32 to index
      %swap3A_329 = tpu.vector_load %arg16[%swap3A, %swap3A_328] {strides = array<i32>} : memref<64x128xf32, #tpu.memory_space<vmem>>, vector<16xf32>,
      tpu.vector_store %arg16[%swap3A, %swap3A_328], %sub3A_285 {strides = array<i32>} : memref<64x128xf32, #tpu.memory_space<vmem>>, vector<16xf32>,
      %scan3A_330 = arith.constant 0 : i32
      scf.yield %scan3A_330 : i32
    }
    %scan3A_78 = arith.constant 512 : i32
    %add3A_79 = arith.constant 4096 : i32
    %add3A_80 = arith.addi %add3A_79, %mul3A_4 : i32
    %multiple_of3A_81 = tpu.assume_multiple %add3A_80, 8 : i32
    "tpu.region"() ({
      %run_scoped3A = tpu.sem_alloc : memref<!tpu.dma_semaphore, #tpu.memory_space<semaphore_mem>>
      %dma_start3A = arith.constant 0 : i32
      %dma_start3A_153 = tpu.memref_slice %arg9[%multiple_of3A_81, %dma_start3A] : memref<12288x128xf32, #tpu.memory_space<hbm>> -> memref<64x128xf32, #tpu.memory_space<hbm>>
      %dma_start3A_154 = arith.constant 0 : i32
      %dma_start3A_155 = tpu.memref_slice %arg9[%multiple_of3A_81, %dma_start3A_154] : memref<12288x128xf32, #tpu.memory_space<hbm>> -> memref<64x128xf32, #tpu.memory_space<hbm>>
      tpu.enqueue_dma source(%arg16 : memref<64x128xf32, #tpu.memory_space<vmem>>) target(%dma_start3A_155 : memref<64x128xf32, #tpu.memory_space<hbm>>) target_semaphore(%run_scoped3A : memref<!tpu.dma_semaphore, #tpu.memory_space<semaphore_mem>>)
      %dma_wait3A = arith.constant 0 : i32
      %dma_wait3A_156 = tpu.memref_slice %arg9[%multiple_of3A_81, %dma_wait3A] : memref<12288x128xf32, #tpu.memory_space<hbm>> -> memref<64x128xf32, #tpu.memory_space<hbm>>
      %dma_wait3A_157 = arith.constant 0 : i32
      %dma_wait3A_158 = tpu.memref_slice %arg9[%multiple_of3A_81, %dma_wait3A_157] : memref<12288x128xf32, #tpu.memory_space<hbm>> -> memref<64x128xf32, #tpu.memory_space<hbm>>
      tpu.wait_dma2 semaphore(%run_scoped3A : memref<!tpu.dma_semaphore, #tpu.memory_space<semaphore_mem>>) src(%arg16 : memref<64x128xf32, #tpu.memory_space<vmem>>) dst(%dma_wait3A_158 : memref<64x128xf32, #tpu.memory_space<hbm>>)
      tpu.yield
    }) : () -> ()
    "tpu.region"() ({
      %run_scoped3A = tpu.sem_alloc : memref<!tpu.dma_semaphore, #tpu.memory_space<semaphore_mem>>
      %dma_start3A = arith.constant 0 : i32
      %dma_start3A_153 = tpu.memref_slice %arg11[%dma_start3A] : memref<24576xi32, #tpu.memory_space<vmem>> -> memref<8192xi32, #tpu.memory_space<vmem>>
      %dma_start3A_154 = tpu.memref_slice %arg6[%multiple_of3A] : memref<524288xi32, #tpu.memory_space<hbm>> -> memref<8192xi32, #tpu.memory_space<hbm>>
      %dma_start3A_155 = arith.constant 0 : i32
      %dma_start3A_156 = tpu.memref_slice %arg11[%dma_start3A_155] : memref<24576xi32, #tpu.memory_space<vmem>> -> memref<8192xi32, #tpu.memory_space<vmem>>
      %dma_start3A_157 = tpu.memref_slice %arg6[%multiple_of3A] : memref<524288xi32, #tpu.memory_space<hbm>> -> memref<8192xi32, #tpu.memory_space<hbm>>
      tpu.enqueue_dma source(%dma_start3A_157 : memref<8192xi32, #tpu.memory_space<hbm>>) target(%dma_start3A_156 : memref<8192xi32, #tpu.memory_space<vmem>>) target_semaphore(%run_scoped3A : memref<!tpu.dma_semaphore, #tpu.memory_space<semaphore_mem>>)
      %dma_wait3A = arith.constant 0 : i32
      %dma_wait3A_158 = tpu.memref_slice %arg11[%dma_wait3A] : memref<24576xi32, #tpu.memory_space<vmem>> -> memref<8192xi32, #tpu.memory_space<vmem>>
      %dma_wait3A_159 = tpu.memref_slice %arg6[%multiple_of3A] : memref<524288xi32, #tpu.memory_space<hbm>> -> memref<8192xi32, #tpu.memory_space<hbm>>
      %dma_wait3A_160 = arith.constant 0 : i32
      %dma_wait3A_161 = tpu.memref_slice %arg11[%dma_wait3A_160] : memref<24576xi32, #tpu.memory_space<vmem>> -> memref<8192xi32, #tpu.memory_space<vmem>>
      %dma_wait3A_162 = tpu.memref_slice %arg6[%multiple_of3A] : memref<524288xi32, #tpu.memory_space<hbm>> -> memref<8192xi32, #tpu.memory_space<hbm>>
      tpu.wait_dma2 semaphore(%run_scoped3A : memref<!tpu.dma_semaphore, #tpu.memory_space<semaphore_mem>>) src(%dma_wait3A_162 : memref<8192xi32, #tpu.memory_space<hbm>>) dst(%dma_wait3A_161 : memref<8192xi32, #tpu.memory_space<vmem>>)
      tpu.yield
    }) : () -> ()
    %add3A_82 = arith.constant 262144 : i32
    %add3A_83 = arith.addi %add3A_82, %multiple_of3A : i32
    "tpu.region"() ({
      %run_scoped3A = tpu.sem_alloc : memref<!tpu.dma_semaphore, #tpu.memory_space<semaphore_mem>>
      %dma_start3A = arith.constant 8192 : i32
      %dma_start3A_153 = tpu.memref_slice %arg11[%dma_start3A] : memref<24576xi32, #tpu.memory_space<vmem>> -> memref<8192xi32, #tpu.memory_space<vmem>>
      %dma_start3A_154 = tpu.memref_slice %arg6[%add3A_83] : memref<524288xi32, #tpu.memory_space<hbm>> -> memref<8192xi32, #tpu.memory_space<hbm>>
      %dma_start3A_155 = arith.constant 8192 : i32
      %dma_start3A_156 = tpu.memref_slice %arg11[%dma_start3A_155] : memref<24576xi32, #tpu.memory_space<vmem>> -> memref<8192xi32, #tpu.memory_space<vmem>>
      %dma_start3A_157 = tpu.memref_slice %arg6[%add3A_83] : memref<524288xi32, #tpu.memory_space<hbm>> -> memref<8192xi32, #tpu.memory_space<hbm>>
      tpu.enqueue_dma source(%dma_start3A_157 : memref<8192xi32, #tpu.memory_space<hbm>>) target(%dma_start3A_156 : memref<8192xi32, #tpu.memory_space<vmem>>) target_semaphore(%run_scoped3A : memref<!tpu.dma_semaphore, #tpu.memory_space<semaphore_mem>>)
      %dma_wait3A = arith.constant 8192 : i32
      %dma_wait3A_158 = tpu.memref_slice %arg11[%dma_wait3A] : memref<24576xi32, #tpu.memory_space<vmem>> -> memref<8192xi32, #tpu.memory_space<vmem>>
      %dma_wait3A_159 = tpu.memref_slice %arg6[%add3A_83] : memref<524288xi32, #tpu.memory_space<hbm>> -> memref<8192xi32, #tpu.memory_space<hbm>>
      %dma_wait3A_160 = arith.constant 8192 : i32
      %dma_wait3A_161 = tpu.memref_slice %arg11[%dma_wait3A_160] : memref<24576xi32, #tpu.memory_space<vmem>> -> memref<8192xi32, #tpu.memory_space<vmem>>
      %dma_wait3A_162 = tpu.memref_slice %arg6[%add3A_83] : memref<524288xi32, #tpu.memory_space<hbm>> -> memref<8192xi32, #tpu.memory_space<hbm>>
      tpu.wait_dma2 semaphore(%run_scoped3A : memref<!tpu.dma_semaphore, #tpu.memory_space<semaphore_mem>>) src(%dma_wait3A_162 : memref<8192xi32, #tpu.memory_space<hbm>>) dst(%dma_wait3A_161 : memref<8192xi32, #tpu.memory_space<vmem>>)
      tpu.yield
    }) : () -> ()
    %scan3A_84 = arith.constant 0 : i32
    %scan3A_85 = arith.constant 0 : i32
    %scan3A_86 = arith.constant 512 : i32
    %scan3A_87 = arith.addi %scan3A_85, %scan3A_86 : i32
    %scan3A_88 = arith.constant 1 : i32
    %scan3A_89 = scf.for %scan3A_153 = %scan3A_85 to %scan3A_87 step %scan3A_88 iter_args(%scan3A_154 = %scan3A_84) -> (i32)  : i32 {
      %mul3A_155 = arith.constant 16 : i32
      %mul3A_156 = arith.muli %scan3A_153, %mul3A_155 : i32
      %get3A = arith.index_cast %mul3A_156 : i32 to index
      %get3A_157 = tpu.vector_load %arg11[%get3A] {strides = array<i32>} : memref<24576xi32, #tpu.memory_space<vmem>>, vector<16xi32>,
      %mul3A_158 = arith.constant 16 : i32
      %mul3A_159 = arith.muli %scan3A_153, %mul3A_158 : i32
      %add3A_160 = arith.constant 8192 : i32
      %add3A_161 = arith.addi %add3A_160, %mul3A_159 : i32
      %get3A_162 = arith.index_cast %add3A_161 : i32 to index
      %get3A_163 = tpu.vector_load %arg11[%get3A_162] {strides = array<i32>} : memref<24576xi32, #tpu.memory_space<vmem>>, vector<16xi32>,
      %min3A = arith.minsi %get3A_157, %get3A_163 : vector<16xi32>
      %max3A = arith.maxsi %get3A_157, %get3A_163 : vector<16xi32>
      %shift_right_arithmetic3A = arith.constant 7 : i32
      %shift_right_arithmetic3A_164 = vector.broadcast %shift_right_arithmetic3A : i32 to vector<16xi32>
      %shift_right_arithmetic3A_165 = arith.shrsi %min3A, %shift_right_arithmetic3A_164 : vector<16xi32>
      %shift_right_arithmetic3A_166 = arith.constant 7 : i32
      %shift_right_arithmetic3A_167 = vector.broadcast %shift_right_arithmetic3A_166 : i32 to vector<16xi32>
      %shift_right_arithmetic3A_168 = arith.shrsi %max3A, %shift_right_arithmetic3A_167 : vector<16xi32>
      %lt3A = arith.constant 64 : i32
      %lt3A_169 = vector.broadcast %lt3A : i32 to vector<16xi32>
      %lt3A_170 = arith.cmpi slt, %shift_right_arithmetic3A_165, %lt3A_169 : vector<16xi32>
      %sub3A = arith.constant 127 : i32
      %sub3A_171 = vector.broadcast %sub3A : i32 to vector<16xi32>
      %sub3A_172 = arith.subi %sub3A_171, %shift_right_arithmetic3A_165 : vector<16xi32>
      %select_n3A = arith.select %lt3A_170, %shift_right_arithmetic3A_165, %sub3A_172 : vector<16xi1>, vector<16xi32>
      %sub3A_173 = arith.subi %shift_right_arithmetic3A_168, %shift_right_arithmetic3A_165 : vector<16xi32>
      %add3A_174 = arith.constant 1 : i32
      %add3A_175 = vector.broadcast %add3A_174 : i32 to vector<16xi32>
      %add3A_176 = arith.addi %shift_right_arithmetic3A_168, %add3A_175 : vector<16xi32>
      %select_n3A_177 = arith.select %lt3A_170, %sub3A_173, %add3A_176 : vector<16xi1>, vector<16xi32>
      %mul3A_178 = arith.constant 1056768 : i32
      %mul3A_179 = vector.broadcast %mul3A_178 : i32 to vector<16xi32>
      %mul3A_180 = arith.muli %select_n3A, %mul3A_179 : vector<16xi32>
      %shift_left3A = arith.constant 13 : i32
      %shift_left3A_181 = vector.broadcast %shift_left3A : i32 to vector<16xi32>
      %shift_left3A_182 = arith.shli %select_n3A_177, %shift_left3A_181 : vector<16xi32>
      %add3A_183 = arith.addi %mul3A_180, %shift_left3A_182 : vector<16xi32>
      %and3A = arith.constant 63 : i32
      %and3A_184 = vector.broadcast %and3A : i32 to vector<16xi32>
      %and3A_185 = arith.andi %min3A, %and3A_184 : vector<16xi32>
      %shift_left3A_186 = arith.constant 7 : i32
      %shift_left3A_187 = vector.broadcast %shift_left3A_186 : i32 to vector<16xi32>
      %shift_left3A_188 = arith.shli %and3A_185, %shift_left3A_187 : vector<16xi32>
      %add3A_189 = arith.addi %add3A_183, %shift_left3A_188 : vector<16xi32>
      %and3A_190 = arith.constant 127 : i32
      %and3A_191 = vector.broadcast %and3A_190 : i32 to vector<16xi32>
      %and3A_192 = arith.andi %max3A, %and3A_191 : vector<16xi32>
      %add3A_193 = arith.addi %add3A_189, %and3A_192 : vector<16xi32>
      %and3A_194 = arith.constant 64 : i32
      %and3A_195 = vector.broadcast %and3A_194 : i32 to vector<16xi32>
      %and3A_196 = arith.andi %min3A, %and3A_195 : vector<16xi32>
      %sub3A_197 = arith.constant 64 : i32
      %sub3A_198 = vector.broadcast %sub3A_197 : i32 to vector<16xi32>
      %sub3A_199 = arith.subi %sub3A_198, %and3A_196 : vector<16xi32>
      %shift_right_arithmetic3A_200 = arith.constant 2 : i32
      %shift_right_arithmetic3A_201 = vector.broadcast %shift_right_arithmetic3A_200 : i32 to vector<16xi32>
      %shift_right_arithmetic3A_202 = arith.shrsi %sub3A_199, %shift_right_arithmetic3A_201 : vector<16xi32>
      %jit3A = arith.constant 8 : i32
      %div3A = arith.divsi %scan3A_153, %jit3A : i32
      %sign3A = arith.constant 0 : i32
      %sign3A_203 = arith.cmpi sgt, %scan3A_153, %sign3A : i32
      %sign3A_204 = arith.extui %sign3A_203 : i1 to i32
      %sign3A_205 = arith.constant 0 : i32
      %sign3A_206 = arith.cmpi slt, %scan3A_153, %sign3A_205 : i32
      %sign3A_207 = arith.extui %sign3A_206 : i1 to i32
      %sign3A_208 = arith.subi %sign3A_204, %sign3A_207 : i32
      %sign3A_209 = arith.constant 0 : i32
      %sign3A_210 = arith.cmpi sgt, %jit3A, %sign3A_209 : i32
      %sign3A_211 = arith.extui %sign3A_210 : i1 to i32
      %sign3A_212 = arith.constant 0 : i32
      %sign3A_213 = arith.cmpi slt, %jit3A, %sign3A_212 : i32
      %sign3A_214 = arith.extui %sign3A_213 : i1 to i32
      %sign3A_215 = arith.subi %sign3A_211, %sign3A_214 : i32
      %ne3A = arith.cmpi ne, %sign3A_208, %sign3A_215 : i32
      %rem3A = arith.remsi %scan3A_153, %jit3A : i32
      %ne3A_216 = arith.constant 0 : i32
      %ne3A_217 = arith.cmpi ne, %rem3A, %ne3A_216 : i32
      %and3A_218 = arith.andi %ne3A, %ne3A_217 : i1
      %sub3A_219 = arith.constant 1 : i32
      %sub3A_220 = arith.subi %div3A, %sub3A_219 : i32
      %select_n3A_221 = arith.select %and3A_218, %sub3A_220, %div3A : i32
      %jit3A_222 = arith.constant 8 : i32
      %eq3A = arith.constant 0 : i32
      %eq3A_223 = arith.cmpi eq, %jit3A_222, %eq3A : i32
      %jit3A_224 = arith.constant 1 : i32
      %select_n3A_225 = arith.select %eq3A_223, %jit3A_224, %jit3A_222 : i32
      %rem3A_226 = arith.remsi %scan3A_153, %select_n3A_225 : i32
      %ne3A_227 = arith.constant 0 : i32
      %ne3A_228 = arith.cmpi ne, %rem3A_226, %ne3A_227 : i32
      %lt3A_229 = arith.constant 0 : i32
      %lt3A_230 = arith.cmpi slt, %rem3A_226, %lt3A_229 : i32
      %lt3A_231 = arith.constant 0 : i32
      %lt3A_232 = arith.cmpi slt, %select_n3A_225, %lt3A_231 : i32
      %ne3A_233 = arith.xori %lt3A_230, %lt3A_232 : i1
      %and3A_234 = arith.andi %ne3A_233, %ne3A_228 : i1
      %add3A_235 = arith.addi %rem3A_226, %select_n3A_225 : i32
      %select_n3A_236 = arith.select %and3A_234, %add3A_235, %rem3A_226 : i32
      %mul3A_237 = arith.constant 16 : i32
      %mul3A_238 = arith.muli %select_n3A_236, %mul3A_237 : i32
      %swap3A = arith.index_cast %select_n3A_221 : i32 to index
      %swap3A_239 = arith.index_cast %mul3A_238 : i32 to index
      %swap3A_240 = tpu.vector_load %arg12[%swap3A, %swap3A_239] {strides = array<i32>} : memref<64x128xi32, #tpu.memory_space<vmem>>, vector<16xi32>,
      tpu.vector_store %arg12[%swap3A, %swap3A_239], %add3A_193 {strides = array<i32>} : memref<64x128xi32, #tpu.memory_space<vmem>>, vector<16xi32>,
      %jit3A_241 = arith.constant 8 : i32
      %div3A_242 = arith.divsi %scan3A_153, %jit3A_241 : i32
      %sign3A_243 = arith.constant 0 : i32
      %sign3A_244 = arith.cmpi sgt, %scan3A_153, %sign3A_243 : i32
      %sign3A_245 = arith.extui %sign3A_244 : i1 to i32
      %sign3A_246 = arith.constant 0 : i32
      %sign3A_247 = arith.cmpi slt, %scan3A_153, %sign3A_246 : i32
      %sign3A_248 = arith.extui %sign3A_247 : i1 to i32
      %sign3A_249 = arith.subi %sign3A_245, %sign3A_248 : i32
      %sign3A_250 = arith.constant 0 : i32
      %sign3A_251 = arith.cmpi sgt, %jit3A_241, %sign3A_250 : i32
      %sign3A_252 = arith.extui %sign3A_251 : i1 to i32
      %sign3A_253 = arith.constant 0 : i32
      %sign3A_254 = arith.cmpi slt, %jit3A_241, %sign3A_253 : i32
      %sign3A_255 = arith.extui %sign3A_254 : i1 to i32
      %sign3A_256 = arith.subi %sign3A_252, %sign3A_255 : i32
      %ne3A_257 = arith.cmpi ne, %sign3A_249, %sign3A_256 : i32
      %rem3A_258 = arith.remsi %scan3A_153, %jit3A_241 : i32
      %ne3A_259 = arith.constant 0 : i32
      %ne3A_260 = arith.cmpi ne, %rem3A_258, %ne3A_259 : i32
      %and3A_261 = arith.andi %ne3A_257, %ne3A_260 : i1
      %sub3A_262 = arith.constant 1 : i32
      %sub3A_263 = arith.subi %div3A_242, %sub3A_262 : i32
      %select_n3A_264 = arith.select %and3A_261, %sub3A_263, %div3A_242 : i32
      %jit3A_265 = arith.constant 8 : i32
      %eq3A_266 = arith.constant 0 : i32
      %eq3A_267 = arith.cmpi eq, %jit3A_265, %eq3A_266 : i32
      %jit3A_268 = arith.constant 1 : i32
      %select_n3A_269 = arith.select %eq3A_267, %jit3A_268, %jit3A_265 : i32
      %rem3A_270 = arith.remsi %scan3A_153, %select_n3A_269 : i32
      %ne3A_271 = arith.constant 0 : i32
      %ne3A_272 = arith.cmpi ne, %rem3A_270, %ne3A_271 : i32
      %lt3A_273 = arith.constant 0 : i32
      %lt3A_274 = arith.cmpi slt, %rem3A_270, %lt3A_273 : i32
      %lt3A_275 = arith.constant 0 : i32
      %lt3A_276 = arith.cmpi slt, %select_n3A_269, %lt3A_275 : i32
      %ne3A_277 = arith.xori %lt3A_274, %lt3A_276 : i1
      %and3A_278 = arith.andi %ne3A_277, %ne3A_272 : i1
      %add3A_279 = arith.addi %rem3A_270, %select_n3A_269 : i32
      %select_n3A_280 = arith.select %and3A_278, %add3A_279, %rem3A_270 : i32
      %mul3A_281 = arith.constant 16 : i32
      %mul3A_282 = arith.muli %select_n3A_280, %mul3A_281 : i32
      %swap3A_283 = arith.index_cast %select_n3A_264 : i32 to index
      %swap3A_284 = arith.index_cast %mul3A_282 : i32 to index
      %swap3A_285 = tpu.vector_load %arg18[%swap3A_283, %swap3A_284] {strides = array<i32>} : memref<64x128xi32, #tpu.memory_space<vmem>>, vector<16xi32>,
      tpu.vector_store %arg18[%swap3A_283, %swap3A_284], %shift_right_arithmetic3A_202 {strides = array<i32>} : memref<64x128xi32, #tpu.memory_space<vmem>>, vector<16xi32>,
      %gather3A = tpu.vector_load_idx %arg10[%get3A_157] : memref<16384xf32, #tpu.memory_space<vmem>>[vector<16xi32>], vector<16xf32>,
      %gather3A_286 = tpu.vector_load_idx %arg10[%get3A_163] : memref<16384xf32, #tpu.memory_space<vmem>>[vector<16xi32>], vector<16xf32>,
      %add3A_287 = arith.addf %gather3A, %gather3A_286 : vector<16xf32>
      %jit3A_288 = arith.constant 8 : i32
      %div3A_289 = arith.divsi %scan3A_153, %jit3A_288 : i32
      %sign3A_290 = arith.constant 0 : i32
      %sign3A_291 = arith.cmpi sgt, %scan3A_153, %sign3A_290 : i32
      %sign3A_292 = arith.extui %sign3A_291 : i1 to i32
      %sign3A_293 = arith.constant 0 : i32
      %sign3A_294 = arith.cmpi slt, %scan3A_153, %sign3A_293 : i32
      %sign3A_295 = arith.extui %sign3A_294 : i1 to i32
      %sign3A_296 = arith.subi %sign3A_292, %sign3A_295 : i32
      %sign3A_297 = arith.constant 0 : i32
      %sign3A_298 = arith.cmpi sgt, %jit3A_288, %sign3A_297 : i32
      %sign3A_299 = arith.extui %sign3A_298 : i1 to i32
      %sign3A_300 = arith.constant 0 : i32
      %sign3A_301 = arith.cmpi slt, %jit3A_288, %sign3A_300 : i32
      %sign3A_302 = arith.extui %sign3A_301 : i1 to i32
      %sign3A_303 = arith.subi %sign3A_299, %sign3A_302 : i32
      %ne3A_304 = arith.cmpi ne, %sign3A_296, %sign3A_303 : i32
      %rem3A_305 = arith.remsi %scan3A_153, %jit3A_288 : i32
      %ne3A_306 = arith.constant 0 : i32
      %ne3A_307 = arith.cmpi ne, %rem3A_305, %ne3A_306 : i32
      %and3A_308 = arith.andi %ne3A_304, %ne3A_307 : i1
      %sub3A_309 = arith.constant 1 : i32
      %sub3A_310 = arith.subi %div3A_289, %sub3A_309 : i32
      %select_n3A_311 = arith.select %and3A_308, %sub3A_310, %div3A_289 : i32
      %jit3A_312 = arith.constant 8 : i32
      %eq3A_313 = arith.constant 0 : i32
      %eq3A_314 = arith.cmpi eq, %jit3A_312, %eq3A_313 : i32
      %jit3A_315 = arith.constant 1 : i32
      %select_n3A_316 = arith.select %eq3A_314, %jit3A_315, %jit3A_312 : i32
      %rem3A_317 = arith.remsi %scan3A_153, %select_n3A_316 : i32
      %ne3A_318 = arith.constant 0 : i32
      %ne3A_319 = arith.cmpi ne, %rem3A_317, %ne3A_318 : i32
      %lt3A_320 = arith.constant 0 : i32
      %lt3A_321 = arith.cmpi slt, %rem3A_317, %lt3A_320 : i32
      %lt3A_322 = arith.constant 0 : i32
      %lt3A_323 = arith.cmpi slt, %select_n3A_316, %lt3A_322 : i32
      %ne3A_324 = arith.xori %lt3A_321, %lt3A_323 : i1
      %and3A_325 = arith.andi %ne3A_324, %ne3A_319 : i1
      %add3A_326 = arith.addi %rem3A_317, %select_n3A_316 : i32
      %select_n3A_327 = arith.select %and3A_325, %add3A_326, %rem3A_317 : i32
      %mul3A_328 = arith.constant 16 : i32
      %mul3A_329 = arith.muli %select_n3A_327, %mul3A_328 : i32
      %swap3A_330 = arith.index_cast %select_n3A_311 : i32 to index
      %swap3A_331 = arith.index_cast %mul3A_329 : i32 to index
      %swap3A_332 = tpu.vector_load %arg16[%swap3A_330, %swap3A_331] {strides = array<i32>} : memref<64x128xf32, #tpu.memory_space<vmem>>, vector<16xf32>,
      tpu.vector_store %arg16[%swap3A_330, %swap3A_331], %add3A_287 {strides = array<i32>} : memref<64x128xf32, #tpu.memory_space<vmem>>, vector<16xf32>,
      %jit3A_333 = arith.constant 8 : i32
      %eq3A_334 = arith.constant 0 : i32
      %eq3A_335 = arith.cmpi eq, %jit3A_333, %eq3A_334 : i32
      %jit3A_336 = arith.constant 1 : i32
      %select_n3A_337 = arith.select %eq3A_335, %jit3A_336, %jit3A_333 : i32
      %rem3A_338 = arith.remsi %scan3A_153, %select_n3A_337 : i32
      %ne3A_339 = arith.constant 0 : i32
      %ne3A_340 = arith.cmpi ne, %rem3A_338, %ne3A_339 : i32
      %lt3A_341 = arith.constant 0 : i32
      %lt3A_342 = arith.cmpi slt, %rem3A_338, %lt3A_341 : i32
      %lt3A_343 = arith.constant 0 : i32
      %lt3A_344 = arith.cmpi slt, %select_n3A_337, %lt3A_343 : i32
      %ne3A_345 = arith.xori %lt3A_342, %lt3A_344 : i1
      %and3A_346 = arith.andi %ne3A_345, %ne3A_340 : i1
      %add3A_347 = arith.addi %rem3A_338, %select_n3A_337 : i32
      %select_n3A_348 = arith.select %and3A_346, %add3A_347, %rem3A_338 : i32
      %eq3A_349 = arith.constant 7 : i32
      %eq3A_350 = arith.cmpi eq, %select_n3A_348, %eq3A_349 : i32
      %convert_element_type3A = arith.extui %eq3A_350 : i1 to i32
      %cond3A = arith.constant 0 : i32
      %cond3A_351 = arith.cmpi ne, %convert_element_type3A, %cond3A : i32
      scf.if %cond3A_351 {
        %jit3A_353 = arith.constant 8 : i32
        %div3A_354 = arith.divsi %scan3A_153, %jit3A_353 : i32
        %sign3A_355 = arith.constant 0 : i32
        %sign3A_356 = arith.cmpi sgt, %scan3A_153, %sign3A_355 : i32
        %sign3A_357 = arith.extui %sign3A_356 : i1 to i32
        %sign3A_358 = arith.constant 0 : i32
        %sign3A_359 = arith.cmpi slt, %scan3A_153, %sign3A_358 : i32
        %sign3A_360 = arith.extui %sign3A_359 : i1 to i32
        %sign3A_361 = arith.subi %sign3A_357, %sign3A_360 : i32
        %sign3A_362 = arith.constant 0 : i32
        %sign3A_363 = arith.cmpi sgt, %jit3A_353, %sign3A_362 : i32
        %sign3A_364 = arith.extui %sign3A_363 : i1 to i32
        %sign3A_365 = arith.constant 0 : i32
        %sign3A_366 = arith.cmpi slt, %jit3A_353, %sign3A_365 : i32
        %sign3A_367 = arith.extui %sign3A_366 : i1 to i32
        %sign3A_368 = arith.subi %sign3A_364, %sign3A_367 : i32
        %ne3A_369 = arith.cmpi ne, %sign3A_361, %sign3A_368 : i32
        %rem3A_370 = arith.remsi %scan3A_153, %jit3A_353 : i32
        %ne3A_371 = arith.constant 0 : i32
        %ne3A_372 = arith.cmpi ne, %rem3A_370, %ne3A_371 : i32
        %and3A_373 = arith.andi %ne3A_369, %ne3A_372 : i1
        %sub3A_374 = arith.constant 1 : i32
        %sub3A_375 = arith.subi %div3A_354, %sub3A_374 : i32
        %select_n3A_376 = arith.select %and3A_373, %sub3A_375, %div3A_354 : i32
        %dma_start3A = arith.constant 0 : i32
        %dma_start3A_377 = tpu.memref_slice %arg14[%select_n3A_376, %dma_start3A] : memref<64x128xi32, #tpu.memory_space<vmem>> -> memref<1x128xi32, #tpu.memory_space<vmem>>
        %dma_start3A_378 = tpu.memref_squeeze %dma_start3A_377 : memref<1x128xi32, #tpu.memory_space<vmem>> -> memref<128xi32, #tpu.memory_space<vmem>>
        %dma_start3A_379 = arith.constant 0 : i32
        %dma_start3A_380 = tpu.memref_slice %arg12[%select_n3A_376, %dma_start3A_379] : memref<64x128xi32, #tpu.memory_space<vmem>> -> memref<1x128xi32, #tpu.memory_space<vmem>>
        %dma_start3A_381 = tpu.memref_squeeze %dma_start3A_380 : memref<1x128xi32, #tpu.memory_space<vmem>> -> memref<128xi32, #tpu.memory_space<vmem>>
        %dma_start3A_382 = arith.constant 0 : i32
        %dma_start3A_383 = tpu.memref_slice %arg2[%dma_start3A_382] : memref<67633152xi32, #tpu.memory_space<hbm>> -> memref<67633152xi32, #tpu.memory_space<hbm>>
        tpu.enqueue_indirect_dma source(%dma_start3A_383 : memref<67633152xi32, #tpu.memory_space<hbm>>) target(%dma_start3A_378 : memref<128xi32, #tpu.memory_space<vmem>>) offsets(%dma_start3A_381 : memref<128xi32, #tpu.memory_space<vmem>>) semaphore(%arg20 : memref<!tpu.dma_semaphore, #tpu.memory_space<semaphore_mem>>)
      } else {
      }
      %scan3A_352 = arith.constant 0 : i32
      scf.yield %scan3A_352 : i32
    }
    %scan3A_90 = arith.constant 512 : i32
    %scan3A_91 = arith.constant 0 : i32
    %scan3A_92 = arith.constant 0 : i32
    %scan3A_93 = arith.constant 64 : i32
    %scan3A_94 = arith.addi %scan3A_92, %scan3A_93 : i32
    %scan3A_95 = arith.constant 1 : i32
    %scan3A_96 = scf.for %scan3A_153 = %scan3A_92 to %scan3A_94 step %scan3A_95 iter_args(%scan3A_154 = %scan3A_91) -> (i32)  : i32 {
      %dma_wait3A = arith.constant 0 : i32
      %dma_wait3A_155 = tpu.memref_slice %arg14[%scan3A_153, %dma_wait3A] : memref<64x128xi32, #tpu.memory_space<vmem>> -> memref<1x128xi32, #tpu.memory_space<vmem>>
      %dma_wait3A_156 = tpu.memref_squeeze %dma_wait3A_155 : memref<1x128xi32, #tpu.memory_space<vmem>> -> memref<128xi32, #tpu.memory_space<vmem>>
      %dma_wait3A_157 = arith.constant 0 : i32
      %dma_wait3A_158 = tpu.memref_slice %arg12[%scan3A_153, %dma_wait3A_157] : memref<64x128xi32, #tpu.memory_space<vmem>> -> memref<1x128xi32, #tpu.memory_space<vmem>>
      %dma_wait3A_159 = tpu.memref_squeeze %dma_wait3A_158 : memref<1x128xi32, #tpu.memory_space<vmem>> -> memref<128xi32, #tpu.memory_space<vmem>>
      %dma_wait3A_160 = arith.constant 0 : i32
      %dma_wait3A_161 = tpu.memref_slice %arg2[%dma_wait3A_160] : memref<67633152xi32, #tpu.memory_space<hbm>> -> memref<67633152xi32, #tpu.memory_space<hbm>>
      tpu.wait_indirect_dma semaphore(%arg20 : memref<!tpu.dma_semaphore, #tpu.memory_space<semaphore_mem>>) src(%dma_wait3A_161 : memref<67633152xi32, #tpu.memory_space<hbm>>) dst(%dma_wait3A_156 : memref<128xi32, #tpu.memory_space<vmem>>)
      %scan3A_162 = arith.constant 0 : i32
      scf.yield %scan3A_162 : i32
    }
    %scan3A_97 = arith.constant 64 : i32
    %scan3A_98 = arith.constant 0 : i32
    %scan3A_99 = arith.constant 0 : i32
    %scan3A_100 = arith.constant 512 : i32
    %scan3A_101 = arith.addi %scan3A_99, %scan3A_100 : i32
    %scan3A_102 = arith.constant 1 : i32
    %scan3A_103 = scf.for %scan3A_153 = %scan3A_99 to %scan3A_101 step %scan3A_102 iter_args(%scan3A_154 = %scan3A_98) -> (i32)  : i32 {
      %jit3A = arith.constant 8 : i32
      %div3A = arith.divsi %scan3A_153, %jit3A : i32
      %sign3A = arith.constant 0 : i32
      %sign3A_155 = arith.cmpi sgt, %scan3A_153, %sign3A : i32
      %sign3A_156 = arith.extui %sign3A_155 : i1 to i32
      %sign3A_157 = arith.constant 0 : i32
      %sign3A_158 = arith.cmpi slt, %scan3A_153, %sign3A_157 : i32
      %sign3A_159 = arith.extui %sign3A_158 : i1 to i32
      %sign3A_160 = arith.subi %sign3A_156, %sign3A_159 : i32
      %sign3A_161 = arith.constant 0 : i32
      %sign3A_162 = arith.cmpi sgt, %jit3A, %sign3A_161 : i32
      %sign3A_163 = arith.extui %sign3A_162 : i1 to i32
      %sign3A_164 = arith.constant 0 : i32
      %sign3A_165 = arith.cmpi slt, %jit3A, %sign3A_164 : i32
      %sign3A_166 = arith.extui %sign3A_165 : i1 to i32
      %sign3A_167 = arith.subi %sign3A_163, %sign3A_166 : i32
      %ne3A = arith.cmpi ne, %sign3A_160, %sign3A_167 : i32
      %rem3A = arith.remsi %scan3A_153, %jit3A : i32
      %ne3A_168 = arith.constant 0 : i32
      %ne3A_169 = arith.cmpi ne, %rem3A, %ne3A_168 : i32
      %and3A = arith.andi %ne3A, %ne3A_169 : i1
      %sub3A = arith.constant 1 : i32
      %sub3A_170 = arith.subi %div3A, %sub3A : i32
      %select_n3A = arith.select %and3A, %sub3A_170, %div3A : i32
      %jit3A_171 = arith.constant 8 : i32
      %eq3A = arith.constant 0 : i32
      %eq3A_172 = arith.cmpi eq, %jit3A_171, %eq3A : i32
      %jit3A_173 = arith.constant 1 : i32
      %select_n3A_174 = arith.select %eq3A_172, %jit3A_173, %jit3A_171 : i32
      %rem3A_175 = arith.remsi %scan3A_153, %select_n3A_174 : i32
      %ne3A_176 = arith.constant 0 : i32
      %ne3A_177 = arith.cmpi ne, %rem3A_175, %ne3A_176 : i32
      %lt3A = arith.constant 0 : i32
      %lt3A_178 = arith.cmpi slt, %rem3A_175, %lt3A : i32
      %lt3A_179 = arith.constant 0 : i32
      %lt3A_180 = arith.cmpi slt, %select_n3A_174, %lt3A_179 : i32
      %ne3A_181 = arith.xori %lt3A_178, %lt3A_180 : i1
      %and3A_182 = arith.andi %ne3A_181, %ne3A_177 : i1
      %add3A_183 = arith.addi %rem3A_175, %select_n3A_174 : i32
      %select_n3A_184 = arith.select %and3A_182, %add3A_183, %rem3A_175 : i32
      %mul3A_185 = arith.constant 16 : i32
      %mul3A_186 = arith.muli %select_n3A_184, %mul3A_185 : i32
      %get3A = arith.index_cast %select_n3A : i32 to index
      %get3A_187 = arith.index_cast %mul3A_186 : i32 to index
      %get3A_188 = tpu.vector_load %arg14[%get3A, %get3A_187] {strides = array<i32>} : memref<64x128xi32, #tpu.memory_space<vmem>>, vector<16xi32>,
      %jit3A_189 = arith.constant 8 : i32
      %div3A_190 = arith.divsi %scan3A_153, %jit3A_189 : i32
      %sign3A_191 = arith.constant 0 : i32
      %sign3A_192 = arith.cmpi sgt, %scan3A_153, %sign3A_191 : i32
      %sign3A_193 = arith.extui %sign3A_192 : i1 to i32
      %sign3A_194 = arith.constant 0 : i32
      %sign3A_195 = arith.cmpi slt, %scan3A_153, %sign3A_194 : i32
      %sign3A_196 = arith.extui %sign3A_195 : i1 to i32
      %sign3A_197 = arith.subi %sign3A_193, %sign3A_196 : i32
      %sign3A_198 = arith.constant 0 : i32
      %sign3A_199 = arith.cmpi sgt, %jit3A_189, %sign3A_198 : i32
      %sign3A_200 = arith.extui %sign3A_199 : i1 to i32
      %sign3A_201 = arith.constant 0 : i32
      %sign3A_202 = arith.cmpi slt, %jit3A_189, %sign3A_201 : i32
      %sign3A_203 = arith.extui %sign3A_202 : i1 to i32
      %sign3A_204 = arith.subi %sign3A_200, %sign3A_203 : i32
      %ne3A_205 = arith.cmpi ne, %sign3A_197, %sign3A_204 : i32
      %rem3A_206 = arith.remsi %scan3A_153, %jit3A_189 : i32
      %ne3A_207 = arith.constant 0 : i32
      %ne3A_208 = arith.cmpi ne, %rem3A_206, %ne3A_207 : i32
      %and3A_209 = arith.andi %ne3A_205, %ne3A_208 : i1
      %sub3A_210 = arith.constant 1 : i32
      %sub3A_211 = arith.subi %div3A_190, %sub3A_210 : i32
      %select_n3A_212 = arith.select %and3A_209, %sub3A_211, %div3A_190 : i32
      %jit3A_213 = arith.constant 8 : i32
      %eq3A_214 = arith.constant 0 : i32
      %eq3A_215 = arith.cmpi eq, %jit3A_213, %eq3A_214 : i32
      %jit3A_216 = arith.constant 1 : i32
      %select_n3A_217 = arith.select %eq3A_215, %jit3A_216, %jit3A_213 : i32
      %rem3A_218 = arith.remsi %scan3A_153, %select_n3A_217 : i32
      %ne3A_219 = arith.constant 0 : i32
      %ne3A_220 = arith.cmpi ne, %rem3A_218, %ne3A_219 : i32
      %lt3A_221 = arith.constant 0 : i32
      %lt3A_222 = arith.cmpi slt, %rem3A_218, %lt3A_221 : i32
      %lt3A_223 = arith.constant 0 : i32
      %lt3A_224 = arith.cmpi slt, %select_n3A_217, %lt3A_223 : i32
      %ne3A_225 = arith.xori %lt3A_222, %lt3A_224 : i1
      %and3A_226 = arith.andi %ne3A_225, %ne3A_220 : i1
      %add3A_227 = arith.addi %rem3A_218, %select_n3A_217 : i32
      %select_n3A_228 = arith.select %and3A_226, %add3A_227, %rem3A_218 : i32
      %mul3A_229 = arith.constant 16 : i32
      %mul3A_230 = arith.muli %select_n3A_228, %mul3A_229 : i32
      %get3A_231 = arith.index_cast %select_n3A_212 : i32 to index
      %get3A_232 = arith.index_cast %mul3A_230 : i32 to index
      %get3A_233 = tpu.vector_load %arg18[%get3A_231, %get3A_232] {strides = array<i32>} : memref<64x128xi32, #tpu.memory_space<vmem>>, vector<16xi32>,
      %shift_left3A = arith.shli %get3A_188, %get3A_233 : vector<16xi32>
      %and3A_234 = arith.constant -65536 : i32
      %and3A_235 = vector.broadcast %and3A_234 : i32 to vector<16xi32>
      %and3A_236 = arith.andi %shift_left3A, %and3A_235 : vector<16xi32>
      %bitcast3A = vector.bitcast %and3A_236 : vector<16xi32> to vector<16xf32>
      %jit3A_237 = arith.constant 8 : i32
      %div3A_238 = arith.divsi %scan3A_153, %jit3A_237 : i32
      %sign3A_239 = arith.constant 0 : i32
      %sign3A_240 = arith.cmpi sgt, %scan3A_153, %sign3A_239 : i32
      %sign3A_241 = arith.extui %sign3A_240 : i1 to i32
      %sign3A_242 = arith.constant 0 : i32
      %sign3A_243 = arith.cmpi slt, %scan3A_153, %sign3A_242 : i32
      %sign3A_244 = arith.extui %sign3A_243 : i1 to i32
      %sign3A_245 = arith.subi %sign3A_241, %sign3A_244 : i32
      %sign3A_246 = arith.constant 0 : i32
      %sign3A_247 = arith.cmpi sgt, %jit3A_237, %sign3A_246 : i32
      %sign3A_248 = arith.extui %sign3A_247 : i1 to i32
      %sign3A_249 = arith.constant 0 : i32
      %sign3A_250 = arith.cmpi slt, %jit3A_237, %sign3A_249 : i32
      %sign3A_251 = arith.extui %sign3A_250 : i1 to i32
      %sign3A_252 = arith.subi %sign3A_248, %sign3A_251 : i32
      %ne3A_253 = arith.cmpi ne, %sign3A_245, %sign3A_252 : i32
      %rem3A_254 = arith.remsi %scan3A_153, %jit3A_237 : i32
      %ne3A_255 = arith.constant 0 : i32
      %ne3A_256 = arith.cmpi ne, %rem3A_254, %ne3A_255 : i32
      %and3A_257 = arith.andi %ne3A_253, %ne3A_256 : i1
      %sub3A_258 = arith.constant 1 : i32
      %sub3A_259 = arith.subi %div3A_238, %sub3A_258 : i32
      %select_n3A_260 = arith.select %and3A_257, %sub3A_259, %div3A_238 : i32
      %jit3A_261 = arith.constant 8 : i32
      %eq3A_262 = arith.constant 0 : i32
      %eq3A_263 = arith.cmpi eq, %jit3A_261, %eq3A_262 : i32
      %jit3A_264 = arith.constant 1 : i32
      %select_n3A_265 = arith.select %eq3A_263, %jit3A_264, %jit3A_261 : i32
      %rem3A_266 = arith.remsi %scan3A_153, %select_n3A_265 : i32
      %ne3A_267 = arith.constant 0 : i32
      %ne3A_268 = arith.cmpi ne, %rem3A_266, %ne3A_267 : i32
      %lt3A_269 = arith.constant 0 : i32
      %lt3A_270 = arith.cmpi slt, %rem3A_266, %lt3A_269 : i32
      %lt3A_271 = arith.constant 0 : i32
      %lt3A_272 = arith.cmpi slt, %select_n3A_265, %lt3A_271 : i32
      %ne3A_273 = arith.xori %lt3A_270, %lt3A_272 : i1
      %and3A_274 = arith.andi %ne3A_273, %ne3A_268 : i1
      %add3A_275 = arith.addi %rem3A_266, %select_n3A_265 : i32
      %select_n3A_276 = arith.select %and3A_274, %add3A_275, %rem3A_266 : i32
      %mul3A_277 = arith.constant 16 : i32
      %mul3A_278 = arith.muli %select_n3A_276, %mul3A_277 : i32
      %get3A_279 = arith.index_cast %select_n3A_260 : i32 to index
      %get3A_280 = arith.index_cast %mul3A_278 : i32 to index
      %get3A_281 = tpu.vector_load %arg16[%get3A_279, %get3A_280] {strides = array<i32>} : memref<64x128xf32, #tpu.memory_space<vmem>>, vector<16xf32>,
      %mul3A_282 = arith.constant 2.000000e+00 : f32
      %mul3A_283 = vector.broadcast %mul3A_282 : f32 to vector<16xf32>
      %mul3A_284 = arith.mulf %mul3A_283, %bitcast3A : vector<16xf32>
      %sub3A_285 = arith.subf %get3A_281, %mul3A_284 : vector<16xf32>
      %jit3A_286 = arith.constant 8 : i32
      %div3A_287 = arith.divsi %scan3A_153, %jit3A_286 : i32
      %sign3A_288 = arith.constant 0 : i32
      %sign3A_289 = arith.cmpi sgt, %scan3A_153, %sign3A_288 : i32
      %sign3A_290 = arith.extui %sign3A_289 : i1 to i32
      %sign3A_291 = arith.constant 0 : i32
      %sign3A_292 = arith.cmpi slt, %scan3A_153, %sign3A_291 : i32
      %sign3A_293 = arith.extui %sign3A_292 : i1 to i32
      %sign3A_294 = arith.subi %sign3A_290, %sign3A_293 : i32
      %sign3A_295 = arith.constant 0 : i32
      %sign3A_296 = arith.cmpi sgt, %jit3A_286, %sign3A_295 : i32
      %sign3A_297 = arith.extui %sign3A_296 : i1 to i32
      %sign3A_298 = arith.constant 0 : i32
      %sign3A_299 = arith.cmpi slt, %jit3A_286, %sign3A_298 : i32
      %sign3A_300 = arith.extui %sign3A_299 : i1 to i32
      %sign3A_301 = arith.subi %sign3A_297, %sign3A_300 : i32
      %ne3A_302 = arith.cmpi ne, %sign3A_294, %sign3A_301 : i32
      %rem3A_303 = arith.remsi %scan3A_153, %jit3A_286 : i32
      %ne3A_304 = arith.constant 0 : i32
      %ne3A_305 = arith.cmpi ne, %rem3A_303, %ne3A_304 : i32
      %and3A_306 = arith.andi %ne3A_302, %ne3A_305 : i1
      %sub3A_307 = arith.constant 1 : i32
      %sub3A_308 = arith.subi %div3A_287, %sub3A_307 : i32
      %select_n3A_309 = arith.select %and3A_306, %sub3A_308, %div3A_287 : i32
      %jit3A_310 = arith.constant 8 : i32
      %eq3A_311 = arith.constant 0 : i32
      %eq3A_312 = arith.cmpi eq, %jit3A_310, %eq3A_311 : i32
      %jit3A_313 = arith.constant 1 : i32
      %select_n3A_314 = arith.select %eq3A_312, %jit3A_313, %jit3A_310 : i32
      %rem3A_315 = arith.remsi %scan3A_153, %select_n3A_314 : i32
      %ne3A_316 = arith.constant 0 : i32
      %ne3A_317 = arith.cmpi ne, %rem3A_315, %ne3A_316 : i32
      %lt3A_318 = arith.constant 0 : i32
      %lt3A_319 = arith.cmpi slt, %rem3A_315, %lt3A_318 : i32
      %lt3A_320 = arith.constant 0 : i32
      %lt3A_321 = arith.cmpi slt, %select_n3A_314, %lt3A_320 : i32
      %ne3A_322 = arith.xori %lt3A_319, %lt3A_321 : i1
      %and3A_323 = arith.andi %ne3A_322, %ne3A_317 : i1
      %add3A_324 = arith.addi %rem3A_315, %select_n3A_314 : i32
      %select_n3A_325 = arith.select %and3A_323, %add3A_324, %rem3A_315 : i32
      %mul3A_326 = arith.constant 16 : i32
      %mul3A_327 = arith.muli %select_n3A_325, %mul3A_326 : i32
      %swap3A = arith.index_cast %select_n3A_309 : i32 to index
      %swap3A_328 = arith.index_cast %mul3A_327 : i32 to index
      %swap3A_329 = tpu.vector_load %arg16[%swap3A, %swap3A_328] {strides = array<i32>} : memref<64x128xf32, #tpu.memory_space<vmem>>, vector<16xf32>,
      tpu.vector_store %arg16[%swap3A, %swap3A_328], %sub3A_285 {strides = array<i32>} : memref<64x128xf32, #tpu.memory_space<vmem>>, vector<16xf32>,
      %scan3A_330 = arith.constant 0 : i32
      scf.yield %scan3A_330 : i32
    }
    %scan3A_104 = arith.constant 512 : i32
    %add3A_105 = arith.constant 6144 : i32
    %add3A_106 = arith.addi %add3A_105, %mul3A_4 : i32
    %multiple_of3A_107 = tpu.assume_multiple %add3A_106, 8 : i32
    "tpu.region"() ({
      %run_scoped3A = tpu.sem_alloc : memref<!tpu.dma_semaphore, #tpu.memory_space<semaphore_mem>>
      %dma_start3A = arith.constant 0 : i32
      %dma_start3A_153 = tpu.memref_slice %arg9[%multiple_of3A_107, %dma_start3A] : memref<12288x128xf32, #tpu.memory_space<hbm>> -> memref<64x128xf32, #tpu.memory_space<hbm>>
      %dma_start3A_154 = arith.constant 0 : i32
      %dma_start3A_155 = tpu.memref_slice %arg9[%multiple_of3A_107, %dma_start3A_154] : memref<12288x128xf32, #tpu.memory_space<hbm>> -> memref<64x128xf32, #tpu.memory_space<hbm>>
      tpu.enqueue_dma source(%arg16 : memref<64x128xf32, #tpu.memory_space<vmem>>) target(%dma_start3A_155 : memref<64x128xf32, #tpu.memory_space<hbm>>) target_semaphore(%run_scoped3A : memref<!tpu.dma_semaphore, #tpu.memory_space<semaphore_mem>>)
      %dma_wait3A = arith.constant 0 : i32
      %dma_wait3A_156 = tpu.memref_slice %arg9[%multiple_of3A_107, %dma_wait3A] : memref<12288x128xf32, #tpu.memory_space<hbm>> -> memref<64x128xf32, #tpu.memory_space<hbm>>
      %dma_wait3A_157 = arith.constant 0 : i32
      %dma_wait3A_158 = tpu.memref_slice %arg9[%multiple_of3A_107, %dma_wait3A_157] : memref<12288x128xf32, #tpu.memory_space<hbm>> -> memref<64x128xf32, #tpu.memory_space<hbm>>
      tpu.wait_dma2 semaphore(%run_scoped3A : memref<!tpu.dma_semaphore, #tpu.memory_space<semaphore_mem>>) src(%arg16 : memref<64x128xf32, #tpu.memory_space<vmem>>) dst(%dma_wait3A_158 : memref<64x128xf32, #tpu.memory_space<hbm>>)
      tpu.yield
    }) : () -> ()
    "tpu.region"() ({
      %run_scoped3A = tpu.sem_alloc : memref<!tpu.dma_semaphore, #tpu.memory_space<semaphore_mem>>
      %dma_start3A = arith.constant 0 : i32
      %dma_start3A_153 = tpu.memref_slice %arg11[%dma_start3A] : memref<24576xi32, #tpu.memory_space<vmem>> -> memref<8192xi32, #tpu.memory_space<vmem>>
      %dma_start3A_154 = tpu.memref_slice %arg7[%multiple_of3A] : memref<786432xi32, #tpu.memory_space<hbm>> -> memref<8192xi32, #tpu.memory_space<hbm>>
      %dma_start3A_155 = arith.constant 0 : i32
      %dma_start3A_156 = tpu.memref_slice %arg11[%dma_start3A_155] : memref<24576xi32, #tpu.memory_space<vmem>> -> memref<8192xi32, #tpu.memory_space<vmem>>
      %dma_start3A_157 = tpu.memref_slice %arg7[%multiple_of3A] : memref<786432xi32, #tpu.memory_space<hbm>> -> memref<8192xi32, #tpu.memory_space<hbm>>
      tpu.enqueue_dma source(%dma_start3A_157 : memref<8192xi32, #tpu.memory_space<hbm>>) target(%dma_start3A_156 : memref<8192xi32, #tpu.memory_space<vmem>>) target_semaphore(%run_scoped3A : memref<!tpu.dma_semaphore, #tpu.memory_space<semaphore_mem>>)
      %dma_wait3A = arith.constant 0 : i32
      %dma_wait3A_158 = tpu.memref_slice %arg11[%dma_wait3A] : memref<24576xi32, #tpu.memory_space<vmem>> -> memref<8192xi32, #tpu.memory_space<vmem>>
      %dma_wait3A_159 = tpu.memref_slice %arg7[%multiple_of3A] : memref<786432xi32, #tpu.memory_space<hbm>> -> memref<8192xi32, #tpu.memory_space<hbm>>
      %dma_wait3A_160 = arith.constant 0 : i32
      %dma_wait3A_161 = tpu.memref_slice %arg11[%dma_wait3A_160] : memref<24576xi32, #tpu.memory_space<vmem>> -> memref<8192xi32, #tpu.memory_space<vmem>>
      %dma_wait3A_162 = tpu.memref_slice %arg7[%multiple_of3A] : memref<786432xi32, #tpu.memory_space<hbm>> -> memref<8192xi32, #tpu.memory_space<hbm>>
      tpu.wait_dma2 semaphore(%run_scoped3A : memref<!tpu.dma_semaphore, #tpu.memory_space<semaphore_mem>>) src(%dma_wait3A_162 : memref<8192xi32, #tpu.memory_space<hbm>>) dst(%dma_wait3A_161 : memref<8192xi32, #tpu.memory_space<vmem>>)
      tpu.yield
    }) : () -> ()
    %add3A_108 = arith.constant 262144 : i32
    %add3A_109 = arith.addi %add3A_108, %multiple_of3A : i32
    "tpu.region"() ({
      %run_scoped3A = tpu.sem_alloc : memref<!tpu.dma_semaphore, #tpu.memory_space<semaphore_mem>>
      %dma_start3A = arith.constant 8192 : i32
      %dma_start3A_153 = tpu.memref_slice %arg11[%dma_start3A] : memref<24576xi32, #tpu.memory_space<vmem>> -> memref<8192xi32, #tpu.memory_space<vmem>>
      %dma_start3A_154 = tpu.memref_slice %arg7[%add3A_109] : memref<786432xi32, #tpu.memory_space<hbm>> -> memref<8192xi32, #tpu.memory_space<hbm>>
      %dma_start3A_155 = arith.constant 8192 : i32
      %dma_start3A_156 = tpu.memref_slice %arg11[%dma_start3A_155] : memref<24576xi32, #tpu.memory_space<vmem>> -> memref<8192xi32, #tpu.memory_space<vmem>>
      %dma_start3A_157 = tpu.memref_slice %arg7[%add3A_109] : memref<786432xi32, #tpu.memory_space<hbm>> -> memref<8192xi32, #tpu.memory_space<hbm>>
      tpu.enqueue_dma source(%dma_start3A_157 : memref<8192xi32, #tpu.memory_space<hbm>>) target(%dma_start3A_156 : memref<8192xi32, #tpu.memory_space<vmem>>) target_semaphore(%run_scoped3A : memref<!tpu.dma_semaphore, #tpu.memory_space<semaphore_mem>>)
      %dma_wait3A = arith.constant 8192 : i32
      %dma_wait3A_158 = tpu.memref_slice %arg11[%dma_wait3A] : memref<24576xi32, #tpu.memory_space<vmem>> -> memref<8192xi32, #tpu.memory_space<vmem>>
      %dma_wait3A_159 = tpu.memref_slice %arg7[%add3A_109] : memref<786432xi32, #tpu.memory_space<hbm>> -> memref<8192xi32, #tpu.memory_space<hbm>>
      %dma_wait3A_160 = arith.constant 8192 : i32
      %dma_wait3A_161 = tpu.memref_slice %arg11[%dma_wait3A_160] : memref<24576xi32, #tpu.memory_space<vmem>> -> memref<8192xi32, #tpu.memory_space<vmem>>
      %dma_wait3A_162 = tpu.memref_slice %arg7[%add3A_109] : memref<786432xi32, #tpu.memory_space<hbm>> -> memref<8192xi32, #tpu.memory_space<hbm>>
      tpu.wait_dma2 semaphore(%run_scoped3A : memref<!tpu.dma_semaphore, #tpu.memory_space<semaphore_mem>>) src(%dma_wait3A_162 : memref<8192xi32, #tpu.memory_space<hbm>>) dst(%dma_wait3A_161 : memref<8192xi32, #tpu.memory_space<vmem>>)
      tpu.yield
    }) : () -> ()
    %add3A_110 = arith.constant 524288 : i32
    %add3A_111 = arith.addi %add3A_110, %multiple_of3A : i32
    "tpu.region"() ({
      %run_scoped3A = tpu.sem_alloc : memref<!tpu.dma_semaphore, #tpu.memory_space<semaphore_mem>>
      %dma_start3A = arith.constant 16384 : i32
      %dma_start3A_153 = tpu.memref_slice %arg11[%dma_start3A] : memref<24576xi32, #tpu.memory_space<vmem>> -> memref<8192xi32, #tpu.memory_space<vmem>>
      %dma_start3A_154 = tpu.memref_slice %arg7[%add3A_111] : memref<786432xi32, #tpu.memory_space<hbm>> -> memref<8192xi32, #tpu.memory_space<hbm>>
      %dma_start3A_155 = arith.constant 16384 : i32
      %dma_start3A_156 = tpu.memref_slice %arg11[%dma_start3A_155] : memref<24576xi32, #tpu.memory_space<vmem>> -> memref<8192xi32, #tpu.memory_space<vmem>>
      %dma_start3A_157 = tpu.memref_slice %arg7[%add3A_111] : memref<786432xi32, #tpu.memory_space<hbm>> -> memref<8192xi32, #tpu.memory_space<hbm>>
      tpu.enqueue_dma source(%dma_start3A_157 : memref<8192xi32, #tpu.memory_space<hbm>>) target(%dma_start3A_156 : memref<8192xi32, #tpu.memory_space<vmem>>) target_semaphore(%run_scoped3A : memref<!tpu.dma_semaphore, #tpu.memory_space<semaphore_mem>>)
      %dma_wait3A = arith.constant 16384 : i32
      %dma_wait3A_158 = tpu.memref_slice %arg11[%dma_wait3A] : memref<24576xi32, #tpu.memory_space<vmem>> -> memref<8192xi32, #tpu.memory_space<vmem>>
      %dma_wait3A_159 = tpu.memref_slice %arg7[%add3A_111] : memref<786432xi32, #tpu.memory_space<hbm>> -> memref<8192xi32, #tpu.memory_space<hbm>>
      %dma_wait3A_160 = arith.constant 16384 : i32
      %dma_wait3A_161 = tpu.memref_slice %arg11[%dma_wait3A_160] : memref<24576xi32, #tpu.memory_space<vmem>> -> memref<8192xi32, #tpu.memory_space<vmem>>
      %dma_wait3A_162 = tpu.memref_slice %arg7[%add3A_111] : memref<786432xi32, #tpu.memory_space<hbm>> -> memref<8192xi32, #tpu.memory_space<hbm>>
      tpu.wait_dma2 semaphore(%run_scoped3A : memref<!tpu.dma_semaphore, #tpu.memory_space<semaphore_mem>>) src(%dma_wait3A_162 : memref<8192xi32, #tpu.memory_space<hbm>>) dst(%dma_wait3A_161 : memref<8192xi32, #tpu.memory_space<vmem>>)
      tpu.yield
    }) : () -> ()
    %scan3A_112 = arith.constant 0 : i32
    %scan3A_113 = arith.constant 0 : i32
    %scan3A_114 = arith.constant 512 : i32
    %scan3A_115 = arith.addi %scan3A_113, %scan3A_114 : i32
    %scan3A_116 = arith.constant 1 : i32
    %scan3A_117 = scf.for %scan3A_153 = %scan3A_113 to %scan3A_115 step %scan3A_116 iter_args(%scan3A_154 = %scan3A_112) -> (i32)  : i32 {
      %mul3A_155 = arith.constant 16 : i32
      %mul3A_156 = arith.muli %scan3A_153, %mul3A_155 : i32
      %get3A = arith.index_cast %mul3A_156 : i32 to index
      %get3A_157 = tpu.vector_load %arg11[%get3A] {strides = array<i32>} : memref<24576xi32, #tpu.memory_space<vmem>>, vector<16xi32>,
      %mul3A_158 = arith.constant 16 : i32
      %mul3A_159 = arith.muli %scan3A_153, %mul3A_158 : i32
      %add3A_160 = arith.constant 8192 : i32
      %add3A_161 = arith.addi %add3A_160, %mul3A_159 : i32
      %get3A_162 = arith.index_cast %add3A_161 : i32 to index
      %get3A_163 = tpu.vector_load %arg11[%get3A_162] {strides = array<i32>} : memref<24576xi32, #tpu.memory_space<vmem>>, vector<16xi32>,
      %mul3A_164 = arith.constant 16 : i32
      %mul3A_165 = arith.muli %scan3A_153, %mul3A_164 : i32
      %add3A_166 = arith.constant 16384 : i32
      %add3A_167 = arith.addi %add3A_166, %mul3A_165 : i32
      %get3A_168 = arith.index_cast %add3A_167 : i32 to index
      %get3A_169 = tpu.vector_load %arg11[%get3A_168] {strides = array<i32>} : memref<24576xi32, #tpu.memory_space<vmem>>, vector<16xi32>,
      %min3A = arith.minsi %get3A_157, %get3A_163 : vector<16xi32>
      %max3A = arith.maxsi %get3A_157, %get3A_163 : vector<16xi32>
      %shift_right_arithmetic3A = arith.constant 7 : i32
      %shift_right_arithmetic3A_170 = vector.broadcast %shift_right_arithmetic3A : i32 to vector<16xi32>
      %shift_right_arithmetic3A_171 = arith.shrsi %min3A, %shift_right_arithmetic3A_170 : vector<16xi32>
      %shift_right_arithmetic3A_172 = arith.constant 7 : i32
      %shift_right_arithmetic3A_173 = vector.broadcast %shift_right_arithmetic3A_172 : i32 to vector<16xi32>
      %shift_right_arithmetic3A_174 = arith.shrsi %max3A, %shift_right_arithmetic3A_173 : vector<16xi32>
      %lt3A = arith.constant 64 : i32
      %lt3A_175 = vector.broadcast %lt3A : i32 to vector<16xi32>
      %lt3A_176 = arith.cmpi slt, %shift_right_arithmetic3A_171, %lt3A_175 : vector<16xi32>
      %sub3A = arith.constant 127 : i32
      %sub3A_177 = vector.broadcast %sub3A : i32 to vector<16xi32>
      %sub3A_178 = arith.subi %sub3A_177, %shift_right_arithmetic3A_171 : vector<16xi32>
      %select_n3A = arith.select %lt3A_176, %shift_right_arithmetic3A_171, %sub3A_178 : vector<16xi1>, vector<16xi32>
      %sub3A_179 = arith.subi %shift_right_arithmetic3A_174, %shift_right_arithmetic3A_171 : vector<16xi32>
      %add3A_180 = arith.constant 1 : i32
      %add3A_181 = vector.broadcast %add3A_180 : i32 to vector<16xi32>
      %add3A_182 = arith.addi %shift_right_arithmetic3A_174, %add3A_181 : vector<16xi32>
      %select_n3A_183 = arith.select %lt3A_176, %sub3A_179, %add3A_182 : vector<16xi1>, vector<16xi32>
      %mul3A_184 = arith.constant 1056768 : i32
      %mul3A_185 = vector.broadcast %mul3A_184 : i32 to vector<16xi32>
      %mul3A_186 = arith.muli %select_n3A, %mul3A_185 : vector<16xi32>
      %shift_left3A = arith.constant 13 : i32
      %shift_left3A_187 = vector.broadcast %shift_left3A : i32 to vector<16xi32>
      %shift_left3A_188 = arith.shli %select_n3A_183, %shift_left3A_187 : vector<16xi32>
      %add3A_189 = arith.addi %mul3A_186, %shift_left3A_188 : vector<16xi32>
      %and3A = arith.constant 63 : i32
      %and3A_190 = vector.broadcast %and3A : i32 to vector<16xi32>
      %and3A_191 = arith.andi %min3A, %and3A_190 : vector<16xi32>
      %shift_left3A_192 = arith.constant 7 : i32
      %shift_left3A_193 = vector.broadcast %shift_left3A_192 : i32 to vector<16xi32>
      %shift_left3A_194 = arith.shli %and3A_191, %shift_left3A_193 : vector<16xi32>
      %add3A_195 = arith.addi %add3A_189, %shift_left3A_194 : vector<16xi32>
      %and3A_196 = arith.constant 127 : i32
      %and3A_197 = vector.broadcast %and3A_196 : i32 to vector<16xi32>
      %and3A_198 = arith.andi %max3A, %and3A_197 : vector<16xi32>
      %add3A_199 = arith.addi %add3A_195, %and3A_198 : vector<16xi32>
      %and3A_200 = arith.constant 64 : i32
      %and3A_201 = vector.broadcast %and3A_200 : i32 to vector<16xi32>
      %and3A_202 = arith.andi %min3A, %and3A_201 : vector<16xi32>
      %sub3A_203 = arith.constant 64 : i32
      %sub3A_204 = vector.broadcast %sub3A_203 : i32 to vector<16xi32>
      %sub3A_205 = arith.subi %sub3A_204, %and3A_202 : vector<16xi32>
      %shift_right_arithmetic3A_206 = arith.constant 2 : i32
      %shift_right_arithmetic3A_207 = vector.broadcast %shift_right_arithmetic3A_206 : i32 to vector<16xi32>
      %shift_right_arithmetic3A_208 = arith.shrsi %sub3A_205, %shift_right_arithmetic3A_207 : vector<16xi32>
      %min3A_209 = arith.minsi %get3A_157, %get3A_169 : vector<16xi32>
      %max3A_210 = arith.maxsi %get3A_157, %get3A_169 : vector<16xi32>
      %shift_right_arithmetic3A_211 = arith.constant 7 : i32
      %shift_right_arithmetic3A_212 = vector.broadcast %shift_right_arithmetic3A_211 : i32 to vector<16xi32>
      %shift_right_arithmetic3A_213 = arith.shrsi %min3A_209, %shift_right_arithmetic3A_212 : vector<16xi32>
      %shift_right_arithmetic3A_214 = arith.constant 7 : i32
      %shift_right_arithmetic3A_215 = vector.broadcast %shift_right_arithmetic3A_214 : i32 to vector<16xi32>
      %shift_right_arithmetic3A_216 = arith.shrsi %max3A_210, %shift_right_arithmetic3A_215 : vector<16xi32>
      %lt3A_217 = arith.constant 64 : i32
      %lt3A_218 = vector.broadcast %lt3A_217 : i32 to vector<16xi32>
      %lt3A_219 = arith.cmpi slt, %shift_right_arithmetic3A_213, %lt3A_218 : vector<16xi32>
      %sub3A_220 = arith.constant 127 : i32
      %sub3A_221 = vector.broadcast %sub3A_220 : i32 to vector<16xi32>
      %sub3A_222 = arith.subi %sub3A_221, %shift_right_arithmetic3A_213 : vector<16xi32>
      %select_n3A_223 = arith.select %lt3A_219, %shift_right_arithmetic3A_213, %sub3A_222 : vector<16xi1>, vector<16xi32>
      %sub3A_224 = arith.subi %shift_right_arithmetic3A_216, %shift_right_arithmetic3A_213 : vector<16xi32>
      %add3A_225 = arith.constant 1 : i32
      %add3A_226 = vector.broadcast %add3A_225 : i32 to vector<16xi32>
      %add3A_227 = arith.addi %shift_right_arithmetic3A_216, %add3A_226 : vector<16xi32>
      %select_n3A_228 = arith.select %lt3A_219, %sub3A_224, %add3A_227 : vector<16xi1>, vector<16xi32>
      %mul3A_229 = arith.constant 1056768 : i32
      %mul3A_230 = vector.broadcast %mul3A_229 : i32 to vector<16xi32>
      %mul3A_231 = arith.muli %select_n3A_223, %mul3A_230 : vector<16xi32>
      %shift_left3A_232 = arith.constant 13 : i32
      %shift_left3A_233 = vector.broadcast %shift_left3A_232 : i32 to vector<16xi32>
      %shift_left3A_234 = arith.shli %select_n3A_228, %shift_left3A_233 : vector<16xi32>
      %add3A_235 = arith.addi %mul3A_231, %shift_left3A_234 : vector<16xi32>
      %and3A_236 = arith.constant 63 : i32
      %and3A_237 = vector.broadcast %and3A_236 : i32 to vector<16xi32>
      %and3A_238 = arith.andi %min3A_209, %and3A_237 : vector<16xi32>
      %shift_left3A_239 = arith.constant 7 : i32
      %shift_left3A_240 = vector.broadcast %shift_left3A_239 : i32 to vector<16xi32>
      %shift_left3A_241 = arith.shli %and3A_238, %shift_left3A_240 : vector<16xi32>
      %add3A_242 = arith.addi %add3A_235, %shift_left3A_241 : vector<16xi32>
      %and3A_243 = arith.constant 127 : i32
      %and3A_244 = vector.broadcast %and3A_243 : i32 to vector<16xi32>
      %and3A_245 = arith.andi %max3A_210, %and3A_244 : vector<16xi32>
      %add3A_246 = arith.addi %add3A_242, %and3A_245 : vector<16xi32>
      %and3A_247 = arith.constant 64 : i32
      %and3A_248 = vector.broadcast %and3A_247 : i32 to vector<16xi32>
      %and3A_249 = arith.andi %min3A_209, %and3A_248 : vector<16xi32>
      %sub3A_250 = arith.constant 64 : i32
      %sub3A_251 = vector.broadcast %sub3A_250 : i32 to vector<16xi32>
      %sub3A_252 = arith.subi %sub3A_251, %and3A_249 : vector<16xi32>
      %shift_right_arithmetic3A_253 = arith.constant 2 : i32
      %shift_right_arithmetic3A_254 = vector.broadcast %shift_right_arithmetic3A_253 : i32 to vector<16xi32>
      %shift_right_arithmetic3A_255 = arith.shrsi %sub3A_252, %shift_right_arithmetic3A_254 : vector<16xi32>
      %jit3A = arith.constant 8 : i32
      %div3A = arith.divsi %scan3A_153, %jit3A : i32
      %sign3A = arith.constant 0 : i32
      %sign3A_256 = arith.cmpi sgt, %scan3A_153, %sign3A : i32
      %sign3A_257 = arith.extui %sign3A_256 : i1 to i32
      %sign3A_258 = arith.constant 0 : i32
      %sign3A_259 = arith.cmpi slt, %scan3A_153, %sign3A_258 : i32
      %sign3A_260 = arith.extui %sign3A_259 : i1 to i32
      %sign3A_261 = arith.subi %sign3A_257, %sign3A_260 : i32
      %sign3A_262 = arith.constant 0 : i32
      %sign3A_263 = arith.cmpi sgt, %jit3A, %sign3A_262 : i32
      %sign3A_264 = arith.extui %sign3A_263 : i1 to i32
      %sign3A_265 = arith.constant 0 : i32
      %sign3A_266 = arith.cmpi slt, %jit3A, %sign3A_265 : i32
      %sign3A_267 = arith.extui %sign3A_266 : i1 to i32
      %sign3A_268 = arith.subi %sign3A_264, %sign3A_267 : i32
      %ne3A = arith.cmpi ne, %sign3A_261, %sign3A_268 : i32
      %rem3A = arith.remsi %scan3A_153, %jit3A : i32
      %ne3A_269 = arith.constant 0 : i32
      %ne3A_270 = arith.cmpi ne, %rem3A, %ne3A_269 : i32
      %and3A_271 = arith.andi %ne3A, %ne3A_270 : i1
      %sub3A_272 = arith.constant 1 : i32
      %sub3A_273 = arith.subi %div3A, %sub3A_272 : i32
      %select_n3A_274 = arith.select %and3A_271, %sub3A_273, %div3A : i32
      %jit3A_275 = arith.constant 8 : i32
      %eq3A = arith.constant 0 : i32
      %eq3A_276 = arith.cmpi eq, %jit3A_275, %eq3A : i32
      %jit3A_277 = arith.constant 1 : i32
      %select_n3A_278 = arith.select %eq3A_276, %jit3A_277, %jit3A_275 : i32
      %rem3A_279 = arith.remsi %scan3A_153, %select_n3A_278 : i32
      %ne3A_280 = arith.constant 0 : i32
      %ne3A_281 = arith.cmpi ne, %rem3A_279, %ne3A_280 : i32
      %lt3A_282 = arith.constant 0 : i32
      %lt3A_283 = arith.cmpi slt, %rem3A_279, %lt3A_282 : i32
      %lt3A_284 = arith.constant 0 : i32
      %lt3A_285 = arith.cmpi slt, %select_n3A_278, %lt3A_284 : i32
      %ne3A_286 = arith.xori %lt3A_283, %lt3A_285 : i1
      %and3A_287 = arith.andi %ne3A_286, %ne3A_281 : i1
      %add3A_288 = arith.addi %rem3A_279, %select_n3A_278 : i32
      %select_n3A_289 = arith.select %and3A_287, %add3A_288, %rem3A_279 : i32
      %mul3A_290 = arith.constant 16 : i32
      %mul3A_291 = arith.muli %select_n3A_289, %mul3A_290 : i32
      %swap3A = arith.index_cast %select_n3A_274 : i32 to index
      %swap3A_292 = arith.index_cast %mul3A_291 : i32 to index
      %swap3A_293 = tpu.vector_load %arg12[%swap3A, %swap3A_292] {strides = array<i32>} : memref<64x128xi32, #tpu.memory_space<vmem>>, vector<16xi32>,
      tpu.vector_store %arg12[%swap3A, %swap3A_292], %add3A_199 {strides = array<i32>} : memref<64x128xi32, #tpu.memory_space<vmem>>, vector<16xi32>,
      %jit3A_294 = arith.constant 8 : i32
      %div3A_295 = arith.divsi %scan3A_153, %jit3A_294 : i32
      %sign3A_296 = arith.constant 0 : i32
      %sign3A_297 = arith.cmpi sgt, %scan3A_153, %sign3A_296 : i32
      %sign3A_298 = arith.extui %sign3A_297 : i1 to i32
      %sign3A_299 = arith.constant 0 : i32
      %sign3A_300 = arith.cmpi slt, %scan3A_153, %sign3A_299 : i32
      %sign3A_301 = arith.extui %sign3A_300 : i1 to i32
      %sign3A_302 = arith.subi %sign3A_298, %sign3A_301 : i32
      %sign3A_303 = arith.constant 0 : i32
      %sign3A_304 = arith.cmpi sgt, %jit3A_294, %sign3A_303 : i32
      %sign3A_305 = arith.extui %sign3A_304 : i1 to i32
      %sign3A_306 = arith.constant 0 : i32
      %sign3A_307 = arith.cmpi slt, %jit3A_294, %sign3A_306 : i32
      %sign3A_308 = arith.extui %sign3A_307 : i1 to i32
      %sign3A_309 = arith.subi %sign3A_305, %sign3A_308 : i32
      %ne3A_310 = arith.cmpi ne, %sign3A_302, %sign3A_309 : i32
      %rem3A_311 = arith.remsi %scan3A_153, %jit3A_294 : i32
      %ne3A_312 = arith.constant 0 : i32
      %ne3A_313 = arith.cmpi ne, %rem3A_311, %ne3A_312 : i32
      %and3A_314 = arith.andi %ne3A_310, %ne3A_313 : i1
      %sub3A_315 = arith.constant 1 : i32
      %sub3A_316 = arith.subi %div3A_295, %sub3A_315 : i32
      %select_n3A_317 = arith.select %and3A_314, %sub3A_316, %div3A_295 : i32
      %jit3A_318 = arith.constant 8 : i32
      %eq3A_319 = arith.constant 0 : i32
      %eq3A_320 = arith.cmpi eq, %jit3A_318, %eq3A_319 : i32
      %jit3A_321 = arith.constant 1 : i32
      %select_n3A_322 = arith.select %eq3A_320, %jit3A_321, %jit3A_318 : i32
      %rem3A_323 = arith.remsi %scan3A_153, %select_n3A_322 : i32
      %ne3A_324 = arith.constant 0 : i32
      %ne3A_325 = arith.cmpi ne, %rem3A_323, %ne3A_324 : i32
      %lt3A_326 = arith.constant 0 : i32
      %lt3A_327 = arith.cmpi slt, %rem3A_323, %lt3A_326 : i32
      %lt3A_328 = arith.constant 0 : i32
      %lt3A_329 = arith.cmpi slt, %select_n3A_322, %lt3A_328 : i32
      %ne3A_330 = arith.xori %lt3A_327, %lt3A_329 : i1
      %and3A_331 = arith.andi %ne3A_330, %ne3A_325 : i1
      %add3A_332 = arith.addi %rem3A_323, %select_n3A_322 : i32
      %select_n3A_333 = arith.select %and3A_331, %add3A_332, %rem3A_323 : i32
      %mul3A_334 = arith.constant 16 : i32
      %mul3A_335 = arith.muli %select_n3A_333, %mul3A_334 : i32
      %swap3A_336 = arith.index_cast %select_n3A_317 : i32 to index
      %swap3A_337 = arith.index_cast %mul3A_335 : i32 to index
      %swap3A_338 = tpu.vector_load %arg18[%swap3A_336, %swap3A_337] {strides = array<i32>} : memref<64x128xi32, #tpu.memory_space<vmem>>, vector<16xi32>,
      tpu.vector_store %arg18[%swap3A_336, %swap3A_337], %shift_right_arithmetic3A_208 {strides = array<i32>} : memref<64x128xi32, #tpu.memory_space<vmem>>, vector<16xi32>,
      %jit3A_339 = arith.constant 8 : i32
      %div3A_340 = arith.divsi %scan3A_153, %jit3A_339 : i32
      %sign3A_341 = arith.constant 0 : i32
      %sign3A_342 = arith.cmpi sgt, %scan3A_153, %sign3A_341 : i32
      %sign3A_343 = arith.extui %sign3A_342 : i1 to i32
      %sign3A_344 = arith.constant 0 : i32
      %sign3A_345 = arith.cmpi slt, %scan3A_153, %sign3A_344 : i32
      %sign3A_346 = arith.extui %sign3A_345 : i1 to i32
      %sign3A_347 = arith.subi %sign3A_343, %sign3A_346 : i32
      %sign3A_348 = arith.constant 0 : i32
      %sign3A_349 = arith.cmpi sgt, %jit3A_339, %sign3A_348 : i32
      %sign3A_350 = arith.extui %sign3A_349 : i1 to i32
      %sign3A_351 = arith.constant 0 : i32
      %sign3A_352 = arith.cmpi slt, %jit3A_339, %sign3A_351 : i32
      %sign3A_353 = arith.extui %sign3A_352 : i1 to i32
      %sign3A_354 = arith.subi %sign3A_350, %sign3A_353 : i32
      %ne3A_355 = arith.cmpi ne, %sign3A_347, %sign3A_354 : i32
      %rem3A_356 = arith.remsi %scan3A_153, %jit3A_339 : i32
      %ne3A_357 = arith.constant 0 : i32
      %ne3A_358 = arith.cmpi ne, %rem3A_356, %ne3A_357 : i32
      %and3A_359 = arith.andi %ne3A_355, %ne3A_358 : i1
      %sub3A_360 = arith.constant 1 : i32
      %sub3A_361 = arith.subi %div3A_340, %sub3A_360 : i32
      %select_n3A_362 = arith.select %and3A_359, %sub3A_361, %div3A_340 : i32
      %jit3A_363 = arith.constant 8 : i32
      %eq3A_364 = arith.constant 0 : i32
      %eq3A_365 = arith.cmpi eq, %jit3A_363, %eq3A_364 : i32
      %jit3A_366 = arith.constant 1 : i32
      %select_n3A_367 = arith.select %eq3A_365, %jit3A_366, %jit3A_363 : i32
      %rem3A_368 = arith.remsi %scan3A_153, %select_n3A_367 : i32
      %ne3A_369 = arith.constant 0 : i32
      %ne3A_370 = arith.cmpi ne, %rem3A_368, %ne3A_369 : i32
      %lt3A_371 = arith.constant 0 : i32
      %lt3A_372 = arith.cmpi slt, %rem3A_368, %lt3A_371 : i32
      %lt3A_373 = arith.constant 0 : i32
      %lt3A_374 = arith.cmpi slt, %select_n3A_367, %lt3A_373 : i32
      %ne3A_375 = arith.xori %lt3A_372, %lt3A_374 : i1
      %and3A_376 = arith.andi %ne3A_375, %ne3A_370 : i1
      %add3A_377 = arith.addi %rem3A_368, %select_n3A_367 : i32
      %select_n3A_378 = arith.select %and3A_376, %add3A_377, %rem3A_368 : i32
      %mul3A_379 = arith.constant 16 : i32
      %mul3A_380 = arith.muli %select_n3A_378, %mul3A_379 : i32
      %swap3A_381 = arith.index_cast %select_n3A_362 : i32 to index
      %swap3A_382 = arith.index_cast %mul3A_380 : i32 to index
      %swap3A_383 = tpu.vector_load %arg13[%swap3A_381, %swap3A_382] {strides = array<i32>} : memref<64x128xi32, #tpu.memory_space<vmem>>, vector<16xi32>,
      tpu.vector_store %arg13[%swap3A_381, %swap3A_382], %add3A_246 {strides = array<i32>} : memref<64x128xi32, #tpu.memory_space<vmem>>, vector<16xi32>,
      %jit3A_384 = arith.constant 8 : i32
      %div3A_385 = arith.divsi %scan3A_153, %jit3A_384 : i32
      %sign3A_386 = arith.constant 0 : i32
      %sign3A_387 = arith.cmpi sgt, %scan3A_153, %sign3A_386 : i32
      %sign3A_388 = arith.extui %sign3A_387 : i1 to i32
      %sign3A_389 = arith.constant 0 : i32
      %sign3A_390 = arith.cmpi slt, %scan3A_153, %sign3A_389 : i32
      %sign3A_391 = arith.extui %sign3A_390 : i1 to i32
      %sign3A_392 = arith.subi %sign3A_388, %sign3A_391 : i32
      %sign3A_393 = arith.constant 0 : i32
      %sign3A_394 = arith.cmpi sgt, %jit3A_384, %sign3A_393 : i32
      %sign3A_395 = arith.extui %sign3A_394 : i1 to i32
      %sign3A_396 = arith.constant 0 : i32
      %sign3A_397 = arith.cmpi slt, %jit3A_384, %sign3A_396 : i32
      %sign3A_398 = arith.extui %sign3A_397 : i1 to i32
      %sign3A_399 = arith.subi %sign3A_395, %sign3A_398 : i32
      %ne3A_400 = arith.cmpi ne, %sign3A_392, %sign3A_399 : i32
      %rem3A_401 = arith.remsi %scan3A_153, %jit3A_384 : i32
      %ne3A_402 = arith.constant 0 : i32
      %ne3A_403 = arith.cmpi ne, %rem3A_401, %ne3A_402 : i32
      %and3A_404 = arith.andi %ne3A_400, %ne3A_403 : i1
      %sub3A_405 = arith.constant 1 : i32
      %sub3A_406 = arith.subi %div3A_385, %sub3A_405 : i32
      %select_n3A_407 = arith.select %and3A_404, %sub3A_406, %div3A_385 : i32
      %jit3A_408 = arith.constant 8 : i32
      %eq3A_409 = arith.constant 0 : i32
      %eq3A_410 = arith.cmpi eq, %jit3A_408, %eq3A_409 : i32
      %jit3A_411 = arith.constant 1 : i32
      %select_n3A_412 = arith.select %eq3A_410, %jit3A_411, %jit3A_408 : i32
      %rem3A_413 = arith.remsi %scan3A_153, %select_n3A_412 : i32
      %ne3A_414 = arith.constant 0 : i32
      %ne3A_415 = arith.cmpi ne, %rem3A_413, %ne3A_414 : i32
      %lt3A_416 = arith.constant 0 : i32
      %lt3A_417 = arith.cmpi slt, %rem3A_413, %lt3A_416 : i32
      %lt3A_418 = arith.constant 0 : i32
      %lt3A_419 = arith.cmpi slt, %select_n3A_412, %lt3A_418 : i32
      %ne3A_420 = arith.xori %lt3A_417, %lt3A_419 : i1
      %and3A_421 = arith.andi %ne3A_420, %ne3A_415 : i1
      %add3A_422 = arith.addi %rem3A_413, %select_n3A_412 : i32
      %select_n3A_423 = arith.select %and3A_421, %add3A_422, %rem3A_413 : i32
      %mul3A_424 = arith.constant 16 : i32
      %mul3A_425 = arith.muli %select_n3A_423, %mul3A_424 : i32
      %swap3A_426 = arith.index_cast %select_n3A_407 : i32 to index
      %swap3A_427 = arith.index_cast %mul3A_425 : i32 to index
      %swap3A_428 = tpu.vector_load %arg19[%swap3A_426, %swap3A_427] {strides = array<i32>} : memref<64x128xi32, #tpu.memory_space<vmem>>, vector<16xi32>,
      tpu.vector_store %arg19[%swap3A_426, %swap3A_427], %shift_right_arithmetic3A_255 {strides = array<i32>} : memref<64x128xi32, #tpu.memory_space<vmem>>, vector<16xi32>,
      %gather3A = tpu.vector_load_idx %arg10[%get3A_157] : memref<16384xf32, #tpu.memory_space<vmem>>[vector<16xi32>], vector<16xf32>,
      %gather3A_429 = tpu.vector_load_idx %arg10[%get3A_163] : memref<16384xf32, #tpu.memory_space<vmem>>[vector<16xi32>], vector<16xf32>,
      %add3A_430 = arith.addf %gather3A, %gather3A_429 : vector<16xf32>
      %jit3A_431 = arith.constant 8 : i32
      %div3A_432 = arith.divsi %scan3A_153, %jit3A_431 : i32
      %sign3A_433 = arith.constant 0 : i32
      %sign3A_434 = arith.cmpi sgt, %scan3A_153, %sign3A_433 : i32
      %sign3A_435 = arith.extui %sign3A_434 : i1 to i32
      %sign3A_436 = arith.constant 0 : i32
      %sign3A_437 = arith.cmpi slt, %scan3A_153, %sign3A_436 : i32
      %sign3A_438 = arith.extui %sign3A_437 : i1 to i32
      %sign3A_439 = arith.subi %sign3A_435, %sign3A_438 : i32
      %sign3A_440 = arith.constant 0 : i32
      %sign3A_441 = arith.cmpi sgt, %jit3A_431, %sign3A_440 : i32
      %sign3A_442 = arith.extui %sign3A_441 : i1 to i32
      %sign3A_443 = arith.constant 0 : i32
      %sign3A_444 = arith.cmpi slt, %jit3A_431, %sign3A_443 : i32
      %sign3A_445 = arith.extui %sign3A_444 : i1 to i32
      %sign3A_446 = arith.subi %sign3A_442, %sign3A_445 : i32
      %ne3A_447 = arith.cmpi ne, %sign3A_439, %sign3A_446 : i32
      %rem3A_448 = arith.remsi %scan3A_153, %jit3A_431 : i32
      %ne3A_449 = arith.constant 0 : i32
      %ne3A_450 = arith.cmpi ne, %rem3A_448, %ne3A_449 : i32
      %and3A_451 = arith.andi %ne3A_447, %ne3A_450 : i1
      %sub3A_452 = arith.constant 1 : i32
      %sub3A_453 = arith.subi %div3A_432, %sub3A_452 : i32
      %select_n3A_454 = arith.select %and3A_451, %sub3A_453, %div3A_432 : i32
      %jit3A_455 = arith.constant 8 : i32
      %eq3A_456 = arith.constant 0 : i32
      %eq3A_457 = arith.cmpi eq, %jit3A_455, %eq3A_456 : i32
      %jit3A_458 = arith.constant 1 : i32
      %select_n3A_459 = arith.select %eq3A_457, %jit3A_458, %jit3A_455 : i32
      %rem3A_460 = arith.remsi %scan3A_153, %select_n3A_459 : i32
      %ne3A_461 = arith.constant 0 : i32
      %ne3A_462 = arith.cmpi ne, %rem3A_460, %ne3A_461 : i32
      %lt3A_463 = arith.constant 0 : i32
      %lt3A_464 = arith.cmpi slt, %rem3A_460, %lt3A_463 : i32
      %lt3A_465 = arith.constant 0 : i32
      %lt3A_466 = arith.cmpi slt, %select_n3A_459, %lt3A_465 : i32
      %ne3A_467 = arith.xori %lt3A_464, %lt3A_466 : i1
      %and3A_468 = arith.andi %ne3A_467, %ne3A_462 : i1
      %add3A_469 = arith.addi %rem3A_460, %select_n3A_459 : i32
      %select_n3A_470 = arith.select %and3A_468, %add3A_469, %rem3A_460 : i32
      %mul3A_471 = arith.constant 16 : i32
      %mul3A_472 = arith.muli %select_n3A_470, %mul3A_471 : i32
      %swap3A_473 = arith.index_cast %select_n3A_454 : i32 to index
      %swap3A_474 = arith.index_cast %mul3A_472 : i32 to index
      %swap3A_475 = tpu.vector_load %arg16[%swap3A_473, %swap3A_474] {strides = array<i32>} : memref<64x128xf32, #tpu.memory_space<vmem>>, vector<16xf32>,
      tpu.vector_store %arg16[%swap3A_473, %swap3A_474], %add3A_430 {strides = array<i32>} : memref<64x128xf32, #tpu.memory_space<vmem>>, vector<16xf32>,
      %gather3A_476 = tpu.vector_load_idx %arg10[%get3A_169] : memref<16384xf32, #tpu.memory_space<vmem>>[vector<16xi32>], vector<16xf32>,
      %add3A_477 = arith.addf %gather3A, %gather3A_476 : vector<16xf32>
      %jit3A_478 = arith.constant 8 : i32
      %div3A_479 = arith.divsi %scan3A_153, %jit3A_478 : i32
      %sign3A_480 = arith.constant 0 : i32
      %sign3A_481 = arith.cmpi sgt, %scan3A_153, %sign3A_480 : i32
      %sign3A_482 = arith.extui %sign3A_481 : i1 to i32
      %sign3A_483 = arith.constant 0 : i32
      %sign3A_484 = arith.cmpi slt, %scan3A_153, %sign3A_483 : i32
      %sign3A_485 = arith.extui %sign3A_484 : i1 to i32
      %sign3A_486 = arith.subi %sign3A_482, %sign3A_485 : i32
      %sign3A_487 = arith.constant 0 : i32
      %sign3A_488 = arith.cmpi sgt, %jit3A_478, %sign3A_487 : i32
      %sign3A_489 = arith.extui %sign3A_488 : i1 to i32
      %sign3A_490 = arith.constant 0 : i32
      %sign3A_491 = arith.cmpi slt, %jit3A_478, %sign3A_490 : i32
      %sign3A_492 = arith.extui %sign3A_491 : i1 to i32
      %sign3A_493 = arith.subi %sign3A_489, %sign3A_492 : i32
      %ne3A_494 = arith.cmpi ne, %sign3A_486, %sign3A_493 : i32
      %rem3A_495 = arith.remsi %scan3A_153, %jit3A_478 : i32
      %ne3A_496 = arith.constant 0 : i32
      %ne3A_497 = arith.cmpi ne, %rem3A_495, %ne3A_496 : i32
      %and3A_498 = arith.andi %ne3A_494, %ne3A_497 : i1
      %sub3A_499 = arith.constant 1 : i32
      %sub3A_500 = arith.subi %div3A_479, %sub3A_499 : i32
      %select_n3A_501 = arith.select %and3A_498, %sub3A_500, %div3A_479 : i32
      %jit3A_502 = arith.constant 8 : i32
      %eq3A_503 = arith.constant 0 : i32
      %eq3A_504 = arith.cmpi eq, %jit3A_502, %eq3A_503 : i32
      %jit3A_505 = arith.constant 1 : i32
      %select_n3A_506 = arith.select %eq3A_504, %jit3A_505, %jit3A_502 : i32
      %rem3A_507 = arith.remsi %scan3A_153, %select_n3A_506 : i32
      %ne3A_508 = arith.constant 0 : i32
      %ne3A_509 = arith.cmpi ne, %rem3A_507, %ne3A_508 : i32
      %lt3A_510 = arith.constant 0 : i32
      %lt3A_511 = arith.cmpi slt, %rem3A_507, %lt3A_510 : i32
      %lt3A_512 = arith.constant 0 : i32
      %lt3A_513 = arith.cmpi slt, %select_n3A_506, %lt3A_512 : i32
      %ne3A_514 = arith.xori %lt3A_511, %lt3A_513 : i1
      %and3A_515 = arith.andi %ne3A_514, %ne3A_509 : i1
      %add3A_516 = arith.addi %rem3A_507, %select_n3A_506 : i32
      %select_n3A_517 = arith.select %and3A_515, %add3A_516, %rem3A_507 : i32
      %mul3A_518 = arith.constant 16 : i32
      %mul3A_519 = arith.muli %select_n3A_517, %mul3A_518 : i32
      %swap3A_520 = arith.index_cast %select_n3A_501 : i32 to index
      %swap3A_521 = arith.index_cast %mul3A_519 : i32 to index
      %swap3A_522 = tpu.vector_load %arg17[%swap3A_520, %swap3A_521] {strides = array<i32>} : memref<64x128xf32, #tpu.memory_space<vmem>>, vector<16xf32>,
      tpu.vector_store %arg17[%swap3A_520, %swap3A_521], %add3A_477 {strides = array<i32>} : memref<64x128xf32, #tpu.memory_space<vmem>>, vector<16xf32>,
      %jit3A_523 = arith.constant 8 : i32
      %eq3A_524 = arith.constant 0 : i32
      %eq3A_525 = arith.cmpi eq, %jit3A_523, %eq3A_524 : i32
      %jit3A_526 = arith.constant 1 : i32
      %select_n3A_527 = arith.select %eq3A_525, %jit3A_526, %jit3A_523 : i32
      %rem3A_528 = arith.remsi %scan3A_153, %select_n3A_527 : i32
      %ne3A_529 = arith.constant 0 : i32
      %ne3A_530 = arith.cmpi ne, %rem3A_528, %ne3A_529 : i32
      %lt3A_531 = arith.constant 0 : i32
      %lt3A_532 = arith.cmpi slt, %rem3A_528, %lt3A_531 : i32
      %lt3A_533 = arith.constant 0 : i32
      %lt3A_534 = arith.cmpi slt, %select_n3A_527, %lt3A_533 : i32
      %ne3A_535 = arith.xori %lt3A_532, %lt3A_534 : i1
      %and3A_536 = arith.andi %ne3A_535, %ne3A_530 : i1
      %add3A_537 = arith.addi %rem3A_528, %select_n3A_527 : i32
      %select_n3A_538 = arith.select %and3A_536, %add3A_537, %rem3A_528 : i32
      %eq3A_539 = arith.constant 7 : i32
      %eq3A_540 = arith.cmpi eq, %select_n3A_538, %eq3A_539 : i32
      %convert_element_type3A = arith.extui %eq3A_540 : i1 to i32
      %cond3A = arith.constant 0 : i32
      %cond3A_541 = arith.cmpi ne, %convert_element_type3A, %cond3A : i32
      scf.if %cond3A_541 {
        %jit3A_543 = arith.constant 8 : i32
        %div3A_544 = arith.divsi %scan3A_153, %jit3A_543 : i32
        %sign3A_545 = arith.constant 0 : i32
        %sign3A_546 = arith.cmpi sgt, %scan3A_153, %sign3A_545 : i32
        %sign3A_547 = arith.extui %sign3A_546 : i1 to i32
        %sign3A_548 = arith.constant 0 : i32
        %sign3A_549 = arith.cmpi slt, %scan3A_153, %sign3A_548 : i32
        %sign3A_550 = arith.extui %sign3A_549 : i1 to i32
        %sign3A_551 = arith.subi %sign3A_547, %sign3A_550 : i32
        %sign3A_552 = arith.constant 0 : i32
        %sign3A_553 = arith.cmpi sgt, %jit3A_543, %sign3A_552 : i32
        %sign3A_554 = arith.extui %sign3A_553 : i1 to i32
        %sign3A_555 = arith.constant 0 : i32
        %sign3A_556 = arith.cmpi slt, %jit3A_543, %sign3A_555 : i32
        %sign3A_557 = arith.extui %sign3A_556 : i1 to i32
        %sign3A_558 = arith.subi %sign3A_554, %sign3A_557 : i32
        %ne3A_559 = arith.cmpi ne, %sign3A_551, %sign3A_558 : i32
        %rem3A_560 = arith.remsi %scan3A_153, %jit3A_543 : i32
        %ne3A_561 = arith.constant 0 : i32
        %ne3A_562 = arith.cmpi ne, %rem3A_560, %ne3A_561 : i32
        %and3A_563 = arith.andi %ne3A_559, %ne3A_562 : i1
        %sub3A_564 = arith.constant 1 : i32
        %sub3A_565 = arith.subi %div3A_544, %sub3A_564 : i32
        %select_n3A_566 = arith.select %and3A_563, %sub3A_565, %div3A_544 : i32
        %dma_start3A = arith.constant 0 : i32
        %dma_start3A_567 = tpu.memref_slice %arg14[%select_n3A_566, %dma_start3A] : memref<64x128xi32, #tpu.memory_space<vmem>> -> memref<1x128xi32, #tpu.memory_space<vmem>>
        %dma_start3A_568 = tpu.memref_squeeze %dma_start3A_567 : memref<1x128xi32, #tpu.memory_space<vmem>> -> memref<128xi32, #tpu.memory_space<vmem>>
        %dma_start3A_569 = arith.constant 0 : i32
        %dma_start3A_570 = tpu.memref_slice %arg12[%select_n3A_566, %dma_start3A_569] : memref<64x128xi32, #tpu.memory_space<vmem>> -> memref<1x128xi32, #tpu.memory_space<vmem>>
        %dma_start3A_571 = tpu.memref_squeeze %dma_start3A_570 : memref<1x128xi32, #tpu.memory_space<vmem>> -> memref<128xi32, #tpu.memory_space<vmem>>
        %dma_start3A_572 = arith.constant 0 : i32
        %dma_start3A_573 = tpu.memref_slice %arg2[%dma_start3A_572] : memref<67633152xi32, #tpu.memory_space<hbm>> -> memref<67633152xi32, #tpu.memory_space<hbm>>
        tpu.enqueue_indirect_dma source(%dma_start3A_573 : memref<67633152xi32, #tpu.memory_space<hbm>>) target(%dma_start3A_568 : memref<128xi32, #tpu.memory_space<vmem>>) offsets(%dma_start3A_571 : memref<128xi32, #tpu.memory_space<vmem>>) semaphore(%arg20 : memref<!tpu.dma_semaphore, #tpu.memory_space<semaphore_mem>>)
        %dma_start3A_574 = arith.constant 0 : i32
        %dma_start3A_575 = tpu.memref_slice %arg15[%select_n3A_566, %dma_start3A_574] : memref<64x128xi32, #tpu.memory_space<vmem>> -> memref<1x128xi32, #tpu.memory_space<vmem>>
        %dma_start3A_576 = tpu.memref_squeeze %dma_start3A_575 : memref<1x128xi32, #tpu.memory_space<vmem>> -> memref<128xi32, #tpu.memory_space<vmem>>
        %dma_start3A_577 = arith.constant 0 : i32
        %dma_start3A_578 = tpu.memref_slice %arg13[%select_n3A_566, %dma_start3A_577] : memref<64x128xi32, #tpu.memory_space<vmem>> -> memref<1x128xi32, #tpu.memory_space<vmem>>
        %dma_start3A_579 = tpu.memref_squeeze %dma_start3A_578 : memref<1x128xi32, #tpu.memory_space<vmem>> -> memref<128xi32, #tpu.memory_space<vmem>>
        %dma_start3A_580 = arith.constant 0 : i32
        %dma_start3A_581 = tpu.memref_slice %arg2[%dma_start3A_580] : memref<67633152xi32, #tpu.memory_space<hbm>> -> memref<67633152xi32, #tpu.memory_space<hbm>>
        tpu.enqueue_indirect_dma source(%dma_start3A_581 : memref<67633152xi32, #tpu.memory_space<hbm>>) target(%dma_start3A_576 : memref<128xi32, #tpu.memory_space<vmem>>) offsets(%dma_start3A_579 : memref<128xi32, #tpu.memory_space<vmem>>) semaphore(%arg20 : memref<!tpu.dma_semaphore, #tpu.memory_space<semaphore_mem>>)
      } else {
      }
      %scan3A_542 = arith.constant 0 : i32
      scf.yield %scan3A_542 : i32
    }
    %scan3A_118 = arith.constant 512 : i32
    %scan3A_119 = arith.constant 0 : i32
    %scan3A_120 = arith.constant 0 : i32
    %scan3A_121 = arith.constant 64 : i32
    %scan3A_122 = arith.addi %scan3A_120, %scan3A_121 : i32
    %scan3A_123 = arith.constant 1 : i32
    %scan3A_124 = scf.for %scan3A_153 = %scan3A_120 to %scan3A_122 step %scan3A_123 iter_args(%scan3A_154 = %scan3A_119) -> (i32)  : i32 {
      %dma_wait3A = arith.constant 0 : i32
      %dma_wait3A_155 = tpu.memref_slice %arg14[%scan3A_153, %dma_wait3A] : memref<64x128xi32, #tpu.memory_space<vmem>> -> memref<1x128xi32, #tpu.memory_space<vmem>>
      %dma_wait3A_156 = tpu.memref_squeeze %dma_wait3A_155 : memref<1x128xi32, #tpu.memory_space<vmem>> -> memref<128xi32, #tpu.memory_space<vmem>>
      %dma_wait3A_157 = arith.constant 0 : i32
      %dma_wait3A_158 = tpu.memref_slice %arg12[%scan3A_153, %dma_wait3A_157] : memref<64x128xi32, #tpu.memory_space<vmem>> -> memref<1x128xi32, #tpu.memory_space<vmem>>
      %dma_wait3A_159 = tpu.memref_squeeze %dma_wait3A_158 : memref<1x128xi32, #tpu.memory_space<vmem>> -> memref<128xi32, #tpu.memory_space<vmem>>
      %dma_wait3A_160 = arith.constant 0 : i32
      %dma_wait3A_161 = tpu.memref_slice %arg2[%dma_wait3A_160] : memref<67633152xi32, #tpu.memory_space<hbm>> -> memref<67633152xi32, #tpu.memory_space<hbm>>
      tpu.wait_indirect_dma semaphore(%arg20 : memref<!tpu.dma_semaphore, #tpu.memory_space<semaphore_mem>>) src(%dma_wait3A_161 : memref<67633152xi32, #tpu.memory_space<hbm>>) dst(%dma_wait3A_156 : memref<128xi32, #tpu.memory_space<vmem>>)
      %scan3A_162 = arith.constant 0 : i32
      scf.yield %scan3A_162 : i32
    }
    %scan3A_125 = arith.constant 64 : i32
    %scan3A_126 = arith.constant 0 : i32
    %scan3A_127 = arith.constant 0 : i32
    %scan3A_128 = arith.constant 64 : i32
    %scan3A_129 = arith.addi %scan3A_127, %scan3A_128 : i32
    %scan3A_130 = arith.constant 1 : i32
    %scan3A_131 = scf.for %scan3A_153 = %scan3A_127 to %scan3A_129 step %scan3A_130 iter_args(%scan3A_154 = %scan3A_126) -> (i32)  : i32 {
      %dma_wait3A = arith.constant 0 : i32
      %dma_wait3A_155 = tpu.memref_slice %arg15[%scan3A_153, %dma_wait3A] : memref<64x128xi32, #tpu.memory_space<vmem>> -> memref<1x128xi32, #tpu.memory_space<vmem>>
      %dma_wait3A_156 = tpu.memref_squeeze %dma_wait3A_155 : memref<1x128xi32, #tpu.memory_space<vmem>> -> memref<128xi32, #tpu.memory_space<vmem>>
      %dma_wait3A_157 = arith.constant 0 : i32
      %dma_wait3A_158 = tpu.memref_slice %arg13[%scan3A_153, %dma_wait3A_157] : memref<64x128xi32, #tpu.memory_space<vmem>> -> memref<1x128xi32, #tpu.memory_space<vmem>>
      %dma_wait3A_159 = tpu.memref_squeeze %dma_wait3A_158 : memref<1x128xi32, #tpu.memory_space<vmem>> -> memref<128xi32, #tpu.memory_space<vmem>>
      %dma_wait3A_160 = arith.constant 0 : i32
      %dma_wait3A_161 = tpu.memref_slice %arg2[%dma_wait3A_160] : memref<67633152xi32, #tpu.memory_space<hbm>> -> memref<67633152xi32, #tpu.memory_space<hbm>>
      tpu.wait_indirect_dma semaphore(%arg20 : memref<!tpu.dma_semaphore, #tpu.memory_space<semaphore_mem>>) src(%dma_wait3A_161 : memref<67633152xi32, #tpu.memory_space<hbm>>) dst(%dma_wait3A_156 : memref<128xi32, #tpu.memory_space<vmem>>)
      %scan3A_162 = arith.constant 0 : i32
      scf.yield %scan3A_162 : i32
    }
    %scan3A_132 = arith.constant 64 : i32
    %scan3A_133 = arith.constant 0 : i32
    %scan3A_134 = arith.constant 0 : i32
    %scan3A_135 = arith.constant 512 : i32
    %scan3A_136 = arith.addi %scan3A_134, %scan3A_135 : i32
    %scan3A_137 = arith.constant 1 : i32
    %scan3A_138 = scf.for %scan3A_153 = %scan3A_134 to %scan3A_136 step %scan3A_137 iter_args(%scan3A_154 = %scan3A_133) -> (i32)  : i32 {
      %jit3A = arith.constant 8 : i32
      %div3A = arith.divsi %scan3A_153, %jit3A : i32
      %sign3A = arith.constant 0 : i32
      %sign3A_155 = arith.cmpi sgt, %scan3A_153, %sign3A : i32
      %sign3A_156 = arith.extui %sign3A_155 : i1 to i32
      %sign3A_157 = arith.constant 0 : i32
      %sign3A_158 = arith.cmpi slt, %scan3A_153, %sign3A_157 : i32
      %sign3A_159 = arith.extui %sign3A_158 : i1 to i32
      %sign3A_160 = arith.subi %sign3A_156, %sign3A_159 : i32
      %sign3A_161 = arith.constant 0 : i32
      %sign3A_162 = arith.cmpi sgt, %jit3A, %sign3A_161 : i32
      %sign3A_163 = arith.extui %sign3A_162 : i1 to i32
      %sign3A_164 = arith.constant 0 : i32
      %sign3A_165 = arith.cmpi slt, %jit3A, %sign3A_164 : i32
      %sign3A_166 = arith.extui %sign3A_165 : i1 to i32
      %sign3A_167 = arith.subi %sign3A_163, %sign3A_166 : i32
      %ne3A = arith.cmpi ne, %sign3A_160, %sign3A_167 : i32
      %rem3A = arith.remsi %scan3A_153, %jit3A : i32
      %ne3A_168 = arith.constant 0 : i32
      %ne3A_169 = arith.cmpi ne, %rem3A, %ne3A_168 : i32
      %and3A = arith.andi %ne3A, %ne3A_169 : i1
      %sub3A = arith.constant 1 : i32
      %sub3A_170 = arith.subi %div3A, %sub3A : i32
      %select_n3A = arith.select %and3A, %sub3A_170, %div3A : i32
      %jit3A_171 = arith.constant 8 : i32
      %eq3A = arith.constant 0 : i32
      %eq3A_172 = arith.cmpi eq, %jit3A_171, %eq3A : i32
      %jit3A_173 = arith.constant 1 : i32
      %select_n3A_174 = arith.select %eq3A_172, %jit3A_173, %jit3A_171 : i32
      %rem3A_175 = arith.remsi %scan3A_153, %select_n3A_174 : i32
      %ne3A_176 = arith.constant 0 : i32
      %ne3A_177 = arith.cmpi ne, %rem3A_175, %ne3A_176 : i32
      %lt3A = arith.constant 0 : i32
      %lt3A_178 = arith.cmpi slt, %rem3A_175, %lt3A : i32
      %lt3A_179 = arith.constant 0 : i32
      %lt3A_180 = arith.cmpi slt, %select_n3A_174, %lt3A_179 : i32
      %ne3A_181 = arith.xori %lt3A_178, %lt3A_180 : i1
      %and3A_182 = arith.andi %ne3A_181, %ne3A_177 : i1
      %add3A_183 = arith.addi %rem3A_175, %select_n3A_174 : i32
      %select_n3A_184 = arith.select %and3A_182, %add3A_183, %rem3A_175 : i32
      %mul3A_185 = arith.constant 16 : i32
      %mul3A_186 = arith.muli %select_n3A_184, %mul3A_185 : i32
      %get3A = arith.index_cast %select_n3A : i32 to index
      %get3A_187 = arith.index_cast %mul3A_186 : i32 to index
      %get3A_188 = tpu.vector_load %arg14[%get3A, %get3A_187] {strides = array<i32>} : memref<64x128xi32, #tpu.memory_space<vmem>>, vector<16xi32>,
      %jit3A_189 = arith.constant 8 : i32
      %div3A_190 = arith.divsi %scan3A_153, %jit3A_189 : i32
      %sign3A_191 = arith.constant 0 : i32
      %sign3A_192 = arith.cmpi sgt, %scan3A_153, %sign3A_191 : i32
      %sign3A_193 = arith.extui %sign3A_192 : i1 to i32
      %sign3A_194 = arith.constant 0 : i32
      %sign3A_195 = arith.cmpi slt, %scan3A_153, %sign3A_194 : i32
      %sign3A_196 = arith.extui %sign3A_195 : i1 to i32
      %sign3A_197 = arith.subi %sign3A_193, %sign3A_196 : i32
      %sign3A_198 = arith.constant 0 : i32
      %sign3A_199 = arith.cmpi sgt, %jit3A_189, %sign3A_198 : i32
      %sign3A_200 = arith.extui %sign3A_199 : i1 to i32
      %sign3A_201 = arith.constant 0 : i32
      %sign3A_202 = arith.cmpi slt, %jit3A_189, %sign3A_201 : i32
      %sign3A_203 = arith.extui %sign3A_202 : i1 to i32
      %sign3A_204 = arith.subi %sign3A_200, %sign3A_203 : i32
      %ne3A_205 = arith.cmpi ne, %sign3A_197, %sign3A_204 : i32
      %rem3A_206 = arith.remsi %scan3A_153, %jit3A_189 : i32
      %ne3A_207 = arith.constant 0 : i32
      %ne3A_208 = arith.cmpi ne, %rem3A_206, %ne3A_207 : i32
      %and3A_209 = arith.andi %ne3A_205, %ne3A_208 : i1
      %sub3A_210 = arith.constant 1 : i32
      %sub3A_211 = arith.subi %div3A_190, %sub3A_210 : i32
      %select_n3A_212 = arith.select %and3A_209, %sub3A_211, %div3A_190 : i32
      %jit3A_213 = arith.constant 8 : i32
      %eq3A_214 = arith.constant 0 : i32
      %eq3A_215 = arith.cmpi eq, %jit3A_213, %eq3A_214 : i32
      %jit3A_216 = arith.constant 1 : i32
      %select_n3A_217 = arith.select %eq3A_215, %jit3A_216, %jit3A_213 : i32
      %rem3A_218 = arith.remsi %scan3A_153, %select_n3A_217 : i32
      %ne3A_219 = arith.constant 0 : i32
      %ne3A_220 = arith.cmpi ne, %rem3A_218, %ne3A_219 : i32
      %lt3A_221 = arith.constant 0 : i32
      %lt3A_222 = arith.cmpi slt, %rem3A_218, %lt3A_221 : i32
      %lt3A_223 = arith.constant 0 : i32
      %lt3A_224 = arith.cmpi slt, %select_n3A_217, %lt3A_223 : i32
      %ne3A_225 = arith.xori %lt3A_222, %lt3A_224 : i1
      %and3A_226 = arith.andi %ne3A_225, %ne3A_220 : i1
      %add3A_227 = arith.addi %rem3A_218, %select_n3A_217 : i32
      %select_n3A_228 = arith.select %and3A_226, %add3A_227, %rem3A_218 : i32
      %mul3A_229 = arith.constant 16 : i32
      %mul3A_230 = arith.muli %select_n3A_228, %mul3A_229 : i32
      %get3A_231 = arith.index_cast %select_n3A_212 : i32 to index
      %get3A_232 = arith.index_cast %mul3A_230 : i32 to index
      %get3A_233 = tpu.vector_load %arg18[%get3A_231, %get3A_232] {strides = array<i32>} : memref<64x128xi32, #tpu.memory_space<vmem>>, vector<16xi32>,
      %shift_left3A = arith.shli %get3A_188, %get3A_233 : vector<16xi32>
      %and3A_234 = arith.constant -65536 : i32
      %and3A_235 = vector.broadcast %and3A_234 : i32 to vector<16xi32>
      %and3A_236 = arith.andi %shift_left3A, %and3A_235 : vector<16xi32>
      %bitcast3A = vector.bitcast %and3A_236 : vector<16xi32> to vector<16xf32>
      %jit3A_237 = arith.constant 8 : i32
      %div3A_238 = arith.divsi %scan3A_153, %jit3A_237 : i32
      %sign3A_239 = arith.constant 0 : i32
      %sign3A_240 = arith.cmpi sgt, %scan3A_153, %sign3A_239 : i32
      %sign3A_241 = arith.extui %sign3A_240 : i1 to i32
      %sign3A_242 = arith.constant 0 : i32
      %sign3A_243 = arith.cmpi slt, %scan3A_153, %sign3A_242 : i32
      %sign3A_244 = arith.extui %sign3A_243 : i1 to i32
      %sign3A_245 = arith.subi %sign3A_241, %sign3A_244 : i32
      %sign3A_246 = arith.constant 0 : i32
      %sign3A_247 = arith.cmpi sgt, %jit3A_237, %sign3A_246 : i32
      %sign3A_248 = arith.extui %sign3A_247 : i1 to i32
      %sign3A_249 = arith.constant 0 : i32
      %sign3A_250 = arith.cmpi slt, %jit3A_237, %sign3A_249 : i32
      %sign3A_251 = arith.extui %sign3A_250 : i1 to i32
      %sign3A_252 = arith.subi %sign3A_248, %sign3A_251 : i32
      %ne3A_253 = arith.cmpi ne, %sign3A_245, %sign3A_252 : i32
      %rem3A_254 = arith.remsi %scan3A_153, %jit3A_237 : i32
      %ne3A_255 = arith.constant 0 : i32
      %ne3A_256 = arith.cmpi ne, %rem3A_254, %ne3A_255 : i32
      %and3A_257 = arith.andi %ne3A_253, %ne3A_256 : i1
      %sub3A_258 = arith.constant 1 : i32
      %sub3A_259 = arith.subi %div3A_238, %sub3A_258 : i32
      %select_n3A_260 = arith.select %and3A_257, %sub3A_259, %div3A_238 : i32
      %jit3A_261 = arith.constant 8 : i32
      %eq3A_262 = arith.constant 0 : i32
      %eq3A_263 = arith.cmpi eq, %jit3A_261, %eq3A_262 : i32
      %jit3A_264 = arith.constant 1 : i32
      %select_n3A_265 = arith.select %eq3A_263, %jit3A_264, %jit3A_261 : i32
      %rem3A_266 = arith.remsi %scan3A_153, %select_n3A_265 : i32
      %ne3A_267 = arith.constant 0 : i32
      %ne3A_268 = arith.cmpi ne, %rem3A_266, %ne3A_267 : i32
      %lt3A_269 = arith.constant 0 : i32
      %lt3A_270 = arith.cmpi slt, %rem3A_266, %lt3A_269 : i32
      %lt3A_271 = arith.constant 0 : i32
      %lt3A_272 = arith.cmpi slt, %select_n3A_265, %lt3A_271 : i32
      %ne3A_273 = arith.xori %lt3A_270, %lt3A_272 : i1
      %and3A_274 = arith.andi %ne3A_273, %ne3A_268 : i1
      %add3A_275 = arith.addi %rem3A_266, %select_n3A_265 : i32
      %select_n3A_276 = arith.select %and3A_274, %add3A_275, %rem3A_266 : i32
      %mul3A_277 = arith.constant 16 : i32
      %mul3A_278 = arith.muli %select_n3A_276, %mul3A_277 : i32
      %get3A_279 = arith.index_cast %select_n3A_260 : i32 to index
      %get3A_280 = arith.index_cast %mul3A_278 : i32 to index
      %get3A_281 = tpu.vector_load %arg16[%get3A_279, %get3A_280] {strides = array<i32>} : memref<64x128xf32, #tpu.memory_space<vmem>>, vector<16xf32>,
      %mul3A_282 = arith.constant 2.000000e+00 : f32
      %mul3A_283 = vector.broadcast %mul3A_282 : f32 to vector<16xf32>
      %mul3A_284 = arith.mulf %mul3A_283, %bitcast3A : vector<16xf32>
      %sub3A_285 = arith.subf %get3A_281, %mul3A_284 : vector<16xf32>
      %jit3A_286 = arith.constant 8 : i32
      %div3A_287 = arith.divsi %scan3A_153, %jit3A_286 : i32
      %sign3A_288 = arith.constant 0 : i32
      %sign3A_289 = arith.cmpi sgt, %scan3A_153, %sign3A_288 : i32
      %sign3A_290 = arith.extui %sign3A_289 : i1 to i32
      %sign3A_291 = arith.constant 0 : i32
      %sign3A_292 = arith.cmpi slt, %scan3A_153, %sign3A_291 : i32
      %sign3A_293 = arith.extui %sign3A_292 : i1 to i32
      %sign3A_294 = arith.subi %sign3A_290, %sign3A_293 : i32
      %sign3A_295 = arith.constant 0 : i32
      %sign3A_296 = arith.cmpi sgt, %jit3A_286, %sign3A_295 : i32
      %sign3A_297 = arith.extui %sign3A_296 : i1 to i32
      %sign3A_298 = arith.constant 0 : i32
      %sign3A_299 = arith.cmpi slt, %jit3A_286, %sign3A_298 : i32
      %sign3A_300 = arith.extui %sign3A_299 : i1 to i32
      %sign3A_301 = arith.subi %sign3A_297, %sign3A_300 : i32
      %ne3A_302 = arith.cmpi ne, %sign3A_294, %sign3A_301 : i32
      %rem3A_303 = arith.remsi %scan3A_153, %jit3A_286 : i32
      %ne3A_304 = arith.constant 0 : i32
      %ne3A_305 = arith.cmpi ne, %rem3A_303, %ne3A_304 : i32
      %and3A_306 = arith.andi %ne3A_302, %ne3A_305 : i1
      %sub3A_307 = arith.constant 1 : i32
      %sub3A_308 = arith.subi %div3A_287, %sub3A_307 : i32
      %select_n3A_309 = arith.select %and3A_306, %sub3A_308, %div3A_287 : i32
      %jit3A_310 = arith.constant 8 : i32
      %eq3A_311 = arith.constant 0 : i32
      %eq3A_312 = arith.cmpi eq, %jit3A_310, %eq3A_311 : i32
      %jit3A_313 = arith.constant 1 : i32
      %select_n3A_314 = arith.select %eq3A_312, %jit3A_313, %jit3A_310 : i32
      %rem3A_315 = arith.remsi %scan3A_153, %select_n3A_314 : i32
      %ne3A_316 = arith.constant 0 : i32
      %ne3A_317 = arith.cmpi ne, %rem3A_315, %ne3A_316 : i32
      %lt3A_318 = arith.constant 0 : i32
      %lt3A_319 = arith.cmpi slt, %rem3A_315, %lt3A_318 : i32
      %lt3A_320 = arith.constant 0 : i32
      %lt3A_321 = arith.cmpi slt, %select_n3A_314, %lt3A_320 : i32
      %ne3A_322 = arith.xori %lt3A_319, %lt3A_321 : i1
      %and3A_323 = arith.andi %ne3A_322, %ne3A_317 : i1
      %add3A_324 = arith.addi %rem3A_315, %select_n3A_314 : i32
      %select_n3A_325 = arith.select %and3A_323, %add3A_324, %rem3A_315 : i32
      %mul3A_326 = arith.constant 16 : i32
      %mul3A_327 = arith.muli %select_n3A_325, %mul3A_326 : i32
      %swap3A = arith.index_cast %select_n3A_309 : i32 to index
      %swap3A_328 = arith.index_cast %mul3A_327 : i32 to index
      %swap3A_329 = tpu.vector_load %arg16[%swap3A, %swap3A_328] {strides = array<i32>} : memref<64x128xf32, #tpu.memory_space<vmem>>, vector<16xf32>,
      tpu.vector_store %arg16[%swap3A, %swap3A_328], %sub3A_285 {strides = array<i32>} : memref<64x128xf32, #tpu.memory_space<vmem>>, vector<16xf32>,
      %scan3A_330 = arith.constant 0 : i32
      scf.yield %scan3A_330 : i32
    }
    %scan3A_139 = arith.constant 512 : i32
    %scan3A_140 = arith.constant 0 : i32
    %scan3A_141 = arith.constant 0 : i32
    %scan3A_142 = arith.constant 512 : i32
    %scan3A_143 = arith.addi %scan3A_141, %scan3A_142 : i32
    %scan3A_144 = arith.constant 1 : i32
    %scan3A_145 = scf.for %scan3A_153 = %scan3A_141 to %scan3A_143 step %scan3A_144 iter_args(%scan3A_154 = %scan3A_140) -> (i32)  : i32 {
      %jit3A = arith.constant 8 : i32
      %div3A = arith.divsi %scan3A_153, %jit3A : i32
      %sign3A = arith.constant 0 : i32
      %sign3A_155 = arith.cmpi sgt, %scan3A_153, %sign3A : i32
      %sign3A_156 = arith.extui %sign3A_155 : i1 to i32
      %sign3A_157 = arith.constant 0 : i32
      %sign3A_158 = arith.cmpi slt, %scan3A_153, %sign3A_157 : i32
      %sign3A_159 = arith.extui %sign3A_158 : i1 to i32
      %sign3A_160 = arith.subi %sign3A_156, %sign3A_159 : i32
      %sign3A_161 = arith.constant 0 : i32
      %sign3A_162 = arith.cmpi sgt, %jit3A, %sign3A_161 : i32
      %sign3A_163 = arith.extui %sign3A_162 : i1 to i32
      %sign3A_164 = arith.constant 0 : i32
      %sign3A_165 = arith.cmpi slt, %jit3A, %sign3A_164 : i32
      %sign3A_166 = arith.extui %sign3A_165 : i1 to i32
      %sign3A_167 = arith.subi %sign3A_163, %sign3A_166 : i32
      %ne3A = arith.cmpi ne, %sign3A_160, %sign3A_167 : i32
      %rem3A = arith.remsi %scan3A_153, %jit3A : i32
      %ne3A_168 = arith.constant 0 : i32
      %ne3A_169 = arith.cmpi ne, %rem3A, %ne3A_168 : i32
      %and3A = arith.andi %ne3A, %ne3A_169 : i1
      %sub3A = arith.constant 1 : i32
      %sub3A_170 = arith.subi %div3A, %sub3A : i32
      %select_n3A = arith.select %and3A, %sub3A_170, %div3A : i32
      %jit3A_171 = arith.constant 8 : i32
      %eq3A = arith.constant 0 : i32
      %eq3A_172 = arith.cmpi eq, %jit3A_171, %eq3A : i32
      %jit3A_173 = arith.constant 1 : i32
      %select_n3A_174 = arith.select %eq3A_172, %jit3A_173, %jit3A_171 : i32
      %rem3A_175 = arith.remsi %scan3A_153, %select_n3A_174 : i32
      %ne3A_176 = arith.constant 0 : i32
      %ne3A_177 = arith.cmpi ne, %rem3A_175, %ne3A_176 : i32
      %lt3A = arith.constant 0 : i32
      %lt3A_178 = arith.cmpi slt, %rem3A_175, %lt3A : i32
      %lt3A_179 = arith.constant 0 : i32
      %lt3A_180 = arith.cmpi slt, %select_n3A_174, %lt3A_179 : i32
      %ne3A_181 = arith.xori %lt3A_178, %lt3A_180 : i1
      %and3A_182 = arith.andi %ne3A_181, %ne3A_177 : i1
      %add3A_183 = arith.addi %rem3A_175, %select_n3A_174 : i32
      %select_n3A_184 = arith.select %and3A_182, %add3A_183, %rem3A_175 : i32
      %mul3A_185 = arith.constant 16 : i32
      %mul3A_186 = arith.muli %select_n3A_184, %mul3A_185 : i32
      %get3A = arith.index_cast %select_n3A : i32 to index
      %get3A_187 = arith.index_cast %mul3A_186 : i32 to index
      %get3A_188 = tpu.vector_load %arg15[%get3A, %get3A_187] {strides = array<i32>} : memref<64x128xi32, #tpu.memory_space<vmem>>, vector<16xi32>,
      %jit3A_189 = arith.constant 8 : i32
      %div3A_190 = arith.divsi %scan3A_153, %jit3A_189 : i32
      %sign3A_191 = arith.constant 0 : i32
      %sign3A_192 = arith.cmpi sgt, %scan3A_153, %sign3A_191 : i32
      %sign3A_193 = arith.extui %sign3A_192 : i1 to i32
      %sign3A_194 = arith.constant 0 : i32
      %sign3A_195 = arith.cmpi slt, %scan3A_153, %sign3A_194 : i32
      %sign3A_196 = arith.extui %sign3A_195 : i1 to i32
      %sign3A_197 = arith.subi %sign3A_193, %sign3A_196 : i32
      %sign3A_198 = arith.constant 0 : i32
      %sign3A_199 = arith.cmpi sgt, %jit3A_189, %sign3A_198 : i32
      %sign3A_200 = arith.extui %sign3A_199 : i1 to i32
      %sign3A_201 = arith.constant 0 : i32
      %sign3A_202 = arith.cmpi slt, %jit3A_189, %sign3A_201 : i32
      %sign3A_203 = arith.extui %sign3A_202 : i1 to i32
      %sign3A_204 = arith.subi %sign3A_200, %sign3A_203 : i32
      %ne3A_205 = arith.cmpi ne, %sign3A_197, %sign3A_204 : i32
      %rem3A_206 = arith.remsi %scan3A_153, %jit3A_189 : i32
      %ne3A_207 = arith.constant 0 : i32
      %ne3A_208 = arith.cmpi ne, %rem3A_206, %ne3A_207 : i32
      %and3A_209 = arith.andi %ne3A_205, %ne3A_208 : i1
      %sub3A_210 = arith.constant 1 : i32
      %sub3A_211 = arith.subi %div3A_190, %sub3A_210 : i32
      %select_n3A_212 = arith.select %and3A_209, %sub3A_211, %div3A_190 : i32
      %jit3A_213 = arith.constant 8 : i32
      %eq3A_214 = arith.constant 0 : i32
      %eq3A_215 = arith.cmpi eq, %jit3A_213, %eq3A_214 : i32
      %jit3A_216 = arith.constant 1 : i32
      %select_n3A_217 = arith.select %eq3A_215, %jit3A_216, %jit3A_213 : i32
      %rem3A_218 = arith.remsi %scan3A_153, %select_n3A_217 : i32
      %ne3A_219 = arith.constant 0 : i32
      %ne3A_220 = arith.cmpi ne, %rem3A_218, %ne3A_219 : i32
      %lt3A_221 = arith.constant 0 : i32
      %lt3A_222 = arith.cmpi slt, %rem3A_218, %lt3A_221 : i32
      %lt3A_223 = arith.constant 0 : i32
      %lt3A_224 = arith.cmpi slt, %select_n3A_217, %lt3A_223 : i32
      %ne3A_225 = arith.xori %lt3A_222, %lt3A_224 : i1
      %and3A_226 = arith.andi %ne3A_225, %ne3A_220 : i1
      %add3A_227 = arith.addi %rem3A_218, %select_n3A_217 : i32
      %select_n3A_228 = arith.select %and3A_226, %add3A_227, %rem3A_218 : i32
      %mul3A_229 = arith.constant 16 : i32
      %mul3A_230 = arith.muli %select_n3A_228, %mul3A_229 : i32
      %get3A_231 = arith.index_cast %select_n3A_212 : i32 to index
      %get3A_232 = arith.index_cast %mul3A_230 : i32 to index
      %get3A_233 = tpu.vector_load %arg19[%get3A_231, %get3A_232] {strides = array<i32>} : memref<64x128xi32, #tpu.memory_space<vmem>>, vector<16xi32>,
      %shift_left3A = arith.shli %get3A_188, %get3A_233 : vector<16xi32>
      %and3A_234 = arith.constant -65536 : i32
      %and3A_235 = vector.broadcast %and3A_234 : i32 to vector<16xi32>
      %and3A_236 = arith.andi %shift_left3A, %and3A_235 : vector<16xi32>
      %bitcast3A = vector.bitcast %and3A_236 : vector<16xi32> to vector<16xf32>
      %jit3A_237 = arith.constant 8 : i32
      %div3A_238 = arith.divsi %scan3A_153, %jit3A_237 : i32
      %sign3A_239 = arith.constant 0 : i32
      %sign3A_240 = arith.cmpi sgt, %scan3A_153, %sign3A_239 : i32
      %sign3A_241 = arith.extui %sign3A_240 : i1 to i32
      %sign3A_242 = arith.constant 0 : i32
      %sign3A_243 = arith.cmpi slt, %scan3A_153, %sign3A_242 : i32
      %sign3A_244 = arith.extui %sign3A_243 : i1 to i32
      %sign3A_245 = arith.subi %sign3A_241, %sign3A_244 : i32
      %sign3A_246 = arith.constant 0 : i32
      %sign3A_247 = arith.cmpi sgt, %jit3A_237, %sign3A_246 : i32
      %sign3A_248 = arith.extui %sign3A_247 : i1 to i32
      %sign3A_249 = arith.constant 0 : i32
      %sign3A_250 = arith.cmpi slt, %jit3A_237, %sign3A_249 : i32
      %sign3A_251 = arith.extui %sign3A_250 : i1 to i32
      %sign3A_252 = arith.subi %sign3A_248, %sign3A_251 : i32
      %ne3A_253 = arith.cmpi ne, %sign3A_245, %sign3A_252 : i32
      %rem3A_254 = arith.remsi %scan3A_153, %jit3A_237 : i32
      %ne3A_255 = arith.constant 0 : i32
      %ne3A_256 = arith.cmpi ne, %rem3A_254, %ne3A_255 : i32
      %and3A_257 = arith.andi %ne3A_253, %ne3A_256 : i1
      %sub3A_258 = arith.constant 1 : i32
      %sub3A_259 = arith.subi %div3A_238, %sub3A_258 : i32
      %select_n3A_260 = arith.select %and3A_257, %sub3A_259, %div3A_238 : i32
      %jit3A_261 = arith.constant 8 : i32
      %eq3A_262 = arith.constant 0 : i32
      %eq3A_263 = arith.cmpi eq, %jit3A_261, %eq3A_262 : i32
      %jit3A_264 = arith.constant 1 : i32
      %select_n3A_265 = arith.select %eq3A_263, %jit3A_264, %jit3A_261 : i32
      %rem3A_266 = arith.remsi %scan3A_153, %select_n3A_265 : i32
      %ne3A_267 = arith.constant 0 : i32
      %ne3A_268 = arith.cmpi ne, %rem3A_266, %ne3A_267 : i32
      %lt3A_269 = arith.constant 0 : i32
      %lt3A_270 = arith.cmpi slt, %rem3A_266, %lt3A_269 : i32
      %lt3A_271 = arith.constant 0 : i32
      %lt3A_272 = arith.cmpi slt, %select_n3A_265, %lt3A_271 : i32
      %ne3A_273 = arith.xori %lt3A_270, %lt3A_272 : i1
      %and3A_274 = arith.andi %ne3A_273, %ne3A_268 : i1
      %add3A_275 = arith.addi %rem3A_266, %select_n3A_265 : i32
      %select_n3A_276 = arith.select %and3A_274, %add3A_275, %rem3A_266 : i32
      %mul3A_277 = arith.constant 16 : i32
      %mul3A_278 = arith.muli %select_n3A_276, %mul3A_277 : i32
      %get3A_279 = arith.index_cast %select_n3A_260 : i32 to index
      %get3A_280 = arith.index_cast %mul3A_278 : i32 to index
      %get3A_281 = tpu.vector_load %arg17[%get3A_279, %get3A_280] {strides = array<i32>} : memref<64x128xf32, #tpu.memory_space<vmem>>, vector<16xf32>,
      %mul3A_282 = arith.constant 2.000000e+00 : f32
      %mul3A_283 = vector.broadcast %mul3A_282 : f32 to vector<16xf32>
      %mul3A_284 = arith.mulf %mul3A_283, %bitcast3A : vector<16xf32>
      %sub3A_285 = arith.subf %get3A_281, %mul3A_284 : vector<16xf32>
      %jit3A_286 = arith.constant 8 : i32
      %div3A_287 = arith.divsi %scan3A_153, %jit3A_286 : i32
      %sign3A_288 = arith.constant 0 : i32
      %sign3A_289 = arith.cmpi sgt, %scan3A_153, %sign3A_288 : i32
      %sign3A_290 = arith.extui %sign3A_289 : i1 to i32
      %sign3A_291 = arith.constant 0 : i32
      %sign3A_292 = arith.cmpi slt, %scan3A_153, %sign3A_291 : i32
      %sign3A_293 = arith.extui %sign3A_292 : i1 to i32
      %sign3A_294 = arith.subi %sign3A_290, %sign3A_293 : i32
      %sign3A_295 = arith.constant 0 : i32
      %sign3A_296 = arith.cmpi sgt, %jit3A_286, %sign3A_295 : i32
      %sign3A_297 = arith.extui %sign3A_296 : i1 to i32
      %sign3A_298 = arith.constant 0 : i32
      %sign3A_299 = arith.cmpi slt, %jit3A_286, %sign3A_298 : i32
      %sign3A_300 = arith.extui %sign3A_299 : i1 to i32
      %sign3A_301 = arith.subi %sign3A_297, %sign3A_300 : i32
      %ne3A_302 = arith.cmpi ne, %sign3A_294, %sign3A_301 : i32
      %rem3A_303 = arith.remsi %scan3A_153, %jit3A_286 : i32
      %ne3A_304 = arith.constant 0 : i32
      %ne3A_305 = arith.cmpi ne, %rem3A_303, %ne3A_304 : i32
      %and3A_306 = arith.andi %ne3A_302, %ne3A_305 : i1
      %sub3A_307 = arith.constant 1 : i32
      %sub3A_308 = arith.subi %div3A_287, %sub3A_307 : i32
      %select_n3A_309 = arith.select %and3A_306, %sub3A_308, %div3A_287 : i32
      %jit3A_310 = arith.constant 8 : i32
      %eq3A_311 = arith.constant 0 : i32
      %eq3A_312 = arith.cmpi eq, %jit3A_310, %eq3A_311 : i32
      %jit3A_313 = arith.constant 1 : i32
      %select_n3A_314 = arith.select %eq3A_312, %jit3A_313, %jit3A_310 : i32
      %rem3A_315 = arith.remsi %scan3A_153, %select_n3A_314 : i32
      %ne3A_316 = arith.constant 0 : i32
      %ne3A_317 = arith.cmpi ne, %rem3A_315, %ne3A_316 : i32
      %lt3A_318 = arith.constant 0 : i32
      %lt3A_319 = arith.cmpi slt, %rem3A_315, %lt3A_318 : i32
      %lt3A_320 = arith.constant 0 : i32
      %lt3A_321 = arith.cmpi slt, %select_n3A_314, %lt3A_320 : i32
      %ne3A_322 = arith.xori %lt3A_319, %lt3A_321 : i1
      %and3A_323 = arith.andi %ne3A_322, %ne3A_317 : i1
      %add3A_324 = arith.addi %rem3A_315, %select_n3A_314 : i32
      %select_n3A_325 = arith.select %and3A_323, %add3A_324, %rem3A_315 : i32
      %mul3A_326 = arith.constant 16 : i32
      %mul3A_327 = arith.muli %select_n3A_325, %mul3A_326 : i32
      %swap3A = arith.index_cast %select_n3A_309 : i32 to index
      %swap3A_328 = arith.index_cast %mul3A_327 : i32 to index
      %swap3A_329 = tpu.vector_load %arg17[%swap3A, %swap3A_328] {strides = array<i32>} : memref<64x128xf32, #tpu.memory_space<vmem>>, vector<16xf32>,
      tpu.vector_store %arg17[%swap3A, %swap3A_328], %sub3A_285 {strides = array<i32>} : memref<64x128xf32, #tpu.memory_space<vmem>>, vector<16xf32>,
      %scan3A_330 = arith.constant 0 : i32
      scf.yield %scan3A_330 : i32
    }
    %scan3A_146 = arith.constant 512 : i32
    %add3A_147 = arith.constant 8192 : i32
    %add3A_148 = arith.addi %add3A_147, %mul3A_4 : i32
    %multiple_of3A_149 = tpu.assume_multiple %add3A_148, 8 : i32
    "tpu.region"() ({
      %run_scoped3A = tpu.sem_alloc : memref<!tpu.dma_semaphore, #tpu.memory_space<semaphore_mem>>
      %dma_start3A = arith.constant 0 : i32
      %dma_start3A_153 = tpu.memref_slice %arg9[%multiple_of3A_149, %dma_start3A] : memref<12288x128xf32, #tpu.memory_space<hbm>> -> memref<64x128xf32, #tpu.memory_space<hbm>>
      %dma_start3A_154 = arith.constant 0 : i32
      %dma_start3A_155 = tpu.memref_slice %arg9[%multiple_of3A_149, %dma_start3A_154] : memref<12288x128xf32, #tpu.memory_space<hbm>> -> memref<64x128xf32, #tpu.memory_space<hbm>>
      tpu.enqueue_dma source(%arg16 : memref<64x128xf32, #tpu.memory_space<vmem>>) target(%dma_start3A_155 : memref<64x128xf32, #tpu.memory_space<hbm>>) target_semaphore(%run_scoped3A : memref<!tpu.dma_semaphore, #tpu.memory_space<semaphore_mem>>)
      %dma_wait3A = arith.constant 0 : i32
      %dma_wait3A_156 = tpu.memref_slice %arg9[%multiple_of3A_149, %dma_wait3A] : memref<12288x128xf32, #tpu.memory_space<hbm>> -> memref<64x128xf32, #tpu.memory_space<hbm>>
      %dma_wait3A_157 = arith.constant 0 : i32
      %dma_wait3A_158 = tpu.memref_slice %arg9[%multiple_of3A_149, %dma_wait3A_157] : memref<12288x128xf32, #tpu.memory_space<hbm>> -> memref<64x128xf32, #tpu.memory_space<hbm>>
      tpu.wait_dma2 semaphore(%run_scoped3A : memref<!tpu.dma_semaphore, #tpu.memory_space<semaphore_mem>>) src(%arg16 : memref<64x128xf32, #tpu.memory_space<vmem>>) dst(%dma_wait3A_158 : memref<64x128xf32, #tpu.memory_space<hbm>>)
      tpu.yield
    }) : () -> ()
    %add3A_150 = arith.constant 10240 : i32
    %add3A_151 = arith.addi %add3A_150, %mul3A_4 : i32
    %multiple_of3A_152 = tpu.assume_multiple %add3A_151, 8 : i32
    "tpu.region"() ({
      %run_scoped3A = tpu.sem_alloc : memref<!tpu.dma_semaphore, #tpu.memory_space<semaphore_mem>>
      %dma_start3A = arith.constant 0 : i32
      %dma_start3A_153 = tpu.memref_slice %arg9[%multiple_of3A_152, %dma_start3A] : memref<12288x128xf32, #tpu.memory_space<hbm>> -> memref<64x128xf32, #tpu.memory_space<hbm>>
      %dma_start3A_154 = arith.constant 0 : i32
      %dma_start3A_155 = tpu.memref_slice %arg9[%multiple_of3A_152, %dma_start3A_154] : memref<12288x128xf32, #tpu.memory_space<hbm>> -> memref<64x128xf32, #tpu.memory_space<hbm>>
      tpu.enqueue_dma source(%arg17 : memref<64x128xf32, #tpu.memory_space<vmem>>) target(%dma_start3A_155 : memref<64x128xf32, #tpu.memory_space<hbm>>) target_semaphore(%run_scoped3A : memref<!tpu.dma_semaphore, #tpu.memory_space<semaphore_mem>>)
      %dma_wait3A = arith.constant 0 : i32
      %dma_wait3A_156 = tpu.memref_slice %arg9[%multiple_of3A_152, %dma_wait3A] : memref<12288x128xf32, #tpu.memory_space<hbm>> -> memref<64x128xf32, #tpu.memory_space<hbm>>
      %dma_wait3A_157 = arith.constant 0 : i32
      %dma_wait3A_158 = tpu.memref_slice %arg9[%multiple_of3A_152, %dma_wait3A_157] : memref<12288x128xf32, #tpu.memory_space<hbm>> -> memref<64x128xf32, #tpu.memory_space<hbm>>
      tpu.wait_dma2 semaphore(%run_scoped3A : memref<!tpu.dma_semaphore, #tpu.memory_space<semaphore_mem>>) src(%arg17 : memref<64x128xf32, #tpu.memory_space<vmem>>) dst(%dma_wait3A_158 : memref<64x128xf32, #tpu.memory_space<hbm>>)
      tpu.yield
    }) : () -> ()
    return
  }
}

module attributes {stable_mosaic.version = 14 : i64} {
  func.func @_norms_body(%arg0: memref<16384x128xf32, #tpu.memory_space<vmem>>, %arg1: memref<16384x1xf32, #tpu.memory_space<vmem>>) attributes {dimension_semantics = [], scalar_prefetch = 0 : i64, scratch_operands = 0 : i64, tpu.core_type = #tpu.core_type<tc>} {
    %get3A = arith.constant 0 : index
    %get3A_0 = arith.constant 0 : index
    %get3A_1 = vector.load %arg0[%get3A, %get3A_0] : memref<16384x128xf32, #tpu.memory_space<vmem>>, vector<16384x128xf32>
    %mul3A = arith.mulf %get3A_1, %get3A_1 : vector<16384x128xf32>
    %reduce_sum3A = arith.constant dense<0.000000e+00> : vector<16384xf32>
    %reduce_sum3A_2 = vector.multi_reduction <add>, %mul3A, %reduce_sum3A [1] : vector<16384x128xf32> to vector<16384xf32>
    %broadcast_in_dim3A = vector.shape_cast %reduce_sum3A_2 : vector<16384xf32> to vector<16384x1xf32>
    %swap3A = arith.constant 0 : index
    %swap3A_3 = arith.constant 0 : index
    %swap3A_4 = vector.load %arg1[%swap3A, %swap3A_3] : memref<16384x1xf32, #tpu.memory_space<vmem>>, vector<16384x1xf32>
    tpu.vector_store %arg1[%swap3A, %swap3A_3], %broadcast_in_dim3A {strides = array<i32>} : memref<16384x1xf32, #tpu.memory_space<vmem>>, vector<16384x1xf32>,
    return
  }
}

module attributes {stable_mosaic.version = 14 : i64} {
  func.func @_gram_body(%arg0: i32, %arg1: memref<128x128xf32, #tpu.memory_space<vmem>>, %arg2: memref<128x128xf32, #tpu.memory_space<vmem>>, %arg3: memref<16384x128xf32, #tpu.memory_space<vmem>>, %arg4: memref<8256x128xi32, #tpu.memory_space<vmem>>, %arg5: memref<128x16384xf32, #tpu.memory_space<vmem>>, %arg6: memref<128x16384xf32, #tpu.memory_space<vmem>>) attributes {dimension_semantics = [#tpu.dimension_semantics<arbitrary>], iteration_bounds = array<i64: 64>, scalar_prefetch = 0 : i64, scratch_operands = 2 : i64, tpu.core_type = #tpu.core_type<tc>, window_params = [{transform_indices = @transform_0, window_bounds = array<i64: 128, 128>}, {transform_indices = @transform_1, window_bounds = array<i64: 128, 128>}, {pipeline_mode = #tpu.pipeline_mode<synchronous>, transform_indices = @transform_2, window_bounds = array<i64: 16384, 128>}, {transform_indices = @transform_3, window_bounds = array<i64: 8256, 128>}]} {
    %get3A = arith.constant 0 : index
    %get3A_0 = arith.constant 0 : index
    %get3A_1 = vector.load %arg1[%get3A, %get3A_0] : memref<128x128xf32, #tpu.memory_space<vmem>>, vector<128x128xf32>
    %get3A_2 = arith.constant 0 : index
    %get3A_3 = arith.constant 0 : index
    %get3A_4 = vector.load %arg3[%get3A_2, %get3A_3] : memref<16384x128xf32, #tpu.memory_space<vmem>>, vector<16384x128xf32>
    %dot_general3A = arith.constant dense<0.000000e+00> : vector<128x16384xf32>
    %dot_general3A_5 = tpu.matmul %get3A_1, %get3A_4, %dot_general3A {dimension_numbers = #tpu.dot_dimension_numbers<[1], [1], [0], [0], [0, 0, 1, 0], [], []>, transpose_lhs_hint = false} : vector<128x128xf32>, vector<16384x128xf32>, vector<128x16384xf32> -> vector<128x16384xf32>
    %swap3A = arith.constant 0 : index
    %swap3A_6 = arith.constant 0 : index
    %swap3A_7 = vector.load %arg5[%swap3A, %swap3A_6] : memref<128x16384xf32, #tpu.memory_space<vmem>>, vector<128x16384xf32>
    tpu.vector_store %arg5[%swap3A, %swap3A_6], %dot_general3A_5 {strides = array<i32>} : memref<128x16384xf32, #tpu.memory_space<vmem>>, vector<128x16384xf32>,
    %get3A_8 = arith.constant 0 : index
    %get3A_9 = arith.constant 0 : index
    %get3A_10 = vector.load %arg2[%get3A_8, %get3A_9] : memref<128x128xf32, #tpu.memory_space<vmem>>, vector<128x128xf32>
    %get3A_11 = arith.constant 0 : index
    %get3A_12 = arith.constant 0 : index
    %get3A_13 = vector.load %arg3[%get3A_11, %get3A_12] : memref<16384x128xf32, #tpu.memory_space<vmem>>, vector<16384x128xf32>
    %dot_general3A_14 = arith.constant dense<0.000000e+00> : vector<128x16384xf32>
    %dot_general3A_15 = tpu.matmul %get3A_10, %get3A_13, %dot_general3A_14 {dimension_numbers = #tpu.dot_dimension_numbers<[1], [1], [0], [0], [0, 0, 1, 0], [], []>, transpose_lhs_hint = false} : vector<128x128xf32>, vector<16384x128xf32>, vector<128x16384xf32> -> vector<128x16384xf32>
    %swap3A_16 = arith.constant 0 : index
    %swap3A_17 = arith.constant 0 : index
    %swap3A_18 = vector.load %arg6[%swap3A_16, %swap3A_17] : memref<128x16384xf32, #tpu.memory_space<vmem>>, vector<128x16384xf32>
    tpu.vector_store %arg6[%swap3A_16, %swap3A_17], %dot_general3A_15 {strides = array<i32>} : memref<128x16384xf32, #tpu.memory_space<vmem>>, vector<128x16384xf32>,
    %while3A = arith.constant 128 : i32
    %while3A_19 = arith.constant 0 : i32
    %while3A_20 = arith.subi %while3A, %arg0 : i32
    %while3A_21 = arith.addi %arg0, %while3A_20 : i32
    %while3A_22 = arith.constant 1 : i32
    %while3A_23 = arith.divsi %while3A_20, %while3A_22 : i32
    %while3A_24 = arith.muli %while3A_23, %while3A_22 : i32
    %while3A_25 = arith.addi %arg0, %while3A_24 : i32
    %while3A_26 = arith.constant 1 : i32
    %while3A_27 = scf.for %while3A_43 = %arg0 to %while3A_25 step %while3A_26 iter_args(%while3A_44 = %while3A_19) -> (i32)  : i32 {
      %mul3A = arith.constant 128 : i32
      %mul3A_45 = arith.muli %while3A_43, %mul3A : i32
      %get3A_46 = arith.constant 0 : index
      %get3A_47 = arith.index_cast %mul3A_45 : i32 to index
      %get3A_48 = vector.load %arg5[%get3A_46, %get3A_47] : memref<128x16384xf32, #tpu.memory_space<vmem>>, vector<128x128xf32>
      %bitcast_convert_type3A = tpu.bitcast %get3A_48 : vector<128x128xf32> -> vector<128x128xi32>
      %add3A = arith.constant 32768 : i32
      %add3A_49 = vector.broadcast %add3A : i32 to vector<128x128xi32>
      %add3A_50 = arith.addi %bitcast_convert_type3A, %add3A_49 : vector<128x128xi32>
      %slice3A = vector.extract_strided_slice %add3A_50 {offsets = [0, 0], sizes = [64, 128], strides = [1, 1]} : vector<128x128xi32> to vector<64x128xi32>
      %shift_right_arithmetic3A = arith.constant 16 : i32
      %shift_right_arithmetic3A_51 = vector.broadcast %shift_right_arithmetic3A : i32 to vector<64x128xi32>
      %shift_right_arithmetic3A_52 = arith.shrsi %slice3A, %shift_right_arithmetic3A_51 : vector<64x128xi32>
      %and3A = arith.constant 65535 : i32
      %and3A_53 = vector.broadcast %and3A : i32 to vector<64x128xi32>
      %and3A_54 = arith.andi %shift_right_arithmetic3A_52, %and3A_53 : vector<64x128xi32>
      %slice3A_55 = vector.extract_strided_slice %add3A_50 {offsets = [64, 0], sizes = [64, 128], strides = [1, 1]} : vector<128x128xi32> to vector<64x128xi32>
      %and3A_56 = arith.constant -65536 : i32
      %and3A_57 = vector.broadcast %and3A_56 : i32 to vector<64x128xi32>
      %and3A_58 = arith.andi %slice3A_55, %and3A_57 : vector<64x128xi32>
      %or3A = arith.ori %and3A_58, %and3A_54 : vector<64x128xi32>
      %sub3A_59 = arith.subi %while3A_43, %arg0 : i32
      %mul3A_60 = arith.constant 64 : i32
      %mul3A_61 = arith.muli %sub3A_59, %mul3A_60 : i32
      %swap3A_62 = arith.index_cast %mul3A_61 : i32 to index
      %swap3A_63 = arith.constant 0 : index
      %swap3A_64 = vector.load %arg4[%swap3A_62, %swap3A_63] : memref<8256x128xi32, #tpu.memory_space<vmem>>, vector<64x128xi32>
      tpu.vector_store %arg4[%swap3A_62, %swap3A_63], %or3A {strides = array<i32>} : memref<8256x128xi32, #tpu.memory_space<vmem>>, vector<64x128xi32>,
      %while3A_65 = arith.constant 0 : i32
      scf.yield %while3A_65 : i32
    }
    %while3A_28 = arith.constant 1 : i32
    %while3A_29 = scf.for %while3A_43 = %while3A_25 to %while3A_21 step %while3A_28 iter_args(%while3A_44 = %while3A_27) -> (i32)  : i32 {
      %mul3A = arith.constant 128 : i32
      %mul3A_45 = arith.muli %while3A_43, %mul3A : i32
      %get3A_46 = arith.constant 0 : index
      %get3A_47 = arith.index_cast %mul3A_45 : i32 to index
      %get3A_48 = vector.load %arg5[%get3A_46, %get3A_47] : memref<128x16384xf32, #tpu.memory_space<vmem>>, vector<128x128xf32>
      %bitcast_convert_type3A = tpu.bitcast %get3A_48 : vector<128x128xf32> -> vector<128x128xi32>
      %add3A = arith.constant 32768 : i32
      %add3A_49 = vector.broadcast %add3A : i32 to vector<128x128xi32>
      %add3A_50 = arith.addi %bitcast_convert_type3A, %add3A_49 : vector<128x128xi32>
      %slice3A = vector.extract_strided_slice %add3A_50 {offsets = [0, 0], sizes = [64, 128], strides = [1, 1]} : vector<128x128xi32> to vector<64x128xi32>
      %shift_right_arithmetic3A = arith.constant 16 : i32
      %shift_right_arithmetic3A_51 = vector.broadcast %shift_right_arithmetic3A : i32 to vector<64x128xi32>
      %shift_right_arithmetic3A_52 = arith.shrsi %slice3A, %shift_right_arithmetic3A_51 : vector<64x128xi32>
      %and3A = arith.constant 65535 : i32
      %and3A_53 = vector.broadcast %and3A : i32 to vector<64x128xi32>
      %and3A_54 = arith.andi %shift_right_arithmetic3A_52, %and3A_53 : vector<64x128xi32>
      %slice3A_55 = vector.extract_strided_slice %add3A_50 {offsets = [64, 0], sizes = [64, 128], strides = [1, 1]} : vector<128x128xi32> to vector<64x128xi32>
      %and3A_56 = arith.constant -65536 : i32
      %and3A_57 = vector.broadcast %and3A_56 : i32 to vector<64x128xi32>
      %and3A_58 = arith.andi %slice3A_55, %and3A_57 : vector<64x128xi32>
      %or3A = arith.ori %and3A_58, %and3A_54 : vector<64x128xi32>
      %sub3A_59 = arith.subi %while3A_43, %arg0 : i32
      %mul3A_60 = arith.constant 64 : i32
      %mul3A_61 = arith.muli %sub3A_59, %mul3A_60 : i32
      %swap3A_62 = arith.index_cast %mul3A_61 : i32 to index
      %swap3A_63 = arith.constant 0 : index
      %swap3A_64 = vector.load %arg4[%swap3A_62, %swap3A_63] : memref<8256x128xi32, #tpu.memory_space<vmem>>, vector<64x128xi32>
      tpu.vector_store %arg4[%swap3A_62, %swap3A_63], %or3A {strides = array<i32>} : memref<8256x128xi32, #tpu.memory_space<vmem>>, vector<64x128xi32>,
      %while3A_65 = arith.constant 0 : i32
      scf.yield %while3A_65 : i32
    }
    %sub3A = arith.constant 127 : i32
    %sub3A_30 = arith.subi %sub3A, %arg0 : i32
    %while3A_31 = arith.constant 128 : i32
    %while3A_32 = arith.constant 0 : i32
    %while3A_33 = arith.subi %while3A_31, %sub3A_30 : i32
    %while3A_34 = arith.addi %sub3A_30, %while3A_33 : i32
    %while3A_35 = arith.constant 1 : i32
    %while3A_36 = arith.divsi %while3A_33, %while3A_35 : i32
    %while3A_37 = arith.muli %while3A_36, %while3A_35 : i32
    %while3A_38 = arith.addi %sub3A_30, %while3A_37 : i32
    %while3A_39 = arith.constant 1 : i32
    %while3A_40 = scf.for %while3A_43 = %sub3A_30 to %while3A_38 step %while3A_39 iter_args(%while3A_44 = %while3A_32) -> (i32)  : i32 {
      %mul3A = arith.constant 128 : i32
      %mul3A_45 = arith.muli %while3A_43, %mul3A : i32
      %get3A_46 = arith.constant 0 : index
      %get3A_47 = arith.index_cast %mul3A_45 : i32 to index
      %get3A_48 = vector.load %arg6[%get3A_46, %get3A_47] : memref<128x16384xf32, #tpu.memory_space<vmem>>, vector<128x128xf32>
      %bitcast_convert_type3A = tpu.bitcast %get3A_48 : vector<128x128xf32> -> vector<128x128xi32>
      %add3A = arith.constant 32768 : i32
      %add3A_49 = vector.broadcast %add3A : i32 to vector<128x128xi32>
      %add3A_50 = arith.addi %bitcast_convert_type3A, %add3A_49 : vector<128x128xi32>
      %slice3A = vector.extract_strided_slice %add3A_50 {offsets = [0, 0], sizes = [64, 128], strides = [1, 1]} : vector<128x128xi32> to vector<64x128xi32>
      %shift_right_arithmetic3A = arith.constant 16 : i32
      %shift_right_arithmetic3A_51 = vector.broadcast %shift_right_arithmetic3A : i32 to vector<64x128xi32>
      %shift_right_arithmetic3A_52 = arith.shrsi %slice3A, %shift_right_arithmetic3A_51 : vector<64x128xi32>
      %and3A = arith.constant 65535 : i32
      %and3A_53 = vector.broadcast %and3A : i32 to vector<64x128xi32>
      %and3A_54 = arith.andi %shift_right_arithmetic3A_52, %and3A_53 : vector<64x128xi32>
      %slice3A_55 = vector.extract_strided_slice %add3A_50 {offsets = [64, 0], sizes = [64, 128], strides = [1, 1]} : vector<128x128xi32> to vector<64x128xi32>
      %and3A_56 = arith.constant -65536 : i32
      %and3A_57 = vector.broadcast %and3A_56 : i32 to vector<64x128xi32>
      %and3A_58 = arith.andi %slice3A_55, %and3A_57 : vector<64x128xi32>
      %or3A = arith.ori %and3A_58, %and3A_54 : vector<64x128xi32>
      %add3A_59 = arith.constant 1 : i32
      %add3A_60 = arith.addi %while3A_43, %add3A_59 : i32
      %mul3A_61 = arith.constant 64 : i32
      %mul3A_62 = arith.muli %add3A_60, %mul3A_61 : i32
      %swap3A_63 = arith.index_cast %mul3A_62 : i32 to index
      %swap3A_64 = arith.constant 0 : index
      %swap3A_65 = vector.load %arg4[%swap3A_63, %swap3A_64] : memref<8256x128xi32, #tpu.memory_space<vmem>>, vector<64x128xi32>
      tpu.vector_store %arg4[%swap3A_63, %swap3A_64], %or3A {strides = array<i32>} : memref<8256x128xi32, #tpu.memory_space<vmem>>, vector<64x128xi32>,
      %while3A_66 = arith.constant 0 : i32
      scf.yield %while3A_66 : i32
    }
    %while3A_41 = arith.constant 1 : i32
    %while3A_42 = scf.for %while3A_43 = %while3A_38 to %while3A_34 step %while3A_41 iter_args(%while3A_44 = %while3A_40) -> (i32)  : i32 {
      %mul3A = arith.constant 128 : i32
      %mul3A_45 = arith.muli %while3A_43, %mul3A : i32
      %get3A_46 = arith.constant 0 : index
      %get3A_47 = arith.index_cast %mul3A_45 : i32 to index
      %get3A_48 = vector.load %arg6[%get3A_46, %get3A_47] : memref<128x16384xf32, #tpu.memory_space<vmem>>, vector<128x128xf32>
      %bitcast_convert_type3A = tpu.bitcast %get3A_48 : vector<128x128xf32> -> vector<128x128xi32>
      %add3A = arith.constant 32768 : i32
      %add3A_49 = vector.broadcast %add3A : i32 to vector<128x128xi32>
      %add3A_50 = arith.addi %bitcast_convert_type3A, %add3A_49 : vector<128x128xi32>
      %slice3A = vector.extract_strided_slice %add3A_50 {offsets = [0, 0], sizes = [64, 128], strides = [1, 1]} : vector<128x128xi32> to vector<64x128xi32>
      %shift_right_arithmetic3A = arith.constant 16 : i32
      %shift_right_arithmetic3A_51 = vector.broadcast %shift_right_arithmetic3A : i32 to vector<64x128xi32>
      %shift_right_arithmetic3A_52 = arith.shrsi %slice3A, %shift_right_arithmetic3A_51 : vector<64x128xi32>
      %and3A = arith.constant 65535 : i32
      %and3A_53 = vector.broadcast %and3A : i32 to vector<64x128xi32>
      %and3A_54 = arith.andi %shift_right_arithmetic3A_52, %and3A_53 : vector<64x128xi32>
      %slice3A_55 = vector.extract_strided_slice %add3A_50 {offsets = [64, 0], sizes = [64, 128], strides = [1, 1]} : vector<128x128xi32> to vector<64x128xi32>
      %and3A_56 = arith.constant -65536 : i32
      %and3A_57 = vector.broadcast %and3A_56 : i32 to vector<64x128xi32>
      %and3A_58 = arith.andi %slice3A_55, %and3A_57 : vector<64x128xi32>
      %or3A = arith.ori %and3A_58, %and3A_54 : vector<64x128xi32>
      %add3A_59 = arith.constant 1 : i32
      %add3A_60 = arith.addi %while3A_43, %add3A_59 : i32
      %mul3A_61 = arith.constant 64 : i32
      %mul3A_62 = arith.muli %add3A_60, %mul3A_61 : i32
      %swap3A_63 = arith.index_cast %mul3A_62 : i32 to index
      %swap3A_64 = arith.constant 0 : index
      %swap3A_65 = vector.load %arg4[%swap3A_63, %swap3A_64] : memref<8256x128xi32, #tpu.memory_space<vmem>>, vector<64x128xi32>
      tpu.vector_store %arg4[%swap3A_63, %swap3A_64], %or3A {strides = array<i32>} : memref<8256x128xi32, #tpu.memory_space<vmem>>, vector<64x128xi32>,
      %while3A_66 = arith.constant 0 : i32
      scf.yield %while3A_66 : i32
    }
    return
  }
  func.func @transform_0(%arg0: i32) -> (i32, i32) {
    %c0_i32 = arith.constant 0 : i32
    %c0_i32_0 = arith.constant 0 : i32
    return %arg0, %c0_i32 : i32, i32
  }
  func.func @transform_1(%arg0: i32) -> (i32, i32) {
    %sub3A = arith.constant 127 : i32
    %sub3A_0 = arith.subi %sub3A, %arg0 : i32
    %c0_i32 = arith.constant 0 : i32
    %c0_i32_1 = arith.constant 0 : i32
    return %sub3A_0, %c0_i32 : i32, i32
  }
  func.func @transform_2(%arg0: i32) -> (i32, i32) {
    %c0_i32 = arith.constant 0 : i32
    %c0_i32_0 = arith.constant 0 : i32
    %c0_i32_1 = arith.constant 0 : i32
    return %c0_i32, %c0_i32_0 : i32, i32
  }
  func.func @transform_3(%arg0: i32) -> (i32, i32) {
    %c0_i32 = arith.constant 0 : i32
    %c0_i32_0 = arith.constant 0 : i32
    return %arg0, %c0_i32 : i32, i32
  }
}

module attributes {stable_mosaic.version = 14 : i64} {
  func.func @_reduce_body(%arg0: i32, %arg1: memref<6x16384xf32, #tpu.memory_space<vmem>>, %arg2: memref<1x1xf32, #tpu.memory_space<vmem>>, %arg3: memref<1x1xf32, #tpu.memory_space<vmem>>) attributes {dimension_semantics = [#tpu.dimension_semantics<arbitrary>], iteration_bounds = array<i64: 16>, scalar_prefetch = 0 : i64, scratch_operands = 0 : i64, tpu.core_type = #tpu.core_type<tc>, window_params = [{transform_indices = @transform_0, window_bounds = array<i64: 6, 16384>}, {pipeline_mode = #tpu.pipeline_mode<synchronous>, transform_indices = @transform_1, window_bounds = array<i64: 1, 1>}, {pipeline_mode = #tpu.pipeline_mode<synchronous>, transform_indices = @transform_2, window_bounds = array<i64: 1, 1>}]} {
    %get3A = arith.constant 0 : index
    %get3A_0 = arith.constant 0 : index
    %get3A_1 = vector.load %arg1[%get3A, %get3A_0] : memref<6x16384xf32, #tpu.memory_space<vmem>>, vector<6x16384xf32>
    %max3A = arith.constant 0.000000e+00 : f32
    %max3A_2 = vector.broadcast %max3A : f32 to vector<6x16384xf32>
    %max3A_3 = arith.maximumf %get3A_1, %max3A_2 : vector<6x16384xf32>
    %add3A = arith.constant 9.99999996E-13 : f32
    %add3A_4 = vector.broadcast %add3A : f32 to vector<6x16384xf32>
    %add3A_5 = arith.addf %max3A_3, %add3A_4 : vector<6x16384xf32>
    %sqrt3A = math.sqrt %add3A_5 : vector<6x16384xf32>
    %slice3A = vector.extract_strided_slice %sqrt3A {offsets = [0, 0], sizes = [1, 16384], strides = [1, 1]} : vector<6x16384xf32> to vector<1x16384xf32>
    %slice3A_6 = vector.extract_strided_slice %sqrt3A {offsets = [1, 0], sizes = [1, 16384], strides = [1, 1]} : vector<6x16384xf32> to vector<1x16384xf32>
    %sub3A = arith.subf %slice3A, %slice3A_6 : vector<1x16384xf32>
    %add3A_7 = arith.constant 1.000000e+00 : f32
    %add3A_8 = vector.broadcast %add3A_7 : f32 to vector<1x16384xf32>
    %add3A_9 = arith.addf %sub3A, %add3A_8 : vector<1x16384xf32>
    %max3A_10 = arith.constant 0.000000e+00 : f32
    %max3A_11 = vector.broadcast %max3A_10 : f32 to vector<1x16384xf32>
    %max3A_12 = arith.maximumf %add3A_9, %max3A_11 : vector<1x16384xf32>
    %slice3A_13 = vector.extract_strided_slice %sqrt3A {offsets = [2, 0], sizes = [1, 16384], strides = [1, 1]} : vector<6x16384xf32> to vector<1x16384xf32>
    %sub3A_14 = arith.constant 5.000000e-01 : f32
    %sub3A_15 = vector.broadcast %sub3A_14 : f32 to vector<1x16384xf32>
    %sub3A_16 = arith.subf %sub3A_15, %slice3A_13 : vector<1x16384xf32>
    %max3A_17 = arith.constant 0.000000e+00 : f32
    %max3A_18 = vector.broadcast %max3A_17 : f32 to vector<1x16384xf32>
    %max3A_19 = arith.maximumf %sub3A_16, %max3A_18 : vector<1x16384xf32>
    %slice3A_20 = vector.extract_strided_slice %sqrt3A {offsets = [3, 0], sizes = [1, 16384], strides = [1, 1]} : vector<6x16384xf32> to vector<1x16384xf32>
    %sub3A_21 = arith.constant 5.000000e-01 : f32
    %sub3A_22 = vector.broadcast %sub3A_21 : f32 to vector<1x16384xf32>
    %sub3A_23 = arith.subf %sub3A_22, %slice3A_20 : vector<1x16384xf32>
    %max3A_24 = arith.constant 0.000000e+00 : f32
    %max3A_25 = vector.broadcast %max3A_24 : f32 to vector<1x16384xf32>
    %max3A_26 = arith.maximumf %sub3A_23, %max3A_25 : vector<1x16384xf32>
    %slice3A_27 = vector.extract_strided_slice %sqrt3A {offsets = [4, 0], sizes = [1, 16384], strides = [1, 1]} : vector<6x16384xf32> to vector<1x16384xf32>
    %slice3A_28 = vector.extract_strided_slice %sqrt3A {offsets = [5, 0], sizes = [1, 16384], strides = [1, 1]} : vector<6x16384xf32> to vector<1x16384xf32>
    %sub3A_29 = arith.subf %slice3A_27, %slice3A_28 : vector<1x16384xf32>
    %add3A_30 = arith.constant 5.000000e-01 : f32
    %add3A_31 = vector.broadcast %add3A_30 : f32 to vector<1x16384xf32>
    %add3A_32 = arith.addf %sub3A_29, %add3A_31 : vector<1x16384xf32>
    %add3A_33 = arith.constant 5.000000e-01 : f32
    %add3A_34 = vector.broadcast %add3A_33 : f32 to vector<1x16384xf32>
    %add3A_35 = arith.addf %add3A_32, %add3A_34 : vector<1x16384xf32>
    %max3A_36 = arith.constant 0.000000e+00 : f32
    %max3A_37 = vector.broadcast %max3A_36 : f32 to vector<1x16384xf32>
    %max3A_38 = arith.maximumf %add3A_35, %max3A_37 : vector<1x16384xf32>
    %reduce_sum3A = vector.shape_cast %max3A_12 : vector<1x16384xf32> to vector<1x1x16384xf32>
    %reduce_sum3A_39 = arith.constant dense<0.000000e+00> : vector<1xf32>
    %reduce_sum3A_40 = vector.multi_reduction <add>, %reduce_sum3A, %reduce_sum3A_39 [1, 2] : vector<1x1x16384xf32> to vector<1xf32>
    %reduce_sum3A_41 = vector.shape_cast %reduce_sum3A_40 : vector<1xf32> to vector<1x1x1xf32>
    %reduce_sum3A_42 = vector.extract %reduce_sum3A_41[0, 0, 0] : f32 from vector<1x1x1xf32>
    %reduce_sum3A_43 = vector.shape_cast %max3A_19 : vector<1x16384xf32> to vector<1x1x16384xf32>
    %reduce_sum3A_44 = arith.constant dense<0.000000e+00> : vector<1xf32>
    %reduce_sum3A_45 = vector.multi_reduction <add>, %reduce_sum3A_43, %reduce_sum3A_44 [1, 2] : vector<1x1x16384xf32> to vector<1xf32>
    %reduce_sum3A_46 = vector.shape_cast %reduce_sum3A_45 : vector<1xf32> to vector<1x1x1xf32>
    %reduce_sum3A_47 = vector.extract %reduce_sum3A_46[0, 0, 0] : f32 from vector<1x1x1xf32>
    %add3A_48 = arith.addf %reduce_sum3A_42, %reduce_sum3A_47 : f32
    %reduce_sum3A_49 = vector.shape_cast %max3A_26 : vector<1x16384xf32> to vector<1x1x16384xf32>
    %reduce_sum3A_50 = arith.constant dense<0.000000e+00> : vector<1xf32>
    %reduce_sum3A_51 = vector.multi_reduction <add>, %reduce_sum3A_49, %reduce_sum3A_50 [1, 2] : vector<1x1x16384xf32> to vector<1xf32>
    %reduce_sum3A_52 = vector.shape_cast %reduce_sum3A_51 : vector<1xf32> to vector<1x1x1xf32>
    %reduce_sum3A_53 = vector.extract %reduce_sum3A_52[0, 0, 0] : f32 from vector<1x1x1xf32>
    %add3A_54 = arith.addf %add3A_48, %reduce_sum3A_53 : f32
    %reduce_sum3A_55 = vector.shape_cast %max3A_38 : vector<1x16384xf32> to vector<1x1x16384xf32>
    %reduce_sum3A_56 = arith.constant dense<0.000000e+00> : vector<1xf32>
    %reduce_sum3A_57 = vector.multi_reduction <add>, %reduce_sum3A_55, %reduce_sum3A_56 [1, 2] : vector<1x1x16384xf32> to vector<1xf32>
    %reduce_sum3A_58 = vector.shape_cast %reduce_sum3A_57 : vector<1xf32> to vector<1x1x1xf32>
    %reduce_sum3A_59 = vector.extract %reduce_sum3A_58[0, 0, 0] : f32 from vector<1x1x1xf32>
    %add3A_60 = arith.addf %add3A_54, %reduce_sum3A_59 : f32
    %gt3A = arith.constant 0.000000e+00 : f32
    %gt3A_61 = vector.broadcast %gt3A : f32 to vector<1x16384xf32>
    %gt3A_62 = arith.cmpf ogt, %max3A_12, %gt3A_61 : vector<1x16384xf32>
    %convert_element_type3A = arith.extui %gt3A_62 : vector<1x16384xi1> to vector<1x16384xi32>
    %convert_element_type3A_63 = arith.sitofp %convert_element_type3A : vector<1x16384xi32> to vector<1x16384xf32>
    %reduce_sum3A_64 = vector.shape_cast %convert_element_type3A_63 : vector<1x16384xf32> to vector<1x1x16384xf32>
    %reduce_sum3A_65 = arith.constant dense<0.000000e+00> : vector<1xf32>
    %reduce_sum3A_66 = vector.multi_reduction <add>, %reduce_sum3A_64, %reduce_sum3A_65 [1, 2] : vector<1x1x16384xf32> to vector<1xf32>
    %reduce_sum3A_67 = vector.shape_cast %reduce_sum3A_66 : vector<1xf32> to vector<1x1x1xf32>
    %reduce_sum3A_68 = vector.extract %reduce_sum3A_67[0, 0, 0] : f32 from vector<1x1x1xf32>
    %gt3A_69 = arith.constant 0.000000e+00 : f32
    %gt3A_70 = vector.broadcast %gt3A_69 : f32 to vector<1x16384xf32>
    %gt3A_71 = arith.cmpf ogt, %max3A_19, %gt3A_70 : vector<1x16384xf32>
    %convert_element_type3A_72 = arith.extui %gt3A_71 : vector<1x16384xi1> to vector<1x16384xi32>
    %convert_element_type3A_73 = arith.sitofp %convert_element_type3A_72 : vector<1x16384xi32> to vector<1x16384xf32>
    %reduce_sum3A_74 = vector.shape_cast %convert_element_type3A_73 : vector<1x16384xf32> to vector<1x1x16384xf32>
    %reduce_sum3A_75 = arith.constant dense<0.000000e+00> : vector<1xf32>
    %reduce_sum3A_76 = vector.multi_reduction <add>, %reduce_sum3A_74, %reduce_sum3A_75 [1, 2] : vector<1x1x16384xf32> to vector<1xf32>
    %reduce_sum3A_77 = vector.shape_cast %reduce_sum3A_76 : vector<1xf32> to vector<1x1x1xf32>
    %reduce_sum3A_78 = vector.extract %reduce_sum3A_77[0, 0, 0] : f32 from vector<1x1x1xf32>
    %add3A_79 = arith.addf %reduce_sum3A_68, %reduce_sum3A_78 : f32
    %gt3A_80 = arith.constant 0.000000e+00 : f32
    %gt3A_81 = vector.broadcast %gt3A_80 : f32 to vector<1x16384xf32>
    %gt3A_82 = arith.cmpf ogt, %max3A_26, %gt3A_81 : vector<1x16384xf32>
    %convert_element_type3A_83 = arith.extui %gt3A_82 : vector<1x16384xi1> to vector<1x16384xi32>
    %convert_element_type3A_84 = arith.sitofp %convert_element_type3A_83 : vector<1x16384xi32> to vector<1x16384xf32>
    %reduce_sum3A_85 = vector.shape_cast %convert_element_type3A_84 : vector<1x16384xf32> to vector<1x1x16384xf32>
    %reduce_sum3A_86 = arith.constant dense<0.000000e+00> : vector<1xf32>
    %reduce_sum3A_87 = vector.multi_reduction <add>, %reduce_sum3A_85, %reduce_sum3A_86 [1, 2] : vector<1x1x16384xf32> to vector<1xf32>
    %reduce_sum3A_88 = vector.shape_cast %reduce_sum3A_87 : vector<1xf32> to vector<1x1x1xf32>
    %reduce_sum3A_89 = vector.extract %reduce_sum3A_88[0, 0, 0] : f32 from vector<1x1x1xf32>
    %add3A_90 = arith.addf %add3A_79, %reduce_sum3A_89 : f32
    %gt3A_91 = arith.constant 0.000000e+00 : f32
    %gt3A_92 = vector.broadcast %gt3A_91 : f32 to vector<1x16384xf32>
    %gt3A_93 = arith.cmpf ogt, %max3A_38, %gt3A_92 : vector<1x16384xf32>
    %convert_element_type3A_94 = arith.extui %gt3A_93 : vector<1x16384xi1> to vector<1x16384xi32>
    %convert_element_type3A_95 = arith.sitofp %convert_element_type3A_94 : vector<1x16384xi32> to vector<1x16384xf32>
    %reduce_sum3A_96 = vector.shape_cast %convert_element_type3A_95 : vector<1x16384xf32> to vector<1x1x16384xf32>
    %reduce_sum3A_97 = arith.constant dense<0.000000e+00> : vector<1xf32>
    %reduce_sum3A_98 = vector.multi_reduction <add>, %reduce_sum3A_96, %reduce_sum3A_97 [1, 2] : vector<1x1x16384xf32> to vector<1xf32>
    %reduce_sum3A_99 = vector.shape_cast %reduce_sum3A_98 : vector<1xf32> to vector<1x1x1xf32>
    %reduce_sum3A_100 = vector.extract %reduce_sum3A_99[0, 0, 0] : f32 from vector<1x1x1xf32>
    %add3A_101 = arith.addf %add3A_90, %reduce_sum3A_100 : f32
    %eq3A = arith.constant 0 : i32
    %eq3A_102 = arith.cmpi eq, %arg0, %eq3A : i32
    %convert_element_type3A_103 = arith.extui %eq3A_102 : i1 to i32
    %cond3A = arith.constant 0 : i32
    %cond3A_104 = arith.cmpi ne, %convert_element_type3A_103, %cond3A : i32
    scf.if %cond3A_104 {
      %broadcast_in_dim3A = arith.constant 0.000000e+00 : f32
      %broadcast_in_dim3A_119 = vector.broadcast %broadcast_in_dim3A : f32 to vector<1x1xf32>
      %swap3A_120 = arith.constant 0 : index
      %swap3A_121 = arith.constant 0 : index
      %swap3A_122 = vector.load %arg2[%swap3A_120, %swap3A_121] : memref<1x1xf32, #tpu.memory_space<vmem>>, vector<1x1xf32>
      tpu.vector_store %arg2[%swap3A_120, %swap3A_121], %broadcast_in_dim3A_119 {strides = array<i32>} : memref<1x1xf32, #tpu.memory_space<vmem>>, vector<1x1xf32>,
      %broadcast_in_dim3A_123 = arith.constant 0.000000e+00 : f32
      %broadcast_in_dim3A_124 = vector.broadcast %broadcast_in_dim3A_123 : f32 to vector<1x1xf32>
      %swap3A_125 = arith.constant 0 : index
      %swap3A_126 = arith.constant 0 : index
      %swap3A_127 = vector.load %arg3[%swap3A_125, %swap3A_126] : memref<1x1xf32, #tpu.memory_space<vmem>>, vector<1x1xf32>
      tpu.vector_store %arg3[%swap3A_125, %swap3A_126], %broadcast_in_dim3A_124 {strides = array<i32>} : memref<1x1xf32, #tpu.memory_space<vmem>>, vector<1x1xf32>,
    } else {
    }
    %get3A_105 = arith.constant 0 : index
    %get3A_106 = arith.constant 0 : index
    %get3A_107 = vector.load %arg2[%get3A_105, %get3A_106] : memref<1x1xf32, #tpu.memory_space<vmem>>, vector<1x1xf32>
    %reshape3A = vector.broadcast %add3A_60 : f32 to vector<1x1xf32>
    %add3A_108 = arith.addf %get3A_107, %reshape3A : vector<1x1xf32>
    %swap3A = arith.constant 0 : index
    %swap3A_109 = arith.constant 0 : index
    %swap3A_110 = vector.load %arg2[%swap3A, %swap3A_109] : memref<1x1xf32, #tpu.memory_space<vmem>>, vector<1x1xf32>
    tpu.vector_store %arg2[%swap3A, %swap3A_109], %add3A_108 {strides = array<i32>} : memref<1x1xf32, #tpu.memory_space<vmem>>, vector<1x1xf32>,
    %get3A_111 = arith.constant 0 : index
    %get3A_112 = arith.constant 0 : index
    %get3A_113 = vector.load %arg3[%get3A_111, %get3A_112] : memref<1x1xf32, #tpu.memory_space<vmem>>, vector<1x1xf32>
    %reshape3A_114 = vector.broadcast %add3A_101 : f32 to vector<1x1xf32>
    %add3A_115 = arith.addf %get3A_113, %reshape3A_114 : vector<1x1xf32>
    %swap3A_116 = arith.constant 0 : index
    %swap3A_117 = arith.constant 0 : index
    %swap3A_118 = vector.load %arg3[%swap3A_116, %swap3A_117] : memref<1x1xf32, #tpu.memory_space<vmem>>, vector<1x1xf32>
    tpu.vector_store %arg3[%swap3A_116, %swap3A_117], %add3A_115 {strides = array<i32>} : memref<1x1xf32, #tpu.memory_space<vmem>>, vector<1x1xf32>,
    return
  }
  func.func @transform_0(%arg0: i32) -> (i32, i32) {
    %c0_i32 = arith.constant 0 : i32
    %c0_i32_0 = arith.constant 0 : i32
    return %c0_i32, %arg0 : i32, i32
  }
  func.func @transform_1(%arg0: i32) -> (i32, i32) {
    %c0_i32 = arith.constant 0 : i32
    %c0_i32_0 = arith.constant 0 : i32
    %c0_i32_1 = arith.constant 0 : i32
    return %c0_i32, %c0_i32_0 : i32, i32
  }
  func.func @transform_2(%arg0: i32) -> (i32, i32) {
    %c0_i32 = arith.constant 0 : i32
    %c0_i32_0 = arith.constant 0 : i32
    %c0_i32_1 = arith.constant 0 : i32
    return %c0_i32, %c0_i32_0 : i32, i32
  }
}

</mosaic_0001>

<sc_bundles>
// kernel: kernel.6.cloned.1.call-start
scs
__scs_entry_jumppad:
0x0: {  	(pc) =	sbr.rel $0x88, $3  }
0x1: {  	(tag) =	ssettag $0x0;
	lr =	simm.s32 $0x1  }
0x2: {  	[smem:$0x3F9B] =	sst lr;
	_ =	strace $0xD0000000  }
0x3: {  	_ = 	snop  }
0x4: {  	_ = 	snop  }
0x5: {  	_ = 	snop  }
0x6: {  	_ = 	snop  }
0x7: {  	_ = 	snop  }
__scs_overlays_trampoline_lowered:
0x8: {  	[smem:$0x3FAA] =	sst s0  }
0x9: {  	[smem:$0x3FAB] =	sst s1  }
0xa: {  	[smem:$0x3FAC] =	sst s2  }
0xb: {  	[smem:$0x3FAD] =	sst s3  }
0xc: {  	[smem:$0x3FAE] =	sst s4  }
0xd: {  	[smem:$0x3FAF] =	sst s5  }
0xe: {  	[smem:$0x3FB0] =	sst s6  }
0xf: {  	[smem:$0x3FB1] =	sst s7  }
0x10: {  	[smem:$0x3FB2] =	sst s8  }
0x11: {  	[smem:$0x3FB3] =	sst s9;
	s0 =	simm.s32 @!p0 $0x0  }
0x12: {  	s1 =	sld [smem:$0x3F99];
	s0 =	simm.s32 @p0 $0x1  }
0x13: {  	[smem:$0x3FB4] =	sst s0;
	s0 =	simm.s32 @!p1 $0x0  }
0x14: {  	s2 =	sld [smem:$0x3F98];
	s0 =	simm.s32 @p1 $0x1  }
0x15: {  	[smem:$0x3FB5] =	sst s0;
	s0 =	simm.s32 @!p2 $0x0  }
0x16: {  	s3 =	sld [smem:$0x3FDB];
	s0 =	simm.s32 @p2 $0x1  }
0x17: {  	s4 =	simm.s32 $0x1BF5;
	[smem:$0x3FB7] =	sst s0  }
0x18: {  	s0 =	sld [smem:$0x3F9A];
	_ =	swait.ge [sflag:s4], $0x0  }
0x19: {  	s7 =	sld [smem:$0x3F9B]  }
0x1a: {  	s8 =	sadd.s32 $0xFFFFE003, lr  }
0x1b: {  	s9 =	sadd.s32 $0xFFFFFEF7, lr;
	s5 =	simm.s32 $0xFFFFFFFF;
	p2 =	slt.u32 s8, $0xFFFFF086  }
0x1c: {  	p1 =	slt.u32 s9, $0xF7A;
	s5 =	simm.s32 @!p2 $0x0  }
0x1d: {  	s5 =	simm.s32 @p1 $0x1;
	p0 =	seq.s32 s7, s2  }
0x1e: {  	s7 =	smul.u32 @!p0 $0xF7A, s2;
	p2 =	seq.s32 @!p0 s5, $0x0  }
0x1f: {  	s9 =	smul.u32 $0xF7A, s1;
	s8 =	simm.s32 @!p0 $0x1BF5;
	p2 =	por !p2, p0  }
0x20: {  	[sflag:s8] =	ssyncset.s32 @!p0 $0xFFFFF086;
	s6 =	sadd.s32 @!p0 s3, s7;
	s7 =	simm.s32 @!p0 $0x108  }
0x21: {  	s3 =	sadd.s32 s3, s9;
	s6 =	sadd.s32 @!p0 $0x88, s6;
	s7 =	simm.s32 @p2 $0x1082  }
0x22: {  	[simem:s7], [sflag:s8] =	dma.local @!p0 [hbm:s6], $0xF7A  }
0x23: {  	s9 =	sor.u32 $0xD0000000, s2;
	s6 =	simm.s32 $0x108;
	_ =	swait.ge @!p0 [sflag:s8], $0x0  }
0x24: {  	s3 =	sadd.s32 $0x88, s3;
	s6 =	simm.s32 @!p1 $0x1082;
	[sflag:s4] =	ssyncset.s32 $0xFFFFF086  }
0x25: {  	[simem:s6], [sflag:s4] =	dma.local [hbm:s3], $0xF7A  }
0x26: {  	[smem:$0x3F9B] =	sst s1;
	(tag) =	ssettag s2;
	_ =	strace s9  }
0x27: {  	s1 =	sld [smem:$0x3FAB]  }
0x28: {  	s2 =	sld [smem:$0x3FAC]  }
0x29: {  	s4 =	sld [smem:$0x3FAE]  }
0x2a: {  	p0 =	seq.s32 s5, $0x0;
	s5 =	sld [smem:$0x3FAF]  }
0x2b: {  	s6 =	sld [smem:$0x3FB0]  }
0x2c: {  	s7 =	sld [smem:$0x3FB1]  }
0x2d: {  	s3 =	simm.s32 $0x108;
	s8 =	sld [smem:$0x3FB2]  }
0x2e: {  	s3 =	simm.s32 @!p0 $0x1082;
	s9 =	sld [smem:$0x3FB3]  }
0x2f: {  	lr =	sadd.s32 s0, s3;
	s0 =	sld [smem:$0x3FAA]  }
0x30: {  	s3 =	sld [smem:$0x3FAD]  }
0x31: {  	[smem:$0x3FB6] =	sst s10  }
0x32: {  	s10 =	sld [smem:$0x3FB4];
	_ =	sdelay $0x3  }
0x33: {  	p0 =	seq.s32 s10, $0x1;
	s10 =	sld [smem:$0x3FB6];
	_ =	sdelay $0x3  }
0x34: {  	[smem:$0x3FB6] =	sst s10  }
0x35: {  	s10 =	sld [smem:$0x3FB5];
	_ =	sdelay $0x3  }
0x36: {  	p1 =	seq.s32 s10, $0x1;
	s10 =	sld [smem:$0x3FB6];
	_ =	sdelay $0x3  }
0x37: {  	[smem:$0x3FB6] =	sst s10  }
0x38: {  	s10 =	sld [smem:$0x3FB7]  }
0x39: {  	_ = 	snop;
	(pc) =	sbr.ind lr, $3  }
0x3a: {  	_ = 	snop  }
0x3b: {  	_ = 	snop  }
0x3c: {  	p2 =	seq.s32 s10, $0x1;
	s10 =	sld [smem:$0x3FB6]  }
0x3d: {  	_ =	shalt  }
0x3e: {  	_ =	shalt  }
0x3f: {  	_ =	shalt  }
0x40: {  	_ =	shalt  }
0x41: {  	_ =	shalt  }
0x42: {  	_ =	shalt  }
0x43: {  	_ =	shalt  }
0x44: {  	_ =	shalt  }
0x45: {  	_ =	shalt  }
0x46: {  	_ =	shalt  }
0x47: {  	_ =	shalt  }
0x48: {  	_ =	shalt  }
0x49: {  	_ =	shalt  }
0x4a: {  	_ =	shalt  }
0x4b: {  	_ =	shalt  }
0x4c: {  	_ =	shalt  }
0x4d: {  	_ =	shalt  }
0x4e: {  	_ =	shalt  }
0x4f: {  	_ =	shalt  }
0x50: {  	_ =	shalt  }
0x51: {  	_ =	shalt  }
0x52: {  	_ =	shalt  }
0x53: {  	_ =	shalt  }
0x54: {  	_ =	shalt  }
0x55: {  	_ =	shalt  }
0x56: {  	_ =	shalt  }
0x57: {  	_ =	shalt  }
0x58: {  	_ =	shalt  }
0x59: {  	_ =	shalt  }
0x5a: {  	_ =	shalt  }
0x5b: {  	_ =	shalt  }
0x5c: {  	_ =	shalt  }
0x5d: {  	_ =	shalt  }
0x5e: {  	_ =	shalt  }
0x5f: {  	_ =	shalt  }
0x60: {  	_ =	shalt  }
0x61: {  	_ =	shalt  }
0x62: {  	_ =	shalt  }
0x63: {  	_ =	shalt  }
0x64: {  	_ =	shalt  }
0x65: {  	_ =	shalt  }
0x66: {  	_ =	shalt  }
0x67: {  	_ =	shalt  }
0x68: {  	_ =	shalt  }
0x69: {  	_ =	shalt  }
0x6a: {  	_ =	shalt  }
0x6b: {  	_ =	shalt  }
0x6c: {  	_ =	shalt  }
0x6d: {  	_ =	shalt  }
0x6e: {  	_ =	shalt  }
0x6f: {  	_ =	shalt  }
0x70: {  	_ =	shalt  }
0x71: {  	_ =	shalt  }
0x72: {  	_ =	shalt  }
0x73: {  	_ =	shalt  }
0x74: {  	_ =	shalt  }
0x75: {  	_ =	shalt  }
0x76: {  	_ =	shalt  }
0x77: {  	_ =	shalt  }
0x78: {  	_ =	shalt  }
0x79: {  	_ =	shalt  }
0x7a: {  	_ =	shalt  }
0x7b: {  	_ =	shalt  }
0x7c: {  	_ =	shalt  }
0x7d: {  	_ =	shalt  }
0x7e: {  	_ =	shalt  }
0x7f: {  	_ =	shalt  }
0x80: {  	_ =	shalt  }
0x81: {  	_ =	shalt  }
0x82: {  	_ =	shalt  }
0x83: {  	_ =	shalt  }
0x84: {  	_ =	shalt  }
0x85: {  	_ =	shalt  }
0x86: {  	_ =	shalt  }
0x87: {  	_ =	shalt  }
.Lfunc_end0:
.L_simem_size_0:
called_computation_lowered:
.L_overlay_start_0:
0x88: {  	s2 =	sld [smem:$0x3FD9]  }
0x89: {  	s3 =	sld [smem:$0x3FFE];
	_ =	sdelay $0x1  }
0x8a: {  	s1 =	srdreg.scid  }
0x8b: {  	s0 =	sand.u32 $0x1, s1  }
0x8c: {  	s16 =	sshll.u32 s0, $0xA;
	s2 =	sadd.s32 s3, s2  }
0x8d: {  	s2 =	sadd.s32 s2, s16  }
0x8e: {  	[smem:$0x3FC2] =	sst s2  }
0x8f: {  	_ = 	snop  }
0x90: {  	(tm) =	ssettm $0x1  }
0x91: {  	s17 =	sld [smem:$0x3FFB];
	_ =	sdelay $0x3  }
0x92: {  	_ =	strace s17  }
0x93: {  	s2 =	sld [smem:$0x3FFC];
	_ =	sdelay $0x3  }
0x94: {  	_ =	strace s2  }
0x95: {  	s2 =	sld [smem:$0x3FFD];
	_ =	sdelay $0x3  }
0x96: {  	_ =	strace s2  }
0x97: {  	_ =	strace $0x8FFFFFFF  }
0x98: {  	s18 =	sld [smem:$0x3FDB];
	_ =	sdelay $0x1  }
0x99: {  	s19 =	simm.s32 $_scs_section_size  }
0x9a: {  	s4 =	simm.s32 $_size__tile_overlayer_lowered;
	s5 =	simm.s32 $_tile_overlayer_lowered  }
0x9b: {  	s22 =	simm.s32 $0x1BFF;
	s21 =	sshll.u32 s5, $0x1;
	s2 =	sadd.s32 s19, s18  }
0x9c: {  	s6 =	simm.s32 $0x0;
	s20 =	sshll.u32 s4, $0x1;
	s4 =	sadd.s32 s21, s2  }
0x9d: {  	[timem:s6], [sflag:s22] =	dma.local [hbm:s4], s20  }
0x9e: {  	_ =	swait.ge [sflag:s22], s20  }
0x9f: {  	s3 =	ssub.s32 $0x0, s20;
	[sflag:s22] =	ssyncset.done $0x0  }
0xa0: {  	[sflag:s22] =	ssyncadd.s32 s3;
	_ =	sdelay $0x1  }
0xa1: {  	s23 =	simm.s32 $0x1B8B  }
0xa2: {  	_ =	swait.ge [sflag:s23], $0x1  }
0xa3: {  	[sflag:s23] =	ssyncset.done $0x0  }
0xa4: {  	s25 =	simm.s32 $0x1B8E;
	s24 =	sld [smem:$0x3FFE];
	[sflag:s23] =	ssyncadd.s32 $0xFFFFFFFF  }
0xa5: {  	s26 =	simm.s32 $execute0_lowered;
	[smem:$0x3FD2] =	sst s25  }
0xa6: {  	s4 =	sshll.u32 s26, $0x1;
	_ =	strace $0x80000046;
	[dreg:$0x1] =	wrdreg $0xFFFFFFFF  }
0xa7: {  	s28 =	simm.s32 $_size_execute0_lowered;
	s2 =	sadd.s32 s2, s4;
	[dreg:$0x0] =	wrdreg $0x0  }
0xa8: {  	s4 =	sshll.u32 s28, $0x1;
	[dreg:$0x2] =	wrdreg s2  }
0xa9: {  	[dreg:$0x3] =	wrdreg s4  }
0xaa: {  	[dreg:$0x4] =	wrdreg $0xC0  }
0xab: {  	_ =	task [dreg:s6], $0x5FFFF  }
0xac: {  	[dreg:$0x1] =	wrdreg $0xFFFFFFFF  }
0xad: {  	[dreg:$0x0] =	wrdreg $0x60  }
0xae: {  	[dreg:$0x2] =	wrdreg s24  }
0xaf: {  	[dreg:$0x3] =	wrdreg $0x9  }
0xb0: {  	_ =	task.clear_ibuf [dreg:s6], $0x4FFFF;
	_ =	strace $0x90000046  }
0xb1: {  	s29 =	simm.s32 $0x9;
	_ =	strace $0x80000048  }
0xb2: {  	_ =	swait.ge [sflag:s29], $0x1  }
0xb3: {  	[sflag:s29] =	ssyncadd.s32 $0xFFFFFFFF  }
0xb4: {  	_ =	strace $0x90000048  }
0xb5: {  	_ =	sfence  }
0xb6: {  	s30 =	sld [smem:$0x0];
	_ =	sdelay $0x2  }
0xb7: {  	s31 =	sshll.u32 s1, $0xD;
	s1 =	sshrl.u32 s1, $0x2  }
0xb8: {  	s3 =	sand.u32 $0x4000, s31;
	s1 =	sadd.s32 s1, s30  }
0xb9: {  	s0 =	sor.u32 s3, s0;
	s1 =	sshll.u32 s1, $0x11  }
0xba: {  	s0 =	sor.u32 s1, s0  }
0xbb: {  	s0 =	sadd.s32 $0x8F2B, s0  }
0xbc: {  	[sflag:s0] =	ssyncadd.remote.s32 $0x1  }
0xbd: {  	_ =	sfence.sel $0xFFFF  }
0xbe: {  	[dreg:$0x0] =	wrdreg $0xFFFFFFFF;
	(pc) =	sbr.abs _section_cstart, $3  }
0xbf: {  	[dreg:$0x1] =	wrdreg $0xFFFFFFFF  }
0xc0: {  	_ =	task.clear_ibuf [dreg:s6], $0x2FFFF;
	_ =	strace $0x9FFFFFFF  }
0xc1: {  	(tm) =	ssettm $0x7FFFFFFF  }
tec
execute0_lowered:
.L_overlay_start_1:
0x0: {  	(tag) =	ssettag $0x1  }
0x1: {  	s0 =	rddreg [dreg:$0x0]  }
0x2: {  	s1 =	simm.s32 $0x0;
	s6 =	srdreg.scid;
	s7 =	stileid.u32  }
0x3: {  	s23 =	simm.s32 $0x2;
	s24 =	simm.s32 $0x6000;
	s25 =	simm.s32 $0x1  }
0x4: {  	s26 =	simm.s32 $0x12000;
	[smem:$0x7FF] =	sst s1;
	s3 =	sadd.s32 $0x810E00, s0  }
0x5: {  	s30 =	simm.s32 $0x0;
	s4 =	sadd.s32 $0x820E00, s0;
	s5 =	sadd.s32 $0x830E00, s0  }
0x6: {  	s2 =	sadd.s32 $0xE00, s0;
	s15 =	sadd.s32 $0x840E00, s0;
	s19 =	sadd.s32 $0x850E00, s0  }
0x7: {  	s6 =	sand.u32 $0x1, s6;
	s7 =	sshll.u32 s7, $0xB;
	s9 =	sadd.s32 $0x868E00, s0  }
0x8: {  	s0 =	sadd.s32 $0x869600, s0;
	s8 =	sshll.u32 s6, $0xA;
	s6 =	ssub.s32 $0x2, s6  }
0x9: {  	_ =	strace $0x80000047;
	s17 =	sor.u32 s8, s7;
	s28 =	sshrl.u32 s6, $0x1  }
0xa: {  	[dreg:$0x2] =	wrdreg s9;
	s18 =	sor.u32 $0x8000, s17;
	s22 =	ssub.s32 s6, s28  }
0xb: {  	s29 =	sadd.s32 s3, s17;
	s7 =	sadd.s32 s0, s17;
	s8 =	sadd.s32 s4, s17  }
0xc: {  	s11 =	sadd.s32 s5, s17;
	s31 =	sor.u32 $0x10000, s17;
	s14 =	sadd.s32 s15, s17  }
0xd: {  	s17 =	sadd.s32 s19, s17;
	[dreg:$0x3] =	wrdreg s29;
	s3 =	sadd.s32 s3, s18  }
0xe: {  	s9 =	sadd.s32 s4, s18;
	s10 =	sadd.s32 s0, s18;
	s12 =	sadd.s32 s5, s18  }
0xf: {  	s13 =	sadd.s32 s0, s31;
	s15 =	sadd.s32 s15, s18;
	s16 =	sadd.s32 $0x18000, s7  }
0x10: {  	s18 =	sadd.s32 s19, s18;
	s19 =	sadd.s32 s19, s31;
	s20 =	sadd.s32 $0x20000, s7  }
0x11: {  	s21 =	sadd.s32 $0x28000, s7;
	s22 =	smax.u32 s22, $0x1;
	[dreg:$0x4] =	wrdreg s3  }
.LBB2_1:
0x12: {  	s0 =	rddreg [dreg:$0x2]  }
0x13: {  	[tilespmem:s1], [sflag:$0x2] =	stream.linear.gather [hbm4b:s0+s1], $0x4000, $0x38;
	[tilespmem:$0x1A000] =	vst v63  }
0x14: {  	_ =	swait.ge [sflag:s23], $0x4000  }
0x15: {  	[sflag:s23] =	ssyncset.done $0x0  }
0x16: {  	s0 =	simm.s32 $0x4000;
	s3 =	rddreg [dreg:$0x3];
	[sflag:s23] =	ssyncadd.s32 $0xFFFFC000  }
0x17: {  	[tilespmem:s0], [sflag:$0x2] =	stream.linear.gather [hbm4b:s3+s1], $0x2000, $0x38;
	[tilespmem:$0x1A000] =	vst v63  }
0x18: {  	_ =	swait.ge [sflag:s23], $0x2000  }
0x19: {  	[sflag:s23] =	ssyncset.done $0x0  }
0x1a: {  	s4 =	rddreg [dreg:$0x4];
	[sflag:s23] =	ssyncadd.s32 $0xFFFFE000  }
0x1b: {  	[tilespmem:s24], [sflag:$0x2] =	stream.linear.gather [hbm4b:s4+s1], $0x2000, $0x38;
	[tilespmem:$0x1A000] =	vst v63  }
0x1c: {  	_ =	swait.ge [sflag:s23], $0x2000  }
0x1d: {  	[sflag:s23] =	ssyncset.done $0x0  }
0x1e: {  	[sflag:s23] =	ssyncadd.s32 $0xFFFFE000  }
0x1f: {  	s5 =	sand.u32 $0x1FF0, s1;
	v0 =	vld [tilespmem:s0+$0x0]  }
0x20: {  	v1 =	vld [tilespmem:s5+$0x6000];
	_ =	sdelay $0x4  }
0x21: {  	vm0 =	vgt.s32 v0, v1  }
0x22: {  	v2 =	vsel vm0, v1, v0  }
0x23: {  	v3 =	vsel vm0, v0, v1;
	v4 =	vshra.s32 v2, $0x7  }
0x24: {  	vm15 =	vlt.s32 v4, $0x40;
	v5 =	vsub.s32 $0x7F, v4;
	v6 =	vsub.s32 $0x0, v4  }
0x25: {  	v7 =	vshrl.u32 v3, $0x7;
	v4 =	vsel vm15, v4, v5;
	v61 =	vnsel vm15, $0x1, v6  }
0x26: {  	v5 =	vadd.s32 v7, v61;
	v4 =	vmul.u32 $0x102000, v4  }
0x27: {  	s6 =	sand.u32 $0x7, s1;
	v62 =	vshll.u32 v2, $0x7;
	v2 =	vxor.u32 $0xFFFFFFFF, v2;
	v5 =	vshll.u32 v5, $0xD  }
0x28: {  	s4 =	sand.u32 $0x1F80, s1;
	s5 =	sshll.u32 s6, $0x4;
	v2 =	vshrl.u32 v2, $0x2;
	v63 =	vand.u32 $0x1F80, v62;
	v4 =	vadd.s32 v4, v5  }
0x29: {  	s5 =	sor.u32 s5, s4;
	v3 =	vand.u32 $0x7F, v3;
	v2 =	vand.u32 $0x10, v2;
	v4 =	vor.u32 v63, v4  }
0x2a: {  	[tilespmem:s5+$0x16000] =	vst v2;
	v3 =	vor.u32 v3, v4  }
0x2b: {  	[tilespmem:s5+$0xA000] =	vst v3  }
0x2c: {  	v0 =	vld.idx.msk [tilespmem:v0+s1+$0x0], $0xffff  }
0x2d: {  	v1 =	vld.idx.msk [tilespmem:v1+s1+$0x0], $0xffff;
	_ =	sdelay $0x2  }
0x2e: {  	p1 =	sne.s32 s6, $0x7  }
0x2f: {  	s31 =	simm.s32 @!p1 $0x80;
	s3 =	simm.s32 $0x1  }
0x30: {  	s28 =	sor.u32 @!p1 $0xE000, s4;
	s29 =	sor.u32 @!p1 $0xA000, s4;
	s4 =	simm.s32 $0x0;
	v0 =	vadd.f32 v1, v0  }
.LBB2_2:
0x31: {  	s4 =	sadd.s32 $0x10, s4  }
0x32: {  	[tilespmem:s5+$0x12000] =	vst v0;
	s0 =	sadd.s32 $0x10, s0;
	s5 =	smov.u32 s3;
	s3 =	sadd.s32 $0x1, s3  }
0x33: {  	[tilespmem:s28], [sflag:$0x1] =	stream.indirect.gather @!p1 [hbm4b:s2+s31], $0x1, s29, s31, $0xb8;
	[tilespmem:$0x1A000] =	vst v63  }
0x34: {  	s28 =	sand.u32 $0x1FF0, s4;
	p0 =	sne.s32 s3, $0x200;
	v0 =	vld [tilespmem:s0+$0x0]  }
0x35: {  	v1 =	vld [tilespmem:s28+$0x6000];
	_ =	sdelay $0x4  }
0x36: {  	vm0 =	vgt.s32 v0, v1  }
0x37: {  	v2 =	vsel vm0, v1, v0;
	v3 =	vsel vm0, v0, v1  }
0x38: {  	v4 =	vshra.s32 v2, $0x7;
	v5 =	vshll.u32 v2, $0x7;
	v2 =	vxor.u32 $0xFFFFFFFF, v2  }
0x39: {  	vm0 =	vlt.s32 v4, $0x40;
	v6 =	vsub.s32 $0x7F, v4;
	v7 =	vsub.s32 $0x0, v4  }
0x3a: {  	v8 =	vshrl.u32 v3, $0x7;
	v4 =	vsel vm0, v4, v6;
	v6 =	vnsel vm0, $0x1, v7  }
0x3b: {  	v2 =	vshrl.u32 v2, $0x2;
	v6 =	vadd.s32 v8, v6;
	v4 =	vmul.u32 $0x102000, v4  }
0x3c: {  	s28 =	sand.u32 $0x7, s5;
	v2 =	vand.u32 $0x10, v2;
	v6 =	vshll.u32 v6, $0xD  }
0x3d: {  	s29 =	sand.u32 $0x1F80, s4;
	s5 =	sshll.u32 s28, $0x4;
	v5 =	vand.u32 $0x1F80, v5;
	v4 =	vadd.s32 v4, v6  }
0x3e: {  	s5 =	sor.u32 s5, s29;
	v3 =	vand.u32 $0x7F, v3;
	v4 =	vor.u32 v5, v4  }
0x3f: {  	v3 =	vor.u32 v3, v4;
	[tilespmem:s5+$0x16000] =	vst v2  }
0x40: {  	[tilespmem:s5+$0xA000] =	vst v3  }
0x41: {  	v0 =	vld.idx.msk [tilespmem:v0+s1+$0x0], $0xffff  }
0x42: {  	v1 =	vld.idx.msk [tilespmem:v1+s1+$0x0], $0xffff;
	_ =	sdelay $0x2  }
.Ltmp0:
0x43: {  	(pc) =	sbr.rel @p0 .LBB2_2-.Ltmp0, $3  }
0x44: {  	_ =	sdelay $0x1  }
0x45: {  	p1 =	sne.s32 s28, $0x7;
	v0 =	vadd.f32 v1, v0  }
0x46: {  	s28 =	sor.u32 @!p1 $0xE000, s29;
	s29 =	sor.u32 @!p1 $0xA000, s29;
	s31 =	simm.s32 @!p1 $0x80  }
0x47: {  	[tilespmem:s5+$0x12000] =	vst v0;
	s0 =	simm.s32 $0x40  }
0x48: {  	[tilespmem:s28], [sflag:$0x1] =	stream.indirect.gather @!p1 [hbm4b:s2+s31], $0x1, s29, s31, $0xb8;
	[tilespmem:$0x1A000] =	vst v63  }
.LBB2_4:
0x49: {  	p0 =	sne.s32 s0, $0x1  }
.Ltmp1:
0x4a: {  	_ = 	snop;
	(pc) =	sbr.rel @p0 .LBB2_4-.Ltmp1, $4  }
0x4b: {  	_ = 	snop  }
0x4c: {  	_ =	swait.ge [sflag:s25], $0x80  }
0x4d: {  	[sflag:s25] =	ssyncset.done $0x0  }
0x4e: {  	s0 =	sadd.s32 $0xFFFFFFFF, s0;
	[sflag:s25] =	ssyncadd.s32 $0xFFFFFF80  }
0x4f: {  	s0 =	simm.s32 $0x0  }
0x50: {  	v0 =	vld [tilespmem:s0+$0xE000]  }
0x51: {  	v1 =	vld [tilespmem:s0+$0x16000];
	_ =	sdelay $0x4  }
0x52: {  	v0 =	vshll.u32 v0, v1;
	v1 =	vld [tilespmem:s0+$0x12000];
	_ =	sdelay $0x1  }
0x53: {  	s3 =	simm.s32 $0x10;
	v2 =	vand.u32 $0xFFFF0000, v0  }
0x54: {  	s4 =	simm.s32 $0x80;
	v0 =	vld [tilespmem:s3+$0xE000];
	v2 =	vadd.f32 v2, v2  }
.LBB2_6:
0x55: {  	p0 =	sne.s32 s4, $0x7FC0;
	v3 =	vld [tilespmem:s3+$0x16000]  }
0x56: {  	v1 =	vsub.f32 v1, v2;
	_ =	sdelay $0x1  }
.Ltmp2:
0x57: {  	[tilespmem:s0+$0x12000] =	vst v1;
	s0 =	smov.u32 s3;
	(pc) =	sbr.rel @p0 .LBB2_6-.Ltmp2, $4  }
0x58: {  	v1 =	vld [tilespmem:s0+$0x12000]  }
0x59: {  	v0 =	vshll.u32 v0, v3  }
0x5a: {  	s3 =	sshra.s32 s4, $0x2;
	v2 =	vand.u32 $0xFFFF0000, v0  }
0x5b: {  	s4 =	sadd.s32 $0x40, s4;
	v0 =	vld [tilespmem:s3+$0xE000];
	v2 =	vadd.f32 v2, v2  }
0x5c: {  	v3 =	vld [tilespmem:s3+$0x16000]  }
0x5d: {  	v1 =	vsub.f32 v1, v2;
	_ =	sdelay $0x1  }
0x5e: {  	[tilespmem:s0+$0x12000] =	vst v1  }
0x5f: {  	v1 =	vld [tilespmem:s3+$0x12000]  }
0x60: {  	v0 =	vshll.u32 v0, v3  }
0x61: {  	v0 =	vand.u32 $0xFFFF0000, v0  }
0x62: {  	v0 =	vadd.f32 v0, v0;
	_ =	sdelay $0x1  }
0x63: {  	v0 =	vsub.f32 v1, v0;
	_ =	sdelay $0x1  }
0x64: {  	s0 =	simm.s32 $0x0;
	[tilespmem:s3+$0x12000] =	vst v0  }
0x65: {  	[hbm4b:s7+s0] =	stream.linear.scatter [tilespmem:s26], [sflag:$0x2], $0x2000, $0x38;
	[tilespmem:$0x1A000] =	vst v63  }
0x66: {  	_ =	swait.ge [sflag:s23], $0x2000  }
0x67: {  	[sflag:s23] =	ssyncset.done $0x0  }
0x68: {  	s3 =	simm.s32 $0x4000;
	[sflag:s23] =	ssyncadd.s32 $0xFFFFE000  }
0x69: {  	[tilespmem:s3], [sflag:$0x2] =	stream.linear.gather [hbm4b:s8+s0], $0x2000, $0x38;
	[tilespmem:$0x1A000] =	vst v63  }
0x6a: {  	_ =	swait.ge [sflag:s23], $0x2000  }
0x6b: {  	[sflag:s23] =	ssyncset.done $0x0  }
0x6c: {  	[sflag:s23] =	ssyncadd.s32 $0xFFFFE000  }
0x6d: {  	[tilespmem:s24], [sflag:$0x2] =	stream.linear.gather [hbm4b:s9+s0], $0x2000, $0x38;
	[tilespmem:$0x1A000] =	vst v63  }
0x6e: {  	_ =	swait.ge [sflag:s23], $0x2000  }
0x6f: {  	[sflag:s23] =	ssyncset.done $0x0  }
0x70: {  	[sflag:s23] =	ssyncadd.s32 $0xFFFFE000  }
0x71: {  	s4 =	sand.u32 $0x1FF0, s0;
	v0 =	vld [tilespmem:s3+$0x0]  }
0x72: {  	v1 =	vld [tilespmem:s4+$0x6000];
	_ =	sdelay $0x4  }
0x73: {  	vm0 =	vgt.s32 v0, v1  }
0x74: {  	v2 =	vsel vm0, v1, v0  }
0x75: {  	v3 =	vsel vm0, v0, v1;
	v4 =	vshra.s32 v2, $0x7  }
0x76: {  	vm15 =	vlt.s32 v4, $0x40;
	v5 =	vsub.s32 $0x7F, v4;
	v6 =	vsub.s32 $0x0, v4  }
0x77: {  	v7 =	vshrl.u32 v3, $0x7;
	v4 =	vsel vm15, v4, v5;
	v61 =	vnsel vm15, $0x1, v6  }
0x78: {  	v5 =	vadd.s32 v7, v61;
	v4 =	vmul.u32 $0x102000, v4  }
0x79: {  	s5 =	sand.u32 $0x7, s0;
	v62 =	vshll.u32 v2, $0x7;
	v2 =	vxor.u32 $0xFFFFFFFF, v2;
	v5 =	vshll.u32 v5, $0xD  }
0x7a: {  	s29 =	sand.u32 $0x1F80, s0;
	s6 =	sshll.u32 s5, $0x4;
	v2 =	vshrl.u32 v2, $0x2;
	v63 =	vand.u32 $0x1F80, v62;
	v4 =	vadd.s32 v4, v5  }
0x7b: {  	s4 =	sor.u32 s6, s29;
	v3 =	vand.u32 $0x7F, v3;
	v2 =	vand.u32 $0x10, v2;
	v4 =	vor.u32 v63, v4  }
0x7c: {  	[tilespmem:s4+$0x16000] =	vst v2;
	v3 =	vor.u32 v3, v4  }
0x7d: {  	[tilespmem:s4+$0xA000] =	vst v3  }
0x7e: {  	v0 =	vld.idx.msk [tilespmem:v0+s1+$0x0], $0xffff  }
0x7f: {  	v1 =	vld.idx.msk [tilespmem:v1+s1+$0x0], $0xffff;
	_ =	sdelay $0x3  }
0x80: {  	s28 =	simm.s32 $0x1;
	p1 =	sne.s32 s5, $0x7  }
0x81: {  	s5 =	sor.u32 @!p1 $0xE000, s29;
	s31 =	simm.s32 @!p1 $0x80;
	s29 =	sor.u32 @!p1 $0xA000, s29;
	v0 =	vadd.f32 v1, v0  }
.LBB2_8:
0x82: {  	s0 =	sadd.s32 $0x10, s0  }
0x83: {  	[tilespmem:s4+$0x12000] =	vst v0;
	s3 =	sadd.s32 $0x10, s3;
	s4 =	smov.u32 s28;
	s28 =	sadd.s32 $0x1, s28  }
0x84: {  	[tilespmem:s5], [sflag:$0x1] =	stream.indirect.gather @!p1 [hbm4b:s2+s31], $0x1, s29, s31, $0xb8;
	[tilespmem:$0x1A000] =	vst v63  }
0x85: {  	s5 =	sand.u32 $0x1FF0, s0;
	p0 =	sne.s32 s28, $0x200;
	v0 =	vld [tilespmem:s3+$0x0]  }
0x86: {  	v1 =	vld [tilespmem:s5+$0x6000];
	_ =	sdelay $0x4  }
0x87: {  	vm0 =	vgt.s32 v0, v1  }
0x88: {  	v2 =	vsel vm0, v1, v0;
	v3 =	vsel vm0, v0, v1  }
0x89: {  	v4 =	vshra.s32 v2, $0x7;
	v5 =	vshll.u32 v2, $0x7;
	v2 =	vxor.u32 $0xFFFFFFFF, v2  }
0x8a: {  	vm0 =	vlt.s32 v4, $0x40;
	v6 =	vsub.s32 $0x7F, v4;
	v7 =	vsub.s32 $0x0, v4  }
0x8b: {  	v8 =	vshrl.u32 v3, $0x7;
	v4 =	vsel vm0, v4, v6;
	v6 =	vnsel vm0, $0x1, v7  }
0x8c: {  	v2 =	vshrl.u32 v2, $0x2;
	v6 =	vadd.s32 v8, v6;
	v4 =	vmul.u32 $0x102000, v4  }
0x8d: {  	s5 =	sand.u32 $0x7, s4;
	v2 =	vand.u32 $0x10, v2;
	v6 =	vshll.u32 v6, $0xD  }
0x8e: {  	s29 =	sand.u32 $0x1F80, s0;
	s4 =	sshll.u32 s5, $0x4;
	v5 =	vand.u32 $0x1F80, v5;
	v4 =	vadd.s32 v4, v6  }
0x8f: {  	s4 =	sor.u32 s4, s29;
	v3 =	vand.u32 $0x7F, v3;
	v4 =	vor.u32 v5, v4  }
0x90: {  	v3 =	vor.u32 v3, v4;
	[tilespmem:s4+$0x16000] =	vst v2  }
0x91: {  	[tilespmem:s4+$0xA000] =	vst v3  }
0x92: {  	v0 =	vld.idx.msk [tilespmem:v0+s1+$0x0], $0xffff  }
0x93: {  	v1 =	vld.idx.msk [tilespmem:v1+s1+$0x0], $0xffff;
	_ =	sdelay $0x2  }
.Ltmp3:
0x94: {  	(pc) =	sbr.rel @p0 .LBB2_8-.Ltmp3, $3  }
0x95: {  	_ =	sdelay $0x1  }
0x96: {  	p1 =	sne.s32 s5, $0x7;
	v0 =	vadd.f32 v1, v0  }
0x97: {  	s5 =	sor.u32 @!p1 $0xE000, s29;
	s29 =	sor.u32 @!p1 $0xA000, s29;
	s31 =	simm.s32 @!p1 $0x80  }
0x98: {  	[tilespmem:s4+$0x12000] =	vst v0;
	s0 =	simm.s32 $0x40  }
0x99: {  	[tilespmem:s5], [sflag:$0x1] =	stream.indirect.gather @!p1 [hbm4b:s2+s31], $0x1, s29, s31, $0xb8;
	[tilespmem:$0x1A000] =	vst v63  }
.LBB2_10:
0x9a: {  	p0 =	sne.s32 s0, $0x1  }
.Ltmp4:
0x9b: {  	_ = 	snop;
	(pc) =	sbr.rel @p0 .LBB2_10-.Ltmp4, $4  }
0x9c: {  	_ = 	snop  }
0x9d: {  	_ =	swait.ge [sflag:s25], $0x80  }
0x9e: {  	[sflag:s25] =	ssyncset.done $0x0  }
0x9f: {  	s0 =	sadd.s32 $0xFFFFFFFF, s0;
	[sflag:s25] =	ssyncadd.s32 $0xFFFFFF80  }
0xa0: {  	s0 =	simm.s32 $0x0  }
0xa1: {  	v0 =	vld [tilespmem:s0+$0xE000]  }
0xa2: {  	v1 =	vld [tilespmem:s0+$0x16000];
	_ =	sdelay $0x4  }
0xa3: {  	v0 =	vshll.u32 v0, v1;
	v1 =	vld [tilespmem:s0+$0x12000];
	_ =	sdelay $0x1  }
0xa4: {  	s3 =	simm.s32 $0x10;
	v2 =	vand.u32 $0xFFFF0000, v0  }
0xa5: {  	s4 =	simm.s32 $0x80;
	v0 =	vld [tilespmem:s3+$0xE000];
	v2 =	vadd.f32 v2, v2  }
.LBB2_12:
0xa6: {  	p0 =	sne.s32 s4, $0x7FC0;
	v3 =	vld [tilespmem:s3+$0x16000]  }
0xa7: {  	v1 =	vsub.f32 v1, v2;
	_ =	sdelay $0x1  }
.Ltmp5:
0xa8: {  	[tilespmem:s0+$0x12000] =	vst v1;
	s0 =	smov.u32 s3;
	(pc) =	sbr.rel @p0 .LBB2_12-.Ltmp5, $4  }
0xa9: {  	v1 =	vld [tilespmem:s0+$0x12000]  }
0xaa: {  	v0 =	vshll.u32 v0, v3  }
0xab: {  	s3 =	sshra.s32 s4, $0x2;
	v2 =	vand.u32 $0xFFFF0000, v0  }
0xac: {  	s4 =	sadd.s32 $0x40, s4;
	v0 =	vld [tilespmem:s3+$0xE000];
	v2 =	vadd.f32 v2, v2  }
0xad: {  	v3 =	vld [tilespmem:s3+$0x16000]  }
0xae: {  	v1 =	vsub.f32 v1, v2;
	_ =	sdelay $0x1  }
0xaf: {  	[tilespmem:s0+$0x12000] =	vst v1  }
0xb0: {  	v1 =	vld [tilespmem:s3+$0x12000]  }
0xb1: {  	v0 =	vshll.u32 v0, v3  }
0xb2: {  	v0 =	vand.u32 $0xFFFF0000, v0  }
0xb3: {  	v0 =	vadd.f32 v0, v0;
	_ =	sdelay $0x1  }
0xb4: {  	v0 =	vsub.f32 v1, v0;
	_ =	sdelay $0x1  }
0xb5: {  	s0 =	simm.s32 $0x0;
	[tilespmem:s3+$0x12000] =	vst v0  }
0xb6: {  	[hbm4b:s10+s0] =	stream.linear.scatter [tilespmem:s26], [sflag:$0x2], $0x2000, $0x38;
	[tilespmem:$0x1A000] =	vst v63  }
0xb7: {  	_ =	swait.ge [sflag:s23], $0x2000  }
0xb8: {  	[sflag:s23] =	ssyncset.done $0x0  }
0xb9: {  	s3 =	simm.s32 $0x4000;
	[sflag:s23] =	ssyncadd.s32 $0xFFFFE000  }
0xba: {  	[tilespmem:s3], [sflag:$0x2] =	stream.linear.gather [hbm4b:s11+s0], $0x2000, $0x38;
	[tilespmem:$0x1A000] =	vst v63  }
0xbb: {  	_ =	swait.ge [sflag:s23], $0x2000  }
0xbc: {  	[sflag:s23] =	ssyncset.done $0x0  }
0xbd: {  	[sflag:s23] =	ssyncadd.s32 $0xFFFFE000  }
0xbe: {  	[tilespmem:s24], [sflag:$0x2] =	stream.linear.gather [hbm4b:s12+s0], $0x2000, $0x38;
	[tilespmem:$0x1A000] =	vst v63  }
0xbf: {  	_ =	swait.ge [sflag:s23], $0x2000  }
0xc0: {  	[sflag:s23] =	ssyncset.done $0x0  }
0xc1: {  	[sflag:s23] =	ssyncadd.s32 $0xFFFFE000  }
0xc2: {  	s4 =	sand.u32 $0x1FF0, s0;
	v0 =	vld [tilespmem:s3+$0x0]  }
0xc3: {  	v1 =	vld [tilespmem:s4+$0x6000];
	_ =	sdelay $0x4  }
0xc4: {  	vm0 =	vgt.s32 v0, v1  }
0xc5: {  	v2 =	vsel vm0, v1, v0  }
0xc6: {  	v3 =	vsel vm0, v0, v1;
	v4 =	vshra.s32 v2, $0x7  }
0xc7: {  	vm15 =	vlt.s32 v4, $0x40;
	v5 =	vsub.s32 $0x7F, v4;
	v6 =	vsub.s32 $0x0, v4  }
0xc8: {  	v7 =	vshrl.u32 v3, $0x7;
	v4 =	vsel vm15, v4, v5;
	v61 =	vnsel vm15, $0x1, v6  }
0xc9: {  	v5 =	vadd.s32 v7, v61;
	v4 =	vmul.u32 $0x102000, v4  }
0xca: {  	s5 =	sand.u32 $0x7, s0;
	v62 =	vshll.u32 v2, $0x7;
	v2 =	vxor.u32 $0xFFFFFFFF, v2;
	v5 =	vshll.u32 v5, $0xD  }
0xcb: {  	s29 =	sand.u32 $0x1F80, s0;
	s6 =	sshll.u32 s5, $0x4;
	v2 =	vshrl.u32 v2, $0x2;
	v63 =	vand.u32 $0x1F80, v62;
	v4 =	vadd.s32 v4, v5  }
0xcc: {  	s4 =	sor.u32 s6, s29;
	v3 =	vand.u32 $0x7F, v3;
	v2 =	vand.u32 $0x10, v2;
	v4 =	vor.u32 v63, v4  }
0xcd: {  	[tilespmem:s4+$0x16000] =	vst v2;
	v3 =	vor.u32 v3, v4  }
0xce: {  	[tilespmem:s4+$0xA000] =	vst v3  }
0xcf: {  	v0 =	vld.idx.msk [tilespmem:v0+s1+$0x0], $0xffff  }
0xd0: {  	v1 =	vld.idx.msk [tilespmem:v1+s1+$0x0], $0xffff;
	_ =	sdelay $0x3  }
0xd1: {  	s28 =	simm.s32 $0x1;
	p1 =	sne.s32 s5, $0x7  }
0xd2: {  	s5 =	sor.u32 @!p1 $0xE000, s29;
	s31 =	simm.s32 @!p1 $0x80;
	s29 =	sor.u32 @!p1 $0xA000, s29;
	v0 =	vadd.f32 v1, v0  }
.LBB2_14:
0xd3: {  	s0 =	sadd.s32 $0x10, s0  }
0xd4: {  	[tilespmem:s4+$0x12000] =	vst v0;
	s3 =	sadd.s32 $0x10, s3;
	s4 =	smov.u32 s28;
	s28 =	sadd.s32 $0x1, s28  }
0xd5: {  	[tilespmem:s5], [sflag:$0x1] =	stream.indirect.gather @!p1 [hbm4b:s2+s31], $0x1, s29, s31, $0xb8;
	[tilespmem:$0x1A000] =	vst v63  }
0xd6: {  	s5 =	sand.u32 $0x1FF0, s0;
	p0 =	sne.s32 s28, $0x200;
	v0 =	vld [tilespmem:s3+$0x0]  }
0xd7: {  	v1 =	vld [tilespmem:s5+$0x6000];
	_ =	sdelay $0x4  }
0xd8: {  	vm0 =	vgt.s32 v0, v1  }
0xd9: {  	v2 =	vsel vm0, v1, v0;
	v3 =	vsel vm0, v0, v1  }
0xda: {  	v4 =	vshra.s32 v2, $0x7;
	v5 =	vshll.u32 v2, $0x7;
	v2 =	vxor.u32 $0xFFFFFFFF, v2  }
0xdb: {  	vm0 =	vlt.s32 v4, $0x40;
	v6 =	vsub.s32 $0x7F, v4;
	v7 =	vsub.s32 $0x0, v4  }
0xdc: {  	v8 =	vshrl.u32 v3, $0x7;
	v4 =	vsel vm0, v4, v6;
	v6 =	vnsel vm0, $0x1, v7  }
0xdd: {  	v2 =	vshrl.u32 v2, $0x2;
	v6 =	vadd.s32 v8, v6;
	v4 =	vmul.u32 $0x102000, v4  }
0xde: {  	s5 =	sand.u32 $0x7, s4;
	v2 =	vand.u32 $0x10, v2;
	v6 =	vshll.u32 v6, $0xD  }
0xdf: {  	s29 =	sand.u32 $0x1F80, s0;
	s4 =	sshll.u32 s5, $0x4;
	v5 =	vand.u32 $0x1F80, v5;
	v4 =	vadd.s32 v4, v6  }
0xe0: {  	s4 =	sor.u32 s4, s29;
	v3 =	vand.u32 $0x7F, v3;
	v4 =	vor.u32 v5, v4  }
0xe1: {  	v3 =	vor.u32 v3, v4;
	[tilespmem:s4+$0x16000] =	vst v2  }
0xe2: {  	[tilespmem:s4+$0xA000] =	vst v3  }
0xe3: {  	v0 =	vld.idx.msk [tilespmem:v0+s1+$0x0], $0xffff  }
0xe4: {  	v1 =	vld.idx.msk [tilespmem:v1+s1+$0x0], $0xffff;
	_ =	sdelay $0x2  }
.Ltmp6:
0xe5: {  	(pc) =	sbr.rel @p0 .LBB2_14-.Ltmp6, $3  }
0xe6: {  	_ =	sdelay $0x1  }
0xe7: {  	p1 =	sne.s32 s5, $0x7;
	v0 =	vadd.f32 v1, v0  }
0xe8: {  	s5 =	sor.u32 @!p1 $0xE000, s29;
	s29 =	sor.u32 @!p1 $0xA000, s29;
	s31 =	simm.s32 @!p1 $0x80  }
0xe9: {  	[tilespmem:s4+$0x12000] =	vst v0;
	s0 =	simm.s32 $0x40  }
0xea: {  	[tilespmem:s5], [sflag:$0x1] =	stream.indirect.gather @!p1 [hbm4b:s2+s31], $0x1, s29, s31, $0xb8;
	[tilespmem:$0x1A000] =	vst v63  }
.LBB2_16:
0xeb: {  	p0 =	sne.s32 s0, $0x1  }
.Ltmp7:
0xec: {  	_ = 	snop;
	(pc) =	sbr.rel @p0 .LBB2_16-.Ltmp7, $4  }
0xed: {  	_ = 	snop  }
0xee: {  	_ =	swait.ge [sflag:s25], $0x80  }
0xef: {  	[sflag:s25] =	ssyncset.done $0x0  }
0xf0: {  	s0 =	sadd.s32 $0xFFFFFFFF, s0;
	[sflag:s25] =	ssyncadd.s32 $0xFFFFFF80  }
0xf1: {  	s0 =	simm.s32 $0x0  }
0xf2: {  	v0 =	vld [tilespmem:s0+$0xE000]  }
0xf3: {  	v1 =	vld [tilespmem:s0+$0x16000];
	_ =	sdelay $0x4  }
0xf4: {  	v0 =	vshll.u32 v0, v1;
	v1 =	vld [tilespmem:s0+$0x12000];
	_ =	sdelay $0x1  }
0xf5: {  	s3 =	simm.s32 $0x10;
	v2 =	vand.u32 $0xFFFF0000, v0  }
0xf6: {  	s4 =	simm.s32 $0x80;
	v0 =	vld [tilespmem:s3+$0xE000];
	v2 =	vadd.f32 v2, v2  }
.LBB2_18:
0xf7: {  	p0 =	sne.s32 s4, $0x7FC0;
	v3 =	vld [tilespmem:s3+$0x16000]  }
0xf8: {  	v1 =	vsub.f32 v1, v2;
	_ =	sdelay $0x1  }
.Ltmp8:
0xf9: {  	[tilespmem:s0+$0x12000] =	vst v1;
	s0 =	smov.u32 s3;
	(pc) =	sbr.rel @p0 .LBB2_18-.Ltmp8, $4  }
0xfa: {  	v1 =	vld [tilespmem:s0+$0x12000]  }
0xfb: {  	v0 =	vshll.u32 v0, v3  }
0xfc: {  	s3 =	sshra.s32 s4, $0x2;
	v2 =	vand.u32 $0xFFFF0000, v0  }
0xfd: {  	s4 =	sadd.s32 $0x40, s4;
	v0 =	vld [tilespmem:s3+$0xE000];
	v2 =	vadd.f32 v2, v2  }
0xfe: {  	v3 =	vld [tilespmem:s3+$0x16000]  }
0xff: {  	v1 =	vsub.f32 v1, v2;
	_ =	sdelay $0x1  }
0x100: {  	[tilespmem:s0+$0x12000] =	vst v1  }
0x101: {  	v1 =	vld [tilespmem:s3+$0x12000]  }
0x102: {  	v0 =	vshll.u32 v0, v3  }
0x103: {  	v0 =	vand.u32 $0xFFFF0000, v0  }
0x104: {  	v0 =	vadd.f32 v0, v0;
	_ =	sdelay $0x1  }
0x105: {  	v0 =	vsub.f32 v1, v0;
	_ =	sdelay $0x1  }
0x106: {  	s0 =	simm.s32 $0x0;
	[tilespmem:s3+$0x12000] =	vst v0  }
0x107: {  	[hbm4b:s13+s0] =	stream.linear.scatter [tilespmem:s26], [sflag:$0x2], $0x2000, $0x38;
	[tilespmem:$0x1A000] =	vst v63  }
0x108: {  	_ =	swait.ge [sflag:s23], $0x2000  }
0x109: {  	[sflag:s23] =	ssyncset.done $0x0  }
0x10a: {  	s3 =	simm.s32 $0x4000;
	[sflag:s23] =	ssyncadd.s32 $0xFFFFE000  }
0x10b: {  	[tilespmem:s3], [sflag:$0x2] =	stream.linear.gather [hbm4b:s14+s0], $0x2000, $0x38;
	[tilespmem:$0x1A000] =	vst v63  }
0x10c: {  	_ =	swait.ge [sflag:s23], $0x2000  }
0x10d: {  	[sflag:s23] =	ssyncset.done $0x0  }
0x10e: {  	[sflag:s23] =	ssyncadd.s32 $0xFFFFE000  }
0x10f: {  	[tilespmem:s24], [sflag:$0x2] =	stream.linear.gather [hbm4b:s15+s0], $0x2000, $0x38;
	[tilespmem:$0x1A000] =	vst v63  }
0x110: {  	_ =	swait.ge [sflag:s23], $0x2000  }
0x111: {  	[sflag:s23] =	ssyncset.done $0x0  }
0x112: {  	[sflag:s23] =	ssyncadd.s32 $0xFFFFE000  }
0x113: {  	s4 =	sand.u32 $0x1FF0, s0;
	v0 =	vld [tilespmem:s3+$0x0]  }
0x114: {  	v1 =	vld [tilespmem:s4+$0x6000];
	_ =	sdelay $0x4  }
0x115: {  	vm0 =	vgt.s32 v0, v1  }
0x116: {  	v2 =	vsel vm0, v1, v0  }
0x117: {  	v3 =	vsel vm0, v0, v1;
	v4 =	vshra.s32 v2, $0x7  }
0x118: {  	vm15 =	vlt.s32 v4, $0x40;
	v5 =	vsub.s32 $0x7F, v4;
	v6 =	vsub.s32 $0x0, v4  }
0x119: {  	v7 =	vshrl.u32 v3, $0x7;
	v4 =	vsel vm15, v4, v5;
	v61 =	vnsel vm15, $0x1, v6  }
0x11a: {  	v5 =	vadd.s32 v7, v61;
	v4 =	vmul.u32 $0x102000, v4  }
0x11b: {  	s5 =	sand.u32 $0x7, s0;
	v62 =	vshll.u32 v2, $0x7;
	v2 =	vxor.u32 $0xFFFFFFFF, v2;
	v5 =	vshll.u32 v5, $0xD  }
0x11c: {  	s29 =	sand.u32 $0x1F80, s0;
	s6 =	sshll.u32 s5, $0x4;
	v2 =	vshrl.u32 v2, $0x2;
	v63 =	vand.u32 $0x1F80, v62;
	v4 =	vadd.s32 v4, v5  }
0x11d: {  	s4 =	sor.u32 s6, s29;
	v3 =	vand.u32 $0x7F, v3;
	v2 =	vand.u32 $0x10, v2;
	v4 =	vor.u32 v63, v4  }
0x11e: {  	[tilespmem:s4+$0x16000] =	vst v2;
	v3 =	vor.u32 v3, v4  }
0x11f: {  	[tilespmem:s4+$0xA000] =	vst v3  }
0x120: {  	v0 =	vld.idx.msk [tilespmem:v0+s1+$0x0], $0xffff  }
0x121: {  	v1 =	vld.idx.msk [tilespmem:v1+s1+$0x0], $0xffff;
	_ =	sdelay $0x3  }
0x122: {  	s28 =	simm.s32 $0x1;
	p1 =	sne.s32 s5, $0x7  }
0x123: {  	s5 =	sor.u32 @!p1 $0xE000, s29;
	s31 =	simm.s32 @!p1 $0x80;
	s29 =	sor.u32 @!p1 $0xA000, s29;
	v0 =	vadd.f32 v1, v0  }
.LBB2_20:
0x124: {  	s0 =	sadd.s32 $0x10, s0  }
0x125: {  	[tilespmem:s4+$0x12000] =	vst v0;
	s3 =	sadd.s32 $0x10, s3;
	s4 =	smov.u32 s28;
	s28 =	sadd.s32 $0x1, s28  }
0x126: {  	[tilespmem:s5], [sflag:$0x1] =	stream.indirect.gather @!p1 [hbm4b:s2+s31], $0x1, s29, s31, $0xb8;
	[tilespmem:$0x1A000] =	vst v63  }
0x127: {  	s5 =	sand.u32 $0x1FF0, s0;
	p0 =	sne.s32 s28, $0x200;
	v0 =	vld [tilespmem:s3+$0x0]  }
0x128: {  	v1 =	vld [tilespmem:s5+$0x6000];
	_ =	sdelay $0x4  }
0x129: {  	vm0 =	vgt.s32 v0, v1  }
0x12a: {  	v2 =	vsel vm0, v1, v0;
	v3 =	vsel vm0, v0, v1  }
0x12b: {  	v4 =	vshra.s32 v2, $0x7;
	v5 =	vshll.u32 v2, $0x7;
	v2 =	vxor.u32 $0xFFFFFFFF, v2  }
0x12c: {  	vm0 =	vlt.s32 v4, $0x40;
	v6 =	vsub.s32 $0x7F, v4;
	v7 =	vsub.s32 $0x0, v4  }
0x12d: {  	v8 =	vshrl.u32 v3, $0x7;
	v4 =	vsel vm0, v4, v6;
	v6 =	vnsel vm0, $0x1, v7  }
0x12e: {  	v2 =	vshrl.u32 v2, $0x2;
	v6 =	vadd.s32 v8, v6;
	v4 =	vmul.u32 $0x102000, v4  }
0x12f: {  	s5 =	sand.u32 $0x7, s4;
	v2 =	vand.u32 $0x10, v2;
	v6 =	vshll.u32 v6, $0xD  }
0x130: {  	s29 =	sand.u32 $0x1F80, s0;
	s4 =	sshll.u32 s5, $0x4;
	v5 =	vand.u32 $0x1F80, v5;
	v4 =	vadd.s32 v4, v6  }
0x131: {  	s4 =	sor.u32 s4, s29;
	v3 =	vand.u32 $0x7F, v3;
	v4 =	vor.u32 v5, v4  }
0x132: {  	v3 =	vor.u32 v3, v4;
	[tilespmem:s4+$0x16000] =	vst v2  }
0x133: {  	[tilespmem:s4+$0xA000] =	vst v3  }
0x134: {  	v0 =	vld.idx.msk [tilespmem:v0+s1+$0x0], $0xffff  }
0x135: {  	v1 =	vld.idx.msk [tilespmem:v1+s1+$0x0], $0xffff;
	_ =	sdelay $0x2  }
.Ltmp9:
0x136: {  	(pc) =	sbr.rel @p0 .LBB2_20-.Ltmp9, $3  }
0x137: {  	_ =	sdelay $0x1  }
0x138: {  	p1 =	sne.s32 s5, $0x7;
	v0 =	vadd.f32 v1, v0  }
0x139: {  	s5 =	sor.u32 @!p1 $0xE000, s29;
	s29 =	sor.u32 @!p1 $0xA000, s29;
	s31 =	simm.s32 @!p1 $0x80  }
0x13a: {  	[tilespmem:s4+$0x12000] =	vst v0;
	s0 =	simm.s32 $0x40  }
0x13b: {  	[tilespmem:s5], [sflag:$0x1] =	stream.indirect.gather @!p1 [hbm4b:s2+s31], $0x1, s29, s31, $0xb8;
	[tilespmem:$0x1A000] =	vst v63  }
.LBB2_22:
0x13c: {  	p0 =	sne.s32 s0, $0x1  }
.Ltmp10:
0x13d: {  	_ = 	snop;
	(pc) =	sbr.rel @p0 .LBB2_22-.Ltmp10, $4  }
0x13e: {  	_ = 	snop  }
0x13f: {  	_ =	swait.ge [sflag:s25], $0x80  }
0x140: {  	[sflag:s25] =	ssyncset.done $0x0  }
0x141: {  	s0 =	sadd.s32 $0xFFFFFFFF, s0;
	[sflag:s25] =	ssyncadd.s32 $0xFFFFFF80  }
0x142: {  	s0 =	simm.s32 $0x0  }
0x143: {  	v0 =	vld [tilespmem:s0+$0xE000]  }
0x144: {  	v1 =	vld [tilespmem:s0+$0x16000];
	_ =	sdelay $0x4  }
0x145: {  	v0 =	vshll.u32 v0, v1;
	v1 =	vld [tilespmem:s0+$0x12000];
	_ =	sdelay $0x1  }
0x146: {  	s3 =	simm.s32 $0x10;
	v2 =	vand.u32 $0xFFFF0000, v0  }
0x147: {  	s4 =	simm.s32 $0x80;
	v0 =	vld [tilespmem:s3+$0xE000];
	v2 =	vadd.f32 v2, v2  }
.LBB2_24:
0x148: {  	p0 =	sne.s32 s4, $0x7FC0;
	v3 =	vld [tilespmem:s3+$0x16000]  }
0x149: {  	v1 =	vsub.f32 v1, v2;
	_ =	sdelay $0x1  }
.Ltmp11:
0x14a: {  	[tilespmem:s0+$0x12000] =	vst v1;
	s0 =	smov.u32 s3;
	(pc) =	sbr.rel @p0 .LBB2_24-.Ltmp11, $4  }
0x14b: {  	v1 =	vld [tilespmem:s0+$0x12000]  }
0x14c: {  	v0 =	vshll.u32 v0, v3  }
0x14d: {  	s3 =	sshra.s32 s4, $0x2;
	v2 =	vand.u32 $0xFFFF0000, v0  }
0x14e: {  	s4 =	sadd.s32 $0x40, s4;
	v0 =	vld [tilespmem:s3+$0xE000];
	v2 =	vadd.f32 v2, v2  }
0x14f: {  	v3 =	vld [tilespmem:s3+$0x16000]  }
0x150: {  	v1 =	vsub.f32 v1, v2;
	_ =	sdelay $0x1  }
0x151: {  	[tilespmem:s0+$0x12000] =	vst v1  }
0x152: {  	v1 =	vld [tilespmem:s3+$0x12000]  }
0x153: {  	v0 =	vshll.u32 v0, v3  }
0x154: {  	v0 =	vand.u32 $0xFFFF0000, v0  }
0x155: {  	v0 =	vadd.f32 v0, v0;
	_ =	sdelay $0x1  }
0x156: {  	v0 =	vsub.f32 v1, v0;
	_ =	sdelay $0x1  }
0x157: {  	s31 =	simm.s32 $0x0;
	[tilespmem:s3+$0x12000] =	vst v0  }
0x158: {  	[hbm4b:s16+s31] =	stream.linear.scatter [tilespmem:s26], [sflag:$0x2], $0x2000, $0x38;
	[tilespmem:$0x1A000] =	vst v63  }
0x159: {  	_ =	swait.ge [sflag:s23], $0x2000  }
0x15a: {  	[sflag:s23] =	ssyncset.done $0x0  }
0x15b: {  	s0 =	simm.s32 $0x4000;
	[sflag:s23] =	ssyncadd.s32 $0xFFFFE000  }
0x15c: {  	[tilespmem:s0], [sflag:$0x2] =	stream.linear.gather [hbm4b:s17+s31], $0x2000, $0x38;
	[tilespmem:$0x1A000] =	vst v63  }
0x15d: {  	_ =	swait.ge [sflag:s23], $0x2000  }
0x15e: {  	[sflag:s23] =	ssyncset.done $0x0  }
0x15f: {  	[sflag:s23] =	ssyncadd.s32 $0xFFFFE000  }
0x160: {  	[tilespmem:s24], [sflag:$0x2] =	stream.linear.gather [hbm4b:s18+s31], $0x2000, $0x38;
	[tilespmem:$0x1A000] =	vst v63  }
0x161: {  	_ =	swait.ge [sflag:s23], $0x2000  }
0x162: {  	[sflag:s23] =	ssyncset.done $0x0  }
0x163: {  	s4 =	simm.s32 $0x8000;
	[sflag:s23] =	ssyncadd.s32 $0xFFFFE000  }
0x164: {  	[tilespmem:s4], [sflag:$0x2] =	stream.linear.gather [hbm4b:s19+s31], $0x2000, $0x38;
	[tilespmem:$0x1A000] =	vst v63  }
0x165: {  	_ =	swait.ge [sflag:s23], $0x2000  }
0x166: {  	[sflag:s23] =	ssyncset.done $0x0  }
0x167: {  	[sflag:s23] =	ssyncadd.s32 $0xFFFFE000  }
0x168: {  	s5 =	sand.u32 $0x1FF0, s31;
	v0 =	vld [tilespmem:s0+$0x0]  }
0x169: {  	v1 =	vld [tilespmem:s5+$0x6000]  }
0x16a: {  	v2 =	vld [tilespmem:s5+$0x8000];
	_ =	sdelay $0x3  }
0x16b: {  	vm0 =	vgt.s32 v0, v1  }
0x16c: {  	vm13 =	vgt.s32 v0, v2;
	v3 =	vsel vm0, v1, v0;
	v4 =	vsel vm0, v0, v1  }
0x16d: {  	v6 =	vsel vm13, v2, v0;
	v7 =	vsel vm13, v0, v2;
	v5 =	vxor.u32 $0xFFFFFFFF, v3  }
0x16e: {  	v8 =	vshra.s32 v3, $0x7;
	v9 =	vshra.s32 v6, $0x7;
	v10 =	vshrl.u32 v7, $0x7  }
0x16f: {  	v12 =	vxor.u32 $0xFFFFFFFF, v6;
	v7 =	vand.u32 $0x7F, v7;
	v6 =	vshll.u32 v6, $0x7  }
0x170: {  	v58 =	vshrl.u32 v4, $0x7;
	v3 =	vshll.u32 v3, $0x7;
	vm14 =	vlt.s32 v9, $0x40  }
0x171: {  	v11 =	vsub.s32 $0x7F, v9;
	vm15 =	vlt.s32 v8, $0x40;
	v13 =	vsub.s32 $0x7F, v8  }
0x172: {  	v6 =	vand.u32 $0x1F80, v6;
	v3 =	vand.u32 $0x1F80, v3;
	v61 =	vshrl.u32 v12, $0x2  }
0x173: {  	v5 =	vshrl.u32 v5, $0x2;
	v11 =	vsel vm14, v9, v11;
	v9 =	vsub.s32 $0x0, v9  }
0x174: {  	v13 =	vsel vm15, v8, v13;
	v8 =	vsub.s32 $0x0, v8;
	v9 =	vnsel vm14, $0x1, v9  }
0x175: {  	s29 =	sand.u32 $0x7, s31;
	v11 =	vmul.u32 $0x102000, v11;
	v8 =	vnsel vm15, $0x1, v8;
	v9 =	vadd.s32 v10, v9  }
0x176: {  	s28 =	sand.u32 $0x1F80, s31;
	s6 =	sshll.u32 s29, $0x4;
	v59 =	vmul.u32 $0x102000, v13;
	v8 =	vadd.s32 v58, v8;
	v9 =	vshll.u32 v9, $0xD  }
0x177: {  	s4 =	sor.u32 s6, s28;
	v63 =	vand.u32 $0x10, v61;
	v60 =	vshll.u32 v8, $0xD;
	v9 =	vadd.s32 v11, v9  }
0x178: {  	v5 =	vand.u32 $0x10, v5;
	[tilespmem:s4+$0x18000] =	vst v63;
	v62 =	vadd.s32 v59, v60;
	v6 =	vor.u32 v6, v9  }
0x179: {  	v4 =	vand.u32 $0x7F, v4;
	[tilespmem:s4+$0x16000] =	vst v5;
	v3 =	vor.u32 v3, v62;
	v6 =	vor.u32 v7, v6  }
0x17a: {  	v3 =	vor.u32 v4, v3;
	[tilespmem:s4+$0xC000] =	vst v6  }
0x17b: {  	[tilespmem:s4+$0xA000] =	vst v3  }
0x17c: {  	v0 =	vld.idx.msk [tilespmem:v0+s1+$0x0], $0xffff  }
0x17d: {  	v1 =	vld.idx.msk [tilespmem:v1+s1+$0x0], $0xffff;
	_ =	sdelay $0x4  }
0x17e: {  	v1 =	vadd.f32 v1, v0;
	_ =	sdelay $0x1  }
0x17f: {  	[tilespmem:s4+$0x12000] =	vst v1  }
0x180: {  	s3 =	simm.s32 $0x1;
	v1 =	vld.idx.msk [tilespmem:v2+s1+$0x0], $0xffff  }
.LBB2_26:
0x181: {  	s31 =	sadd.s32 $0x10, s31  }
0x182: {  	s0 =	sadd.s32 $0x10, s0;
	s5 =	smov.u32 s3;
	s3 =	sadd.s32 $0x1, s3  }
0x183: {  	p0 =	sne.s32 s3, $0x200;
	_ =	sdelay $0x1  }
0x184: {  	v0 =	vadd.f32 v1, v0  }
0x185: {  	p1 =	sne.s32 s29, $0x7  }
0x186: {  	s29 =	sor.u32 @!p1 $0xA000, s28;
	s6 =	simm.s32 @!p1 $0x80;
	[tilespmem:s4+$0x14000] =	vst v0;
	s4 =	sor.u32 @!p1 $0xE000, s28  }
0x187: {  	[tilespmem:s4], [sflag:$0x1] =	stream.indirect.gather @!p1 [hbm4b:s2+s6], $0x1, s29, s6, $0xb8;
	[tilespmem:$0x1A000] =	vst v63  }
0x188: {  	s4 =	sor.u32 @!p1 $0x10000, s28;
	s28 =	sor.u32 @!p1 $0xC000, s28  }
0x189: {  	[tilespmem:s4], [sflag:$0x1] =	stream.indirect.gather @!p1 [hbm4b:s2+s6], $0x1, s28, s6, $0xb8;
	[tilespmem:$0x1A000] =	vst v63  }
0x18a: {  	s4 =	sand.u32 $0x1FF0, s31;
	v0 =	vld [tilespmem:s0+$0x0]  }
0x18b: {  	v1 =	vld [tilespmem:s4+$0x6000]  }
0x18c: {  	v2 =	vld [tilespmem:s4+$0x8000];
	_ =	sdelay $0x3  }
0x18d: {  	vm0 =	vgt.s32 v0, v1  }
0x18e: {  	v3 =	vsel vm0, v1, v0;
	v4 =	vsel vm0, v0, v1;
	vm0 =	vgt.s32 v0, v2  }
0x18f: {  	v5 =	vxor.u32 $0xFFFFFFFF, v3;
	v6 =	vsel vm0, v2, v0;
	v7 =	vsel vm0, v0, v2  }
0x190: {  	v8 =	vshra.s32 v3, $0x7;
	v9 =	vshra.s32 v6, $0x7;
	v10 =	vshrl.u32 v7, $0x7  }
0x191: {  	v12 =	vxor.u32 $0xFFFFFFFF, v6;
	vm0 =	vlt.s32 v9, $0x40;
	v11 =	vsub.s32 $0x7F, v9  }
0x192: {  	v7 =	vand.u32 $0x7F, v7;
	v11 =	vsel vm0, v9, v11;
	v9 =	vsub.s32 $0x0, v9  }
0x193: {  	v6 =	vshll.u32 v6, $0x7;
	v9 =	vnsel vm0, $0x1, v9;
	v11 =	vmul.u32 $0x102000, v11  }
0x194: {  	v13 =	vsub.s32 $0x7F, v8;
	vm0 =	vlt.s32 v8, $0x40;
	v9 =	vadd.s32 v10, v9  }
0x195: {  	v10 =	vshrl.u32 v4, $0x7;
	v13 =	vsel vm0, v8, v13;
	v9 =	vshll.u32 v9, $0xD  }
0x196: {  	s29 =	sand.u32 $0x7, s5;
	v6 =	vand.u32 $0x1F80, v6;
	v8 =	vsub.s32 $0x0, v8;
	v9 =	vadd.s32 v11, v9  }
0x197: {  	s28 =	sand.u32 $0x1F80, s31;
	s4 =	sshll.u32 s29, $0x4;
	v8 =	vnsel vm0, $0x1, v8;
	v11 =	vmul.u32 $0x102000, v13;
	v6 =	vor.u32 v6, v9  }
0x198: {  	s4 =	sor.u32 s4, s28;
	v3 =	vshll.u32 v3, $0x7;
	v8 =	vadd.s32 v10, v8;
	v6 =	vor.u32 v7, v6  }
0x199: {  	v3 =	vand.u32 $0x1F80, v3;
	v7 =	vshll.u32 v8, $0xD;
	v8 =	vshrl.u32 v12, $0x2;
	[tilespmem:s4+$0xC000] =	vst v6  }
0x19a: {  	v5 =	vshrl.u32 v5, $0x2;
	v6 =	vadd.s32 v11, v7;
	v7 =	vand.u32 $0x10, v8  }
0x19b: {  	v5 =	vand.u32 $0x10, v5;
	v4 =	vand.u32 $0x7F, v4;
	v3 =	vor.u32 v3, v6;
	[tilespmem:s4+$0x18000] =	vst v7  }
0x19c: {  	v3 =	vor.u32 v4, v3;
	[tilespmem:s4+$0x16000] =	vst v5  }
0x19d: {  	[tilespmem:s4+$0xA000] =	vst v3  }
0x19e: {  	v0 =	vld.idx.msk [tilespmem:v0+s1+$0x0], $0xffff  }
0x19f: {  	v1 =	vld.idx.msk [tilespmem:v1+s1+$0x0], $0xffff;
	_ =	sdelay $0x5  }
0x1a0: {  	v1 =	vadd.f32 v1, v0  }
.Ltmp12:
0x1a1: {  	(pc) =	sbr.rel @p0 .LBB2_26-.Ltmp12, $2  }
0x1a2: {  	[tilespmem:s4+$0x12000] =	vst v1  }
0x1a3: {  	v1 =	vld.idx.msk [tilespmem:v2+s1+$0x0], $0xffff;
	_ =	sdelay $0x2  }
0x1a4: {  	_ =	sdelay $0x1  }
0x1a5: {  	v0 =	vadd.f32 v1, v0  }
0x1a6: {  	p0 =	sne.s32 s29, $0x7  }
0x1a7: {  	s0 =	sor.u32 @!p0 $0xE000, s28;
	s3 =	sor.u32 @!p0 $0xA000, s28;
	[tilespmem:s4+$0x14000] =	vst v0;
	s4 =	simm.s32 @!p0 $0x80  }
0x1a8: {  	[tilespmem:s0], [sflag:$0x1] =	stream.indirect.gather @!p0 [hbm4b:s2+s4], $0x1, s3, s4, $0xb8;
	[tilespmem:$0x1A000] =	vst v63  }
0x1a9: {  	s0 =	sor.u32 @!p0 $0x10000, s28;
	s3 =	sor.u32 @!p0 $0xC000, s28  }
0x1aa: {  	[tilespmem:s0], [sflag:$0x1] =	stream.indirect.gather @!p0 [hbm4b:s2+s4], $0x1, s3, s4, $0xb8;
	[tilespmem:$0x1A000] =	vst v63  }
0x1ab: {  	_ =	swait.ge [sflag:s25], $0x80  }
0x1ac: {  	s0 =	simm.s32 $0x3F;
	[sflag:s25] =	ssyncset.done $0x0  }
.LBB2_28:
0x1ad: {  	p0 =	sne.s32 s0, $0x1;
	s0 =	sadd.s32 $0xFFFFFFFF, s0;
	[sflag:s25] =	ssyncadd.s32 $0xFFFFFF80  }
.Ltmp13:
0x1ae: {  	(pc) =	sbr.rel @p0 .LBB2_28-.Ltmp13, $3  }
0x1af: {  	_ =	sdelay $0x1  }
0x1b0: {  	_ =	swait.ge [sflag:s25], $0x80  }
0x1b1: {  	[sflag:s25] =	ssyncset.done $0x0  }
0x1b2: {  	[sflag:s25] =	ssyncadd.s32 $0xFFFFFF80  }
0x1b3: {  	_ =	swait.ge [sflag:s25], $0x80  }
0x1b4: {  	s0 =	simm.s32 $0x3F;
	[sflag:s25] =	ssyncset.done $0x0  }
.LBB2_30:
0x1b5: {  	p0 =	sne.s32 s0, $0x1;
	s0 =	sadd.s32 $0xFFFFFFFF, s0;
	[sflag:s25] =	ssyncadd.s32 $0xFFFFFF80  }
.Ltmp14:
0x1b6: {  	(pc) =	sbr.rel @p0 .LBB2_30-.Ltmp14, $3  }
0x1b7: {  	_ =	sdelay $0x1  }
0x1b8: {  	_ =	swait.ge [sflag:s25], $0x80  }
0x1b9: {  	[sflag:s25] =	ssyncset.done $0x0  }
0x1ba: {  	[sflag:s25] =	ssyncadd.s32 $0xFFFFFF80;
	s0 =	simm.s32 $0x0  }
0x1bb: {  	v0 =	vld [tilespmem:s0+$0xE000]  }
0x1bc: {  	v1 =	vld [tilespmem:s0+$0x16000];
	_ =	sdelay $0x4  }
0x1bd: {  	v0 =	vshll.u32 v0, v1;
	v1 =	vld [tilespmem:s0+$0x12000];
	_ =	sdelay $0x1  }
0x1be: {  	s3 =	simm.s32 $0x10;
	v2 =	vand.u32 $0xFFFF0000, v0  }
0x1bf: {  	s5 =	simm.s32 $0x80;
	s4 =	simm.s32 $0x0;
	v0 =	vld [tilespmem:s3+$0xE000];
	v2 =	vadd.f32 v2, v2  }
.LBB2_32:
0x1c0: {  	p0 =	sne.s32 s5, $0x7FC0;
	v3 =	vld [tilespmem:s3+$0x16000]  }
0x1c1: {  	v1 =	vsub.f32 v1, v2;
	_ =	sdelay $0x1  }
.Ltmp15:
0x1c2: {  	[tilespmem:s4+$0x12000] =	vst v1;
	s4 =	smov.u32 s3;
	(pc) =	sbr.rel @p0 .LBB2_32-.Ltmp15, $4  }
0x1c3: {  	v1 =	vld [tilespmem:s4+$0x12000]  }
0x1c4: {  	v0 =	vshll.u32 v0, v3  }
0x1c5: {  	s3 =	sshra.s32 s5, $0x2;
	v2 =	vand.u32 $0xFFFF0000, v0  }
0x1c6: {  	s5 =	sadd.s32 $0x40, s5;
	v0 =	vld [tilespmem:s3+$0xE000];
	v2 =	vadd.f32 v2, v2  }
0x1c7: {  	v3 =	vld [tilespmem:s3+$0x16000]  }
0x1c8: {  	v1 =	vsub.f32 v1, v2;
	_ =	sdelay $0x1  }
0x1c9: {  	[tilespmem:s4+$0x12000] =	vst v1  }
0x1ca: {  	v1 =	vld [tilespmem:s3+$0x12000]  }
0x1cb: {  	v0 =	vshll.u32 v0, v3  }
0x1cc: {  	v0 =	vand.u32 $0xFFFF0000, v0  }
0x1cd: {  	v0 =	vadd.f32 v0, v0;
	_ =	sdelay $0x1  }
0x1ce: {  	v0 =	vsub.f32 v1, v0;
	_ =	sdelay $0x1  }
0x1cf: {  	[tilespmem:s3+$0x12000] =	vst v0  }
0x1d0: {  	v0 =	vld [tilespmem:s0+$0x10000]  }
0x1d1: {  	v1 =	vld [tilespmem:s0+$0x18000];
	_ =	sdelay $0x4  }
0x1d2: {  	v0 =	vshll.u32 v0, v1;
	v1 =	vld [tilespmem:s0+$0x14000];
	_ =	sdelay $0x1  }
0x1d3: {  	s3 =	simm.s32 $0x10;
	v2 =	vand.u32 $0xFFFF0000, v0  }
0x1d4: {  	s4 =	simm.s32 $0x80;
	v0 =	vld [tilespmem:s3+$0x10000];
	v2 =	vadd.f32 v2, v2  }
.LBB2_34:
0x1d5: {  	p0 =	sne.s32 s4, $0x7FC0;
	v3 =	vld [tilespmem:s3+$0x18000]  }
0x1d6: {  	v1 =	vsub.f32 v1, v2;
	_ =	sdelay $0x1  }
.Ltmp16:
0x1d7: {  	[tilespmem:s0+$0x14000] =	vst v1;
	s0 =	smov.u32 s3;
	(pc) =	sbr.rel @p0 .LBB2_34-.Ltmp16, $4  }
0x1d8: {  	v1 =	vld [tilespmem:s0+$0x14000]  }
0x1d9: {  	v0 =	vshll.u32 v0, v3  }
0x1da: {  	s3 =	sshra.s32 s4, $0x2;
	v2 =	vand.u32 $0xFFFF0000, v0  }
0x1db: {  	s4 =	sadd.s32 $0x40, s4;
	v0 =	vld [tilespmem:s3+$0x10000];
	v2 =	vadd.f32 v2, v2  }
0x1dc: {  	v3 =	vld [tilespmem:s3+$0x18000]  }
0x1dd: {  	v1 =	vsub.f32 v1, v2;
	_ =	sdelay $0x1  }
0x1de: {  	[tilespmem:s0+$0x14000] =	vst v1  }
0x1df: {  	v1 =	vld [tilespmem:s3+$0x14000]  }
0x1e0: {  	v0 =	vshll.u32 v0, v3  }
0x1e1: {  	v0 =	vand.u32 $0xFFFF0000, v0  }
0x1e2: {  	v0 =	vadd.f32 v0, v0;
	_ =	sdelay $0x1  }
0x1e3: {  	v0 =	vsub.f32 v1, v0;
	_ =	sdelay $0x1  }
0x1e4: {  	[tilespmem:s3+$0x14000] =	vst v0  }
0x1e5: {  	[hbm4b:s20+s1] =	stream.linear.scatter [tilespmem:s26], [sflag:$0x2], $0x2000, $0x38;
	[tilespmem:$0x1A000] =	vst v63  }
0x1e6: {  	s30 =	sadd.s32 $0x1, s30;
	_ =	swait.ge [sflag:s23], $0x2000  }
0x1e7: {  	p0 =	sne.s32 s30, s22;
	[sflag:s23] =	ssyncset.done $0x0  }
.Ltmp17:
0x1e8: {  	s31 =	simm.s32 $0x14000;
	[sflag:s23] =	ssyncadd.s32 $0xFFFFE000;
	(pc) =	sbr.rel @p0 .LBB2_1-.Ltmp17, $4  }
0x1e9: {  	[hbm4b:s21+s1] =	stream.linear.scatter [tilespmem:s31], [sflag:$0x2], $0x2000, $0x38;
	[tilespmem:$0x1A000] =	vst v63  }
0x1ea: {  	_ =	swait.ge [sflag:s23], $0x2000  }
0x1eb: {  	[sflag:s23] =	ssyncset.done $0x0  }
0x1ec: {  	[sflag:s23] =	ssyncadd.s32 $0xFFFFE000  }
0x1ed: {  	_ =	sfence.sel $0x180000  }
0x1ee: {  	[bflag:$0x0] =	sbarrier.arrive $0xFFFF  }
0x1ef: {  	_ =	strace $0x90000047  }
0x1f0: {  	s0 =	stileid.u32;
	[bflag:$0x2] =	sbarrier.arrive $0xFFFF  }
0x1f1: {  	p0 =	sne.s32 s0, $0x0;
	s0 =	rddreg [dreg:$0x1]  }
0x1f2: {  	s0 =	sadd.s32 @!p0 $0x100000, s0  }
0x1f3: {  	[sflag:s0] =	ssyncadd.tile.s32 @!p0 $0x1;
	_ =	shalt  }
.Lfunc_end2:
_tile_overlayer_lowered:
.L_overlay_start_2:
0x1f4: {  	(tag) =	ssettag $0x2  }
0x1f5: {  	s0 =	rddreg [dreg:$0x0];
	s2 =	stileid.u32  }
0x1f6: {  	s1 =	rddreg [dreg:$0x1];
	p0 =	sne.s32 s2, $0x0  }
0x1f7: {  	s3 =	rddreg [dreg:$0x2];
	[bflag:$0x3] =	sbarrier.arrive $0xFFFF;
	s2 =	simm.s32 @!p0 $0x1C02  }
0x1f8: {  	[timem:s3], [sflag:s2] =	dma.local @!p0 [hbm:s0], s1  }
0x1f9: {  	s0 =	simm.s32 @!p0 $0x2  }
0x1fa: {  	_ =	swait.ge @!p0 [sflag:s0], s1  }
0x1fb: {  	s1 =	ssub.s32 @!p0 $0x0, s1;
	[sflag:s0] =	ssyncset.done @!p0 $0x0  }
0x1fc: {  	[sflag:s0] =	ssyncadd.s32 @!p0 s1  }
0x1fd: {  	[bflag:$0x3] =	sbarrier.arrive $0xFFFF  }
0x1fe: {  	_ =	shalt  }

</sc_bundles>
